<compile_context>
chip_gen: v7x
topology: tpu7x:2x2x1
jax: 0.10.2.dev20260603
libtpu: 0.0.44.dev20260713+nightly
codegen_flags: <defaults>
</compile_context>

<pallas_src>
import functools

import jax
import jax.numpy as jnp
from jax import lax
from jax.experimental import pallas as pl
from jax.experimental.pallas import tpu as pltpu
from jax.experimental.pallas import tpu_sc as plsc

NC = 2
NS = 16
NW = NC * NS
L = 16

BATCH = 16384
DIM = 64
PDIM = 128
NROW = 100000
RPW = BATCH // NW
C = 128
NCHUNK = RPW // C

TBLK = 4096


def _transpose_body(in_ref, out_ref):
    rows = lax.broadcasted_iota(jnp.int32, (DIM, PDIM), 0)
    cols = lax.broadcasted_iota(jnp.int32, (DIM, PDIM), 1)
    eye = (rows == cols).astype(jnp.float32)
    out_ref[...] = lax.dot_general(
        in_ref[...], eye, (((0,), (0,)), ((), ())),
        preferred_element_type=jnp.float32)


def _pad_rows(table):
    nblk = (NROW + TBLK - 1) // TBLK
    return pl.pallas_call(
        _transpose_body,
        grid=(nblk,),
        in_specs=[pl.BlockSpec((DIM, TBLK), lambda i: (0, i))],
        out_specs=pl.BlockSpec((TBLK, PDIM), lambda i: (i, 0)),
        out_shape=jax.ShapeDtypeStruct((NROW, PDIM), jnp.float32),
    )(table.T)


def _term_body(hidx_hbm, ridx_hbm, tidx_hbm,
               a_hbm, b_hbm, c_hbm,
               out_hbm,
               hid_v, rid_v, tid_v,
               a_v, b_v, c_v,
               out_v, sem):
    wid = lax.axis_index("s") * NC + lax.axis_index("c")
    base = wid * RPW

    pltpu.sync_copy(hidx_hbm.at[pl.ds(base, RPW)], hid_v)
    pltpu.sync_copy(ridx_hbm.at[pl.ds(base, RPW)], rid_v)
    pltpu.sync_copy(tidx_hbm.at[pl.ds(base, RPW)], tid_v)

    lanes = lax.iota(jnp.int32, L)
    lane0 = lanes == 0

    for c in range(NCHUNK):
        off = c * C
        copies = [
            pltpu.async_copy(a_hbm.at[hid_v.at[pl.ds(off, C)]], a_v, sem),
            pltpu.async_copy(b_hbm.at[rid_v.at[pl.ds(off, C)]], b_v, sem),
            pltpu.async_copy(c_hbm.at[tid_v.at[pl.ds(off, C)]], c_v, sem),
        ]
        for cp in copies:
            cp.wait()

        def row_body(i, _, off=off):
            acc = jnp.zeros((L,), jnp.float32)
            for k in range(DIM // L):
                sl = pl.ds(k * L, L)
                acc = acc + a_v[i, sl] * b_v[i, sl] * c_v[i, sl]
            s = jnp.sum(acc)
            plsc.store_scatter(out_v,
                               [jnp.full((L,), off, jnp.int32) + i],
                               jnp.full((L,), s, jnp.float32),
                               mask=lane0)
            return 0

        lax.fori_loop(0, C, row_body, 0)

    pltpu.sync_copy(out_v, out_hbm.at[pl.ds(base, RPW)])


def _term(h_idx, r_idx, t_idx, a, b, c):
    mesh = plsc.VectorSubcoreMesh(core_axis_name="c", subcore_axis_name="s",
                                  num_cores=NC, num_subcores=NS)
    f = pl.kernel(
        _term_body,
        out_type=jax.ShapeDtypeStruct((BATCH,), jnp.float32),
        mesh=mesh,
        scratch_types=[
            pltpu.VMEM((RPW,), jnp.int32),
            pltpu.VMEM((RPW,), jnp.int32),
            pltpu.VMEM((RPW,), jnp.int32),
        ] + [pltpu.VMEM((C, PDIM), jnp.float32)] * 3 + [
            pltpu.VMEM((RPW,), jnp.float32),
            pltpu.SemaphoreType.DMA,
        ],
        compiler_params=pltpu.CompilerParams(needs_layout_passes=False),
    )
    return f(h_idx, r_idx, t_idx, a, b, c)


@jax.jit
def _tri_vec(h_idx, r_idx, t_idx, ent_1, ent_2, ent_3, rel_1, rel_2, rel_3):
    pe1 = _pad_rows(ent_1)
    pr1 = _pad_rows(rel_1)
    pe3 = _pad_rows(ent_3)
    s1 = _term(h_idx, r_idx, t_idx, pe1, pr1, pe3)
    pe2 = _pad_rows(ent_2)
    pr2 = _pad_rows(rel_2)
    s2 = _term(h_idx, r_idx, t_idx, pe2, pr2, pe2)
    pr3 = _pad_rows(rel_3)
    s3 = _term(h_idx, r_idx, t_idx, pe3, pr3, pe1)
    return s1 + s2 + s3


def kernel(data, ent_1, ent_2, ent_3, rel_1, rel_2, rel_3):
    h_idx = data[:, 0]
    r_idx = data[:, 1]
    t_idx = data[:, 2]
    return _tri_vec(h_idx, r_idx, t_idx, ent_1, ent_2, ent_3,
                    rel_1, rel_2, rel_3)

# --- scband reference (transcript-rebuilt; emitter-appended) ---
"""Pipeline reference for scband-tri-vec-31559419691322 (READ-ONLY COPY).

The authoritative reference and input builder live on the scoring server;
editing this copy changes nothing except your own understanding.
"""

import jax, jax.numpy as jnp
import numpy as np

ENT_TOTAL = 100000
REL_TOTAL = 100000
DIM = 64
BATCH = 16384


def setup_inputs(seed: int = 0) -> dict:
    key = jax.random.key(seed)
    ks = jax.random.split(key, 7)
    data = jax.random.randint(ks[0], (BATCH, 3), 0, ENT_TOTAL, dtype=jnp.int32)
    ent_1 = jax.random.normal(ks[1], (ENT_TOTAL, DIM), dtype=jnp.float32) * 0.1
    ent_2 = jax.random.normal(ks[2], (ENT_TOTAL, DIM), dtype=jnp.float32) * 0.1
    ent_3 = jax.random.normal(ks[3], (ENT_TOTAL, DIM), dtype=jnp.float32) * 0.1
    rel_1 = jax.random.normal(ks[4], (REL_TOTAL, DIM), dtype=jnp.float32) * 0.1
    rel_2 = jax.random.normal(ks[5], (REL_TOTAL, DIM), dtype=jnp.float32) * 0.1
    rel_3 = jax.random.normal(ks[6], (REL_TOTAL, DIM), dtype=jnp.float32) * 0.1
    return {"data": data, "ent_1": ent_1, "ent_2": ent_2, "ent_3": ent_3,
            "rel_1": rel_1, "rel_2": rel_2, "rel_3": rel_3}


def reference(data, ent_1, ent_2, ent_3, rel_1, rel_2, rel_3):
    h_idx = data[:, 0]
    r_idx = data[:, 1]
    t_idx = data[:, 2]
    h_1 = jnp.take(ent_1, h_idx, axis=0)
    h_2 = jnp.take(ent_2, h_idx, axis=0)
    h_3 = jnp.take(ent_3, h_idx, axis=0)
    t_1 = jnp.take(ent_1, t_idx, axis=0)
    t_2 = jnp.take(ent_2, t_idx, axis=0)
    t_3 = jnp.take(ent_3, t_idx, axis=0)
    r_1 = jnp.take(rel_1, r_idx, axis=0)
    r_2 = jnp.take(rel_2, r_idx, axis=0)
    r_3 = jnp.take(rel_3, r_idx, axis=0)
    score = ((h_1 * r_1 * t_3).sum(axis=1)
             + (h_2 * r_2 * t_2).sum(axis=1)
             + (h_3 * r_3 * t_1).sum(axis=1))
    return score

if __name__ == "__main__":
    import jax
    _d = setup_inputs()
    print(jax.jit(kernel)(*tuple(_d.values())))

</pallas_src>

<mosaic_0001>
#map = affine_map<(d0, d1) -> (0)>
#map1 = affine_map<(d0, d1) -> (0, 0)>
module attributes {stable_mosaic.version = 14 : i64} {
  func.func @_term_body(%arg0: i32, %arg1: i32, %arg2: memref<16384xi32, #tpu.memory_space<hbm>>, %arg3: memref<16384xi32, #tpu.memory_space<hbm>>, %arg4: memref<16384xi32, #tpu.memory_space<hbm>>, %arg5: memref<100000x128xf32, #tpu.memory_space<hbm>>, %arg6: memref<100000x128xf32, #tpu.memory_space<hbm>>, %arg7: memref<100000x128xf32, #tpu.memory_space<hbm>>, %arg8: memref<16384xf32, #tpu.memory_space<hbm>>, %arg9: memref<512xi32, #tpu.memory_space<vmem>>, %arg10: memref<512xi32, #tpu.memory_space<vmem>>, %arg11: memref<512xi32, #tpu.memory_space<vmem>>, %arg12: memref<128x128xf32, #tpu.memory_space<vmem>>, %arg13: memref<128x128xf32, #tpu.memory_space<vmem>>, %arg14: memref<128x128xf32, #tpu.memory_space<vmem>>, %arg15: memref<512xf32, #tpu.memory_space<vmem>>, %arg16: memref<!tpu.dma_semaphore, #tpu.memory_space<semaphore_mem>>) attributes {dimension_semantics = [#tpu.dimension_semantics<core_parallel>, #tpu.dimension_semantics<subcore_parallel>], iteration_bounds = array<i64: 2, 16>, scalar_prefetch = 0 : i64, scratch_operands = 8 : i64, tpu.core_type = #tpu.core_type<sc_vector_subcore>, window_params = [{transform_indices = #map}, {transform_indices = #map}, {transform_indices = #map}, {transform_indices = #map1}, {transform_indices = #map1}, {transform_indices = #map1}, {transform_indices = #map}]} {
    %mul3A = arith.constant 2 : i32
    %mul3A_0 = arith.muli %arg1, %mul3A : i32
    %add3A = arith.addi %mul3A_0, %arg0 : i32
    %mul3A_1 = arith.constant 512 : i32
    %mul3A_2 = arith.muli %add3A, %mul3A_1 : i32
    "tpu.region"() ({
      %run_scoped3A = tpu.sem_alloc : memref<!tpu.dma_semaphore, #tpu.memory_space<semaphore_mem>>
      %dma_start3A_150 = tpu.memref_slice %arg2[%mul3A_2] : memref<16384xi32, #tpu.memory_space<hbm>> -> memref<512xi32, #tpu.memory_space<hbm>>
      %dma_start3A_151 = tpu.memref_slice %arg2[%mul3A_2] : memref<16384xi32, #tpu.memory_space<hbm>> -> memref<512xi32, #tpu.memory_space<hbm>>
      tpu.enqueue_dma source(%dma_start3A_151 : memref<512xi32, #tpu.memory_space<hbm>>) target(%arg9 : memref<512xi32, #tpu.memory_space<vmem>>) target_semaphore(%run_scoped3A : memref<!tpu.dma_semaphore, #tpu.memory_space<semaphore_mem>>)
      %dma_wait3A_152 = tpu.memref_slice %arg2[%mul3A_2] : memref<16384xi32, #tpu.memory_space<hbm>> -> memref<512xi32, #tpu.memory_space<hbm>>
      %dma_wait3A_153 = tpu.memref_slice %arg2[%mul3A_2] : memref<16384xi32, #tpu.memory_space<hbm>> -> memref<512xi32, #tpu.memory_space<hbm>>
      tpu.wait_dma2 semaphore(%run_scoped3A : memref<!tpu.dma_semaphore, #tpu.memory_space<semaphore_mem>>) src(%dma_wait3A_153 : memref<512xi32, #tpu.memory_space<hbm>>) dst(%arg9 : memref<512xi32, #tpu.memory_space<vmem>>)
      tpu.yield
    }) : () -> ()
    "tpu.region"() ({
      %run_scoped3A = tpu.sem_alloc : memref<!tpu.dma_semaphore, #tpu.memory_space<semaphore_mem>>
      %dma_start3A_150 = tpu.memref_slice %arg3[%mul3A_2] : memref<16384xi32, #tpu.memory_space<hbm>> -> memref<512xi32, #tpu.memory_space<hbm>>
      %dma_start3A_151 = tpu.memref_slice %arg3[%mul3A_2] : memref<16384xi32, #tpu.memory_space<hbm>> -> memref<512xi32, #tpu.memory_space<hbm>>
      tpu.enqueue_dma source(%dma_start3A_151 : memref<512xi32, #tpu.memory_space<hbm>>) target(%arg10 : memref<512xi32, #tpu.memory_space<vmem>>) target_semaphore(%run_scoped3A : memref<!tpu.dma_semaphore, #tpu.memory_space<semaphore_mem>>)
      %dma_wait3A_152 = tpu.memref_slice %arg3[%mul3A_2] : memref<16384xi32, #tpu.memory_space<hbm>> -> memref<512xi32, #tpu.memory_space<hbm>>
      %dma_wait3A_153 = tpu.memref_slice %arg3[%mul3A_2] : memref<16384xi32, #tpu.memory_space<hbm>> -> memref<512xi32, #tpu.memory_space<hbm>>
      tpu.wait_dma2 semaphore(%run_scoped3A : memref<!tpu.dma_semaphore, #tpu.memory_space<semaphore_mem>>) src(%dma_wait3A_153 : memref<512xi32, #tpu.memory_space<hbm>>) dst(%arg10 : memref<512xi32, #tpu.memory_space<vmem>>)
      tpu.yield
    }) : () -> ()
    "tpu.region"() ({
      %run_scoped3A = tpu.sem_alloc : memref<!tpu.dma_semaphore, #tpu.memory_space<semaphore_mem>>
      %dma_start3A_150 = tpu.memref_slice %arg4[%mul3A_2] : memref<16384xi32, #tpu.memory_space<hbm>> -> memref<512xi32, #tpu.memory_space<hbm>>
      %dma_start3A_151 = tpu.memref_slice %arg4[%mul3A_2] : memref<16384xi32, #tpu.memory_space<hbm>> -> memref<512xi32, #tpu.memory_space<hbm>>
      tpu.enqueue_dma source(%dma_start3A_151 : memref<512xi32, #tpu.memory_space<hbm>>) target(%arg11 : memref<512xi32, #tpu.memory_space<vmem>>) target_semaphore(%run_scoped3A : memref<!tpu.dma_semaphore, #tpu.memory_space<semaphore_mem>>)
      %dma_wait3A_152 = tpu.memref_slice %arg4[%mul3A_2] : memref<16384xi32, #tpu.memory_space<hbm>> -> memref<512xi32, #tpu.memory_space<hbm>>
      %dma_wait3A_153 = tpu.memref_slice %arg4[%mul3A_2] : memref<16384xi32, #tpu.memory_space<hbm>> -> memref<512xi32, #tpu.memory_space<hbm>>
      tpu.wait_dma2 semaphore(%run_scoped3A : memref<!tpu.dma_semaphore, #tpu.memory_space<semaphore_mem>>) src(%dma_wait3A_153 : memref<512xi32, #tpu.memory_space<hbm>>) dst(%arg11 : memref<512xi32, #tpu.memory_space<vmem>>)
      tpu.yield
    }) : () -> ()
    %iota3A = tpu.iota {dimensions = array<i32: 0>} : vector<16xi32>
    %eq3A = arith.constant 0 : i32
    %eq3A_3 = vector.broadcast %eq3A : i32 to vector<16xi32>
    %eq3A_4 = arith.cmpi eq, %iota3A, %eq3A_3 : vector<16xi32>
    %dma_start3A = arith.constant 0 : i32
    %dma_start3A_5 = tpu.memref_slice %arg9[%dma_start3A] : memref<512xi32, #tpu.memory_space<vmem>> -> memref<128xi32, #tpu.memory_space<vmem>>
    %dma_start3A_6 = arith.constant 0 : i32
    %dma_start3A_7 = arith.constant 0 : i32
    %dma_start3A_8 = tpu.memref_slice %arg5[%dma_start3A_6, %dma_start3A_7] : memref<100000x128xf32, #tpu.memory_space<hbm>> -> memref<100000x128xf32, #tpu.memory_space<hbm>>
    tpu.enqueue_indirect_dma source(%dma_start3A_8 : memref<100000x128xf32, #tpu.memory_space<hbm>>) target(%arg12 : memref<128x128xf32, #tpu.memory_space<vmem>>) offsets(%dma_start3A_5 : memref<128xi32, #tpu.memory_space<vmem>>) semaphore(%arg16 : memref<!tpu.dma_semaphore, #tpu.memory_space<semaphore_mem>>)
    %dma_start3A_9 = arith.constant 0 : i32
    %dma_start3A_10 = tpu.memref_slice %arg10[%dma_start3A_9] : memref<512xi32, #tpu.memory_space<vmem>> -> memref<128xi32, #tpu.memory_space<vmem>>
    %dma_start3A_11 = arith.constant 0 : i32
    %dma_start3A_12 = arith.constant 0 : i32
    %dma_start3A_13 = tpu.memref_slice %arg6[%dma_start3A_11, %dma_start3A_12] : memref<100000x128xf32, #tpu.memory_space<hbm>> -> memref<100000x128xf32, #tpu.memory_space<hbm>>
    tpu.enqueue_indirect_dma source(%dma_start3A_13 : memref<100000x128xf32, #tpu.memory_space<hbm>>) target(%arg13 : memref<128x128xf32, #tpu.memory_space<vmem>>) offsets(%dma_start3A_10 : memref<128xi32, #tpu.memory_space<vmem>>) semaphore(%arg16 : memref<!tpu.dma_semaphore, #tpu.memory_space<semaphore_mem>>)
    %dma_start3A_14 = arith.constant 0 : i32
    %dma_start3A_15 = tpu.memref_slice %arg11[%dma_start3A_14] : memref<512xi32, #tpu.memory_space<vmem>> -> memref<128xi32, #tpu.memory_space<vmem>>
    %dma_start3A_16 = arith.constant 0 : i32
    %dma_start3A_17 = arith.constant 0 : i32
    %dma_start3A_18 = tpu.memref_slice %arg7[%dma_start3A_16, %dma_start3A_17] : memref<100000x128xf32, #tpu.memory_space<hbm>> -> memref<100000x128xf32, #tpu.memory_space<hbm>>
    tpu.enqueue_indirect_dma source(%dma_start3A_18 : memref<100000x128xf32, #tpu.memory_space<hbm>>) target(%arg14 : memref<128x128xf32, #tpu.memory_space<vmem>>) offsets(%dma_start3A_15 : memref<128xi32, #tpu.memory_space<vmem>>) semaphore(%arg16 : memref<!tpu.dma_semaphore, #tpu.memory_space<semaphore_mem>>)
    %dma_wait3A = arith.constant 0 : i32
    %dma_wait3A_19 = tpu.memref_slice %arg9[%dma_wait3A] : memref<512xi32, #tpu.memory_space<vmem>> -> memref<128xi32, #tpu.memory_space<vmem>>
    %dma_wait3A_20 = arith.constant 0 : i32
    %dma_wait3A_21 = arith.constant 0 : i32
    %dma_wait3A_22 = tpu.memref_slice %arg5[%dma_wait3A_20, %dma_wait3A_21] : memref<100000x128xf32, #tpu.memory_space<hbm>> -> memref<100000x128xf32, #tpu.memory_space<hbm>>
    tpu.wait_indirect_dma semaphore(%arg16 : memref<!tpu.dma_semaphore, #tpu.memory_space<semaphore_mem>>) src(%dma_wait3A_22 : memref<100000x128xf32, #tpu.memory_space<hbm>>) dst(%arg12 : memref<128x128xf32, #tpu.memory_space<vmem>>)
    %dma_wait3A_23 = arith.constant 0 : i32
    %dma_wait3A_24 = tpu.memref_slice %arg10[%dma_wait3A_23] : memref<512xi32, #tpu.memory_space<vmem>> -> memref<128xi32, #tpu.memory_space<vmem>>
    %dma_wait3A_25 = arith.constant 0 : i32
    %dma_wait3A_26 = arith.constant 0 : i32
    %dma_wait3A_27 = tpu.memref_slice %arg6[%dma_wait3A_25, %dma_wait3A_26] : memref<100000x128xf32, #tpu.memory_space<hbm>> -> memref<100000x128xf32, #tpu.memory_space<hbm>>
    tpu.wait_indirect_dma semaphore(%arg16 : memref<!tpu.dma_semaphore, #tpu.memory_space<semaphore_mem>>) src(%dma_wait3A_27 : memref<100000x128xf32, #tpu.memory_space<hbm>>) dst(%arg13 : memref<128x128xf32, #tpu.memory_space<vmem>>)
    %dma_wait3A_28 = arith.constant 0 : i32
    %dma_wait3A_29 = tpu.memref_slice %arg11[%dma_wait3A_28] : memref<512xi32, #tpu.memory_space<vmem>> -> memref<128xi32, #tpu.memory_space<vmem>>
    %dma_wait3A_30 = arith.constant 0 : i32
    %dma_wait3A_31 = arith.constant 0 : i32
    %dma_wait3A_32 = tpu.memref_slice %arg7[%dma_wait3A_30, %dma_wait3A_31] : memref<100000x128xf32, #tpu.memory_space<hbm>> -> memref<100000x128xf32, #tpu.memory_space<hbm>>
    tpu.wait_indirect_dma semaphore(%arg16 : memref<!tpu.dma_semaphore, #tpu.memory_space<semaphore_mem>>) src(%dma_wait3A_32 : memref<100000x128xf32, #tpu.memory_space<hbm>>) dst(%arg14 : memref<128x128xf32, #tpu.memory_space<vmem>>)
    %scan3A = arith.constant 0 : i32
    %scan3A_33 = arith.constant 0 : i32
    %scan3A_34 = arith.constant 128 : i32
    %scan3A_35 = arith.addi %scan3A_33, %scan3A_34 : i32
    %scan3A_36 = arith.constant 1 : i32
    %scan3A_37 = scf.for %scan3A_150 = %scan3A_33 to %scan3A_35 step %scan3A_36 iter_args(%scan3A_151 = %scan3A) -> (i32)  : i32 {
      %broadcast_in_dim3A = arith.constant 0.000000e+00 : f32
      %broadcast_in_dim3A_152 = vector.broadcast %broadcast_in_dim3A : f32 to vector<16xf32>
      %get3A = arith.index_cast %scan3A_150 : i32 to index
      %get3A_153 = arith.constant 0 : index
      %get3A_154 = tpu.vector_load %arg12[%get3A, %get3A_153] {strides = array<i32>} : memref<128x128xf32, #tpu.memory_space<vmem>>, vector<16xf32>,
      %get3A_155 = arith.index_cast %scan3A_150 : i32 to index
      %get3A_156 = arith.constant 0 : index
      %get3A_157 = tpu.vector_load %arg13[%get3A_155, %get3A_156] {strides = array<i32>} : memref<128x128xf32, #tpu.memory_space<vmem>>, vector<16xf32>,
      %mul3A_158 = arith.mulf %get3A_154, %get3A_157 : vector<16xf32>
      %get3A_159 = arith.index_cast %scan3A_150 : i32 to index
      %get3A_160 = arith.constant 0 : index
      %get3A_161 = tpu.vector_load %arg14[%get3A_159, %get3A_160] {strides = array<i32>} : memref<128x128xf32, #tpu.memory_space<vmem>>, vector<16xf32>,
      %mul3A_162 = arith.mulf %mul3A_158, %get3A_161 : vector<16xf32>
      %add3A_163 = arith.addf %broadcast_in_dim3A_152, %mul3A_162 : vector<16xf32>
      %get3A_164 = arith.index_cast %scan3A_150 : i32 to index
      %get3A_165 = arith.constant 16 : index
      %get3A_166 = tpu.vector_load %arg12[%get3A_164, %get3A_165] {strides = array<i32>} : memref<128x128xf32, #tpu.memory_space<vmem>>, vector<16xf32>,
      %get3A_167 = arith.index_cast %scan3A_150 : i32 to index
      %get3A_168 = arith.constant 16 : index
      %get3A_169 = tpu.vector_load %arg13[%get3A_167, %get3A_168] {strides = array<i32>} : memref<128x128xf32, #tpu.memory_space<vmem>>, vector<16xf32>,
      %mul3A_170 = arith.mulf %get3A_166, %get3A_169 : vector<16xf32>
      %get3A_171 = arith.index_cast %scan3A_150 : i32 to index
      %get3A_172 = arith.constant 16 : index
      %get3A_173 = tpu.vector_load %arg14[%get3A_171, %get3A_172] {strides = array<i32>} : memref<128x128xf32, #tpu.memory_space<vmem>>, vector<16xf32>,
      %mul3A_174 = arith.mulf %mul3A_170, %get3A_173 : vector<16xf32>
      %add3A_175 = arith.addf %add3A_163, %mul3A_174 : vector<16xf32>
      %get3A_176 = arith.index_cast %scan3A_150 : i32 to index
      %get3A_177 = arith.constant 32 : index
      %get3A_178 = tpu.vector_load %arg12[%get3A_176, %get3A_177] {strides = array<i32>} : memref<128x128xf32, #tpu.memory_space<vmem>>, vector<16xf32>,
      %get3A_179 = arith.index_cast %scan3A_150 : i32 to index
      %get3A_180 = arith.constant 32 : index
      %get3A_181 = tpu.vector_load %arg13[%get3A_179, %get3A_180] {strides = array<i32>} : memref<128x128xf32, #tpu.memory_space<vmem>>, vector<16xf32>,
      %mul3A_182 = arith.mulf %get3A_178, %get3A_181 : vector<16xf32>
      %get3A_183 = arith.index_cast %scan3A_150 : i32 to index
      %get3A_184 = arith.constant 32 : index
      %get3A_185 = tpu.vector_load %arg14[%get3A_183, %get3A_184] {strides = array<i32>} : memref<128x128xf32, #tpu.memory_space<vmem>>, vector<16xf32>,
      %mul3A_186 = arith.mulf %mul3A_182, %get3A_185 : vector<16xf32>
      %add3A_187 = arith.addf %add3A_175, %mul3A_186 : vector<16xf32>
      %get3A_188 = arith.index_cast %scan3A_150 : i32 to index
      %get3A_189 = arith.constant 48 : index
      %get3A_190 = tpu.vector_load %arg12[%get3A_188, %get3A_189] {strides = array<i32>} : memref<128x128xf32, #tpu.memory_space<vmem>>, vector<16xf32>,
      %get3A_191 = arith.index_cast %scan3A_150 : i32 to index
      %get3A_192 = arith.constant 48 : index
      %get3A_193 = tpu.vector_load %arg13[%get3A_191, %get3A_192] {strides = array<i32>} : memref<128x128xf32, #tpu.memory_space<vmem>>, vector<16xf32>,
      %mul3A_194 = arith.mulf %get3A_190, %get3A_193 : vector<16xf32>
      %get3A_195 = arith.index_cast %scan3A_150 : i32 to index
      %get3A_196 = arith.constant 48 : index
      %get3A_197 = tpu.vector_load %arg14[%get3A_195, %get3A_196] {strides = array<i32>} : memref<128x128xf32, #tpu.memory_space<vmem>>, vector<16xf32>,
      %mul3A_198 = arith.mulf %mul3A_194, %get3A_197 : vector<16xf32>
      %add3A_199 = arith.addf %add3A_187, %mul3A_198 : vector<16xf32>
      %reduce_sum3A = arith.constant true
      %reduce_sum3A_200 = vector.broadcast %reduce_sum3A : i1 to vector<16xi1>
      %reduce_sum3A_201 = tpu.scan <sum>, %add3A_199 masked %reduce_sum3A_200 : vector<16xf32>, vector<16xi1> -> vector<16xf32>
      %reduce_sum3A_202 = vector.extract %reduce_sum3A_201[15] : f32 from vector<16xf32>
      %broadcast_in_dim3A_203 = arith.constant 0 : i32
      %broadcast_in_dim3A_204 = vector.broadcast %broadcast_in_dim3A_203 : i32 to vector<16xi32>
      %add3A_205 = vector.broadcast %scan3A_150 : i32 to vector<16xi32>
      %add3A_206 = arith.addi %broadcast_in_dim3A_204, %add3A_205 : vector<16xi32>
      %broadcast_in_dim3A_207 = vector.broadcast %reduce_sum3A_202 : f32 to vector<16xf32>
      tpu.vector_store_idx %arg15[%add3A_206], %broadcast_in_dim3A_207 masked %eq3A_4 : memref<512xf32, #tpu.memory_space<vmem>>[vector<16xi32>], vector<16xf32>, vector<16xi1>
      %scan3A_208 = arith.constant 0 : i32
      scf.yield %scan3A_208 : i32
    }
    %scan3A_38 = arith.constant 128 : i32
    %dma_start3A_39 = arith.constant 128 : i32
    %dma_start3A_40 = tpu.memref_slice %arg9[%dma_start3A_39] : memref<512xi32, #tpu.memory_space<vmem>> -> memref<128xi32, #tpu.memory_space<vmem>>
    %dma_start3A_41 = arith.constant 0 : i32
    %dma_start3A_42 = arith.constant 0 : i32
    %dma_start3A_43 = tpu.memref_slice %arg5[%dma_start3A_41, %dma_start3A_42] : memref<100000x128xf32, #tpu.memory_space<hbm>> -> memref<100000x128xf32, #tpu.memory_space<hbm>>
    tpu.enqueue_indirect_dma source(%dma_start3A_43 : memref<100000x128xf32, #tpu.memory_space<hbm>>) target(%arg12 : memref<128x128xf32, #tpu.memory_space<vmem>>) offsets(%dma_start3A_40 : memref<128xi32, #tpu.memory_space<vmem>>) semaphore(%arg16 : memref<!tpu.dma_semaphore, #tpu.memory_space<semaphore_mem>>)
    %dma_start3A_44 = arith.constant 128 : i32
    %dma_start3A_45 = tpu.memref_slice %arg10[%dma_start3A_44] : memref<512xi32, #tpu.memory_space<vmem>> -> memref<128xi32, #tpu.memory_space<vmem>>
    %dma_start3A_46 = arith.constant 0 : i32
    %dma_start3A_47 = arith.constant 0 : i32
    %dma_start3A_48 = tpu.memref_slice %arg6[%dma_start3A_46, %dma_start3A_47] : memref<100000x128xf32, #tpu.memory_space<hbm>> -> memref<100000x128xf32, #tpu.memory_space<hbm>>
    tpu.enqueue_indirect_dma source(%dma_start3A_48 : memref<100000x128xf32, #tpu.memory_space<hbm>>) target(%arg13 : memref<128x128xf32, #tpu.memory_space<vmem>>) offsets(%dma_start3A_45 : memref<128xi32, #tpu.memory_space<vmem>>) semaphore(%arg16 : memref<!tpu.dma_semaphore, #tpu.memory_space<semaphore_mem>>)
    %dma_start3A_49 = arith.constant 128 : i32
    %dma_start3A_50 = tpu.memref_slice %arg11[%dma_start3A_49] : memref<512xi32, #tpu.memory_space<vmem>> -> memref<128xi32, #tpu.memory_space<vmem>>
    %dma_start3A_51 = arith.constant 0 : i32
    %dma_start3A_52 = arith.constant 0 : i32
    %dma_start3A_53 = tpu.memref_slice %arg7[%dma_start3A_51, %dma_start3A_52] : memref<100000x128xf32, #tpu.memory_space<hbm>> -> memref<100000x128xf32, #tpu.memory_space<hbm>>
    tpu.enqueue_indirect_dma source(%dma_start3A_53 : memref<100000x128xf32, #tpu.memory_space<hbm>>) target(%arg14 : memref<128x128xf32, #tpu.memory_space<vmem>>) offsets(%dma_start3A_50 : memref<128xi32, #tpu.memory_space<vmem>>) semaphore(%arg16 : memref<!tpu.dma_semaphore, #tpu.memory_space<semaphore_mem>>)
    %dma_wait3A_54 = arith.constant 128 : i32
    %dma_wait3A_55 = tpu.memref_slice %arg9[%dma_wait3A_54] : memref<512xi32, #tpu.memory_space<vmem>> -> memref<128xi32, #tpu.memory_space<vmem>>
    %dma_wait3A_56 = arith.constant 0 : i32
    %dma_wait3A_57 = arith.constant 0 : i32
    %dma_wait3A_58 = tpu.memref_slice %arg5[%dma_wait3A_56, %dma_wait3A_57] : memref<100000x128xf32, #tpu.memory_space<hbm>> -> memref<100000x128xf32, #tpu.memory_space<hbm>>
    tpu.wait_indirect_dma semaphore(%arg16 : memref<!tpu.dma_semaphore, #tpu.memory_space<semaphore_mem>>) src(%dma_wait3A_58 : memref<100000x128xf32, #tpu.memory_space<hbm>>) dst(%arg12 : memref<128x128xf32, #tpu.memory_space<vmem>>)
    %dma_wait3A_59 = arith.constant 128 : i32
    %dma_wait3A_60 = tpu.memref_slice %arg10[%dma_wait3A_59] : memref<512xi32, #tpu.memory_space<vmem>> -> memref<128xi32, #tpu.memory_space<vmem>>
    %dma_wait3A_61 = arith.constant 0 : i32
    %dma_wait3A_62 = arith.constant 0 : i32
    %dma_wait3A_63 = tpu.memref_slice %arg6[%dma_wait3A_61, %dma_wait3A_62] : memref<100000x128xf32, #tpu.memory_space<hbm>> -> memref<100000x128xf32, #tpu.memory_space<hbm>>
    tpu.wait_indirect_dma semaphore(%arg16 : memref<!tpu.dma_semaphore, #tpu.memory_space<semaphore_mem>>) src(%dma_wait3A_63 : memref<100000x128xf32, #tpu.memory_space<hbm>>) dst(%arg13 : memref<128x128xf32, #tpu.memory_space<vmem>>)
    %dma_wait3A_64 = arith.constant 128 : i32
    %dma_wait3A_65 = tpu.memref_slice %arg11[%dma_wait3A_64] : memref<512xi32, #tpu.memory_space<vmem>> -> memref<128xi32, #tpu.memory_space<vmem>>
    %dma_wait3A_66 = arith.constant 0 : i32
    %dma_wait3A_67 = arith.constant 0 : i32
    %dma_wait3A_68 = tpu.memref_slice %arg7[%dma_wait3A_66, %dma_wait3A_67] : memref<100000x128xf32, #tpu.memory_space<hbm>> -> memref<100000x128xf32, #tpu.memory_space<hbm>>
    tpu.wait_indirect_dma semaphore(%arg16 : memref<!tpu.dma_semaphore, #tpu.memory_space<semaphore_mem>>) src(%dma_wait3A_68 : memref<100000x128xf32, #tpu.memory_space<hbm>>) dst(%arg14 : memref<128x128xf32, #tpu.memory_space<vmem>>)
    %scan3A_69 = arith.constant 0 : i32
    %scan3A_70 = arith.constant 0 : i32
    %scan3A_71 = arith.constant 128 : i32
    %scan3A_72 = arith.addi %scan3A_70, %scan3A_71 : i32
    %scan3A_73 = arith.constant 1 : i32
    %scan3A_74 = scf.for %scan3A_150 = %scan3A_70 to %scan3A_72 step %scan3A_73 iter_args(%scan3A_151 = %scan3A_69) -> (i32)  : i32 {
      %broadcast_in_dim3A = arith.constant 0.000000e+00 : f32
      %broadcast_in_dim3A_152 = vector.broadcast %broadcast_in_dim3A : f32 to vector<16xf32>
      %get3A = arith.index_cast %scan3A_150 : i32 to index
      %get3A_153 = arith.constant 0 : index
      %get3A_154 = tpu.vector_load %arg12[%get3A, %get3A_153] {strides = array<i32>} : memref<128x128xf32, #tpu.memory_space<vmem>>, vector<16xf32>,
      %get3A_155 = arith.index_cast %scan3A_150 : i32 to index
      %get3A_156 = arith.constant 0 : index
      %get3A_157 = tpu.vector_load %arg13[%get3A_155, %get3A_156] {strides = array<i32>} : memref<128x128xf32, #tpu.memory_space<vmem>>, vector<16xf32>,
      %mul3A_158 = arith.mulf %get3A_154, %get3A_157 : vector<16xf32>
      %get3A_159 = arith.index_cast %scan3A_150 : i32 to index
      %get3A_160 = arith.constant 0 : index
      %get3A_161 = tpu.vector_load %arg14[%get3A_159, %get3A_160] {strides = array<i32>} : memref<128x128xf32, #tpu.memory_space<vmem>>, vector<16xf32>,
      %mul3A_162 = arith.mulf %mul3A_158, %get3A_161 : vector<16xf32>
      %add3A_163 = arith.addf %broadcast_in_dim3A_152, %mul3A_162 : vector<16xf32>
      %get3A_164 = arith.index_cast %scan3A_150 : i32 to index
      %get3A_165 = arith.constant 16 : index
      %get3A_166 = tpu.vector_load %arg12[%get3A_164, %get3A_165] {strides = array<i32>} : memref<128x128xf32, #tpu.memory_space<vmem>>, vector<16xf32>,
      %get3A_167 = arith.index_cast %scan3A_150 : i32 to index
      %get3A_168 = arith.constant 16 : index
      %get3A_169 = tpu.vector_load %arg13[%get3A_167, %get3A_168] {strides = array<i32>} : memref<128x128xf32, #tpu.memory_space<vmem>>, vector<16xf32>,
      %mul3A_170 = arith.mulf %get3A_166, %get3A_169 : vector<16xf32>
      %get3A_171 = arith.index_cast %scan3A_150 : i32 to index
      %get3A_172 = arith.constant 16 : index
      %get3A_173 = tpu.vector_load %arg14[%get3A_171, %get3A_172] {strides = array<i32>} : memref<128x128xf32, #tpu.memory_space<vmem>>, vector<16xf32>,
      %mul3A_174 = arith.mulf %mul3A_170, %get3A_173 : vector<16xf32>
      %add3A_175 = arith.addf %add3A_163, %mul3A_174 : vector<16xf32>
      %get3A_176 = arith.index_cast %scan3A_150 : i32 to index
      %get3A_177 = arith.constant 32 : index
      %get3A_178 = tpu.vector_load %arg12[%get3A_176, %get3A_177] {strides = array<i32>} : memref<128x128xf32, #tpu.memory_space<vmem>>, vector<16xf32>,
      %get3A_179 = arith.index_cast %scan3A_150 : i32 to index
      %get3A_180 = arith.constant 32 : index
      %get3A_181 = tpu.vector_load %arg13[%get3A_179, %get3A_180] {strides = array<i32>} : memref<128x128xf32, #tpu.memory_space<vmem>>, vector<16xf32>,
      %mul3A_182 = arith.mulf %get3A_178, %get3A_181 : vector<16xf32>
      %get3A_183 = arith.index_cast %scan3A_150 : i32 to index
      %get3A_184 = arith.constant 32 : index
      %get3A_185 = tpu.vector_load %arg14[%get3A_183, %get3A_184] {strides = array<i32>} : memref<128x128xf32, #tpu.memory_space<vmem>>, vector<16xf32>,
      %mul3A_186 = arith.mulf %mul3A_182, %get3A_185 : vector<16xf32>
      %add3A_187 = arith.addf %add3A_175, %mul3A_186 : vector<16xf32>
      %get3A_188 = arith.index_cast %scan3A_150 : i32 to index
      %get3A_189 = arith.constant 48 : index
      %get3A_190 = tpu.vector_load %arg12[%get3A_188, %get3A_189] {strides = array<i32>} : memref<128x128xf32, #tpu.memory_space<vmem>>, vector<16xf32>,
      %get3A_191 = arith.index_cast %scan3A_150 : i32 to index
      %get3A_192 = arith.constant 48 : index
      %get3A_193 = tpu.vector_load %arg13[%get3A_191, %get3A_192] {strides = array<i32>} : memref<128x128xf32, #tpu.memory_space<vmem>>, vector<16xf32>,
      %mul3A_194 = arith.mulf %get3A_190, %get3A_193 : vector<16xf32>
      %get3A_195 = arith.index_cast %scan3A_150 : i32 to index
      %get3A_196 = arith.constant 48 : index
      %get3A_197 = tpu.vector_load %arg14[%get3A_195, %get3A_196] {strides = array<i32>} : memref<128x128xf32, #tpu.memory_space<vmem>>, vector<16xf32>,
      %mul3A_198 = arith.mulf %mul3A_194, %get3A_197 : vector<16xf32>
      %add3A_199 = arith.addf %add3A_187, %mul3A_198 : vector<16xf32>
      %reduce_sum3A = arith.constant true
      %reduce_sum3A_200 = vector.broadcast %reduce_sum3A : i1 to vector<16xi1>
      %reduce_sum3A_201 = tpu.scan <sum>, %add3A_199 masked %reduce_sum3A_200 : vector<16xf32>, vector<16xi1> -> vector<16xf32>
      %reduce_sum3A_202 = vector.extract %reduce_sum3A_201[15] : f32 from vector<16xf32>
      %broadcast_in_dim3A_203 = arith.constant 128 : i32
      %broadcast_in_dim3A_204 = vector.broadcast %broadcast_in_dim3A_203 : i32 to vector<16xi32>
      %add3A_205 = vector.broadcast %scan3A_150 : i32 to vector<16xi32>
      %add3A_206 = arith.addi %broadcast_in_dim3A_204, %add3A_205 : vector<16xi32>
      %broadcast_in_dim3A_207 = vector.broadcast %reduce_sum3A_202 : f32 to vector<16xf32>
      tpu.vector_store_idx %arg15[%add3A_206], %broadcast_in_dim3A_207 masked %eq3A_4 : memref<512xf32, #tpu.memory_space<vmem>>[vector<16xi32>], vector<16xf32>, vector<16xi1>
      %scan3A_208 = arith.constant 0 : i32
      scf.yield %scan3A_208 : i32
    }
    %scan3A_75 = arith.constant 128 : i32
    %dma_start3A_76 = arith.constant 256 : i32
    %dma_start3A_77 = tpu.memref_slice %arg9[%dma_start3A_76] : memref<512xi32, #tpu.memory_space<vmem>> -> memref<128xi32, #tpu.memory_space<vmem>>
    %dma_start3A_78 = arith.constant 0 : i32
    %dma_start3A_79 = arith.constant 0 : i32
    %dma_start3A_80 = tpu.memref_slice %arg5[%dma_start3A_78, %dma_start3A_79] : memref<100000x128xf32, #tpu.memory_space<hbm>> -> memref<100000x128xf32, #tpu.memory_space<hbm>>
    tpu.enqueue_indirect_dma source(%dma_start3A_80 : memref<100000x128xf32, #tpu.memory_space<hbm>>) target(%arg12 : memref<128x128xf32, #tpu.memory_space<vmem>>) offsets(%dma_start3A_77 : memref<128xi32, #tpu.memory_space<vmem>>) semaphore(%arg16 : memref<!tpu.dma_semaphore, #tpu.memory_space<semaphore_mem>>)
    %dma_start3A_81 = arith.constant 256 : i32
    %dma_start3A_82 = tpu.memref_slice %arg10[%dma_start3A_81] : memref<512xi32, #tpu.memory_space<vmem>> -> memref<128xi32, #tpu.memory_space<vmem>>
    %dma_start3A_83 = arith.constant 0 : i32
    %dma_start3A_84 = arith.constant 0 : i32
    %dma_start3A_85 = tpu.memref_slice %arg6[%dma_start3A_83, %dma_start3A_84] : memref<100000x128xf32, #tpu.memory_space<hbm>> -> memref<100000x128xf32, #tpu.memory_space<hbm>>
    tpu.enqueue_indirect_dma source(%dma_start3A_85 : memref<100000x128xf32, #tpu.memory_space<hbm>>) target(%arg13 : memref<128x128xf32, #tpu.memory_space<vmem>>) offsets(%dma_start3A_82 : memref<128xi32, #tpu.memory_space<vmem>>) semaphore(%arg16 : memref<!tpu.dma_semaphore, #tpu.memory_space<semaphore_mem>>)
    %dma_start3A_86 = arith.constant 256 : i32
    %dma_start3A_87 = tpu.memref_slice %arg11[%dma_start3A_86] : memref<512xi32, #tpu.memory_space<vmem>> -> memref<128xi32, #tpu.memory_space<vmem>>
    %dma_start3A_88 = arith.constant 0 : i32
    %dma_start3A_89 = arith.constant 0 : i32
    %dma_start3A_90 = tpu.memref_slice %arg7[%dma_start3A_88, %dma_start3A_89] : memref<100000x128xf32, #tpu.memory_space<hbm>> -> memref<100000x128xf32, #tpu.memory_space<hbm>>
    tpu.enqueue_indirect_dma source(%dma_start3A_90 : memref<100000x128xf32, #tpu.memory_space<hbm>>) target(%arg14 : memref<128x128xf32, #tpu.memory_space<vmem>>) offsets(%dma_start3A_87 : memref<128xi32, #tpu.memory_space<vmem>>) semaphore(%arg16 : memref<!tpu.dma_semaphore, #tpu.memory_space<semaphore_mem>>)
    %dma_wait3A_91 = arith.constant 256 : i32
    %dma_wait3A_92 = tpu.memref_slice %arg9[%dma_wait3A_91] : memref<512xi32, #tpu.memory_space<vmem>> -> memref<128xi32, #tpu.memory_space<vmem>>
    %dma_wait3A_93 = arith.constant 0 : i32
    %dma_wait3A_94 = arith.constant 0 : i32
    %dma_wait3A_95 = tpu.memref_slice %arg5[%dma_wait3A_93, %dma_wait3A_94] : memref<100000x128xf32, #tpu.memory_space<hbm>> -> memref<100000x128xf32, #tpu.memory_space<hbm>>
    tpu.wait_indirect_dma semaphore(%arg16 : memref<!tpu.dma_semaphore, #tpu.memory_space<semaphore_mem>>) src(%dma_wait3A_95 : memref<100000x128xf32, #tpu.memory_space<hbm>>) dst(%arg12 : memref<128x128xf32, #tpu.memory_space<vmem>>)
    %dma_wait3A_96 = arith.constant 256 : i32
    %dma_wait3A_97 = tpu.memref_slice %arg10[%dma_wait3A_96] : memref<512xi32, #tpu.memory_space<vmem>> -> memref<128xi32, #tpu.memory_space<vmem>>
    %dma_wait3A_98 = arith.constant 0 : i32
    %dma_wait3A_99 = arith.constant 0 : i32
    %dma_wait3A_100 = tpu.memref_slice %arg6[%dma_wait3A_98, %dma_wait3A_99] : memref<100000x128xf32, #tpu.memory_space<hbm>> -> memref<100000x128xf32, #tpu.memory_space<hbm>>
    tpu.wait_indirect_dma semaphore(%arg16 : memref<!tpu.dma_semaphore, #tpu.memory_space<semaphore_mem>>) src(%dma_wait3A_100 : memref<100000x128xf32, #tpu.memory_space<hbm>>) dst(%arg13 : memref<128x128xf32, #tpu.memory_space<vmem>>)
    %dma_wait3A_101 = arith.constant 256 : i32
    %dma_wait3A_102 = tpu.memref_slice %arg11[%dma_wait3A_101] : memref<512xi32, #tpu.memory_space<vmem>> -> memref<128xi32, #tpu.memory_space<vmem>>
    %dma_wait3A_103 = arith.constant 0 : i32
    %dma_wait3A_104 = arith.constant 0 : i32
    %dma_wait3A_105 = tpu.memref_slice %arg7[%dma_wait3A_103, %dma_wait3A_104] : memref<100000x128xf32, #tpu.memory_space<hbm>> -> memref<100000x128xf32, #tpu.memory_space<hbm>>
    tpu.wait_indirect_dma semaphore(%arg16 : memref<!tpu.dma_semaphore, #tpu.memory_space<semaphore_mem>>) src(%dma_wait3A_105 : memref<100000x128xf32, #tpu.memory_space<hbm>>) dst(%arg14 : memref<128x128xf32, #tpu.memory_space<vmem>>)
    %scan3A_106 = arith.constant 0 : i32
    %scan3A_107 = arith.constant 0 : i32
    %scan3A_108 = arith.constant 128 : i32
    %scan3A_109 = arith.addi %scan3A_107, %scan3A_108 : i32
    %scan3A_110 = arith.constant 1 : i32
    %scan3A_111 = scf.for %scan3A_150 = %scan3A_107 to %scan3A_109 step %scan3A_110 iter_args(%scan3A_151 = %scan3A_106) -> (i32)  : i32 {
      %broadcast_in_dim3A = arith.constant 0.000000e+00 : f32
      %broadcast_in_dim3A_152 = vector.broadcast %broadcast_in_dim3A : f32 to vector<16xf32>
      %get3A = arith.index_cast %scan3A_150 : i32 to index
      %get3A_153 = arith.constant 0 : index
      %get3A_154 = tpu.vector_load %arg12[%get3A, %get3A_153] {strides = array<i32>} : memref<128x128xf32, #tpu.memory_space<vmem>>, vector<16xf32>,
      %get3A_155 = arith.index_cast %scan3A_150 : i32 to index
      %get3A_156 = arith.constant 0 : index
      %get3A_157 = tpu.vector_load %arg13[%get3A_155, %get3A_156] {strides = array<i32>} : memref<128x128xf32, #tpu.memory_space<vmem>>, vector<16xf32>,
      %mul3A_158 = arith.mulf %get3A_154, %get3A_157 : vector<16xf32>
      %get3A_159 = arith.index_cast %scan3A_150 : i32 to index
      %get3A_160 = arith.constant 0 : index
      %get3A_161 = tpu.vector_load %arg14[%get3A_159, %get3A_160] {strides = array<i32>} : memref<128x128xf32, #tpu.memory_space<vmem>>, vector<16xf32>,
      %mul3A_162 = arith.mulf %mul3A_158, %get3A_161 : vector<16xf32>
      %add3A_163 = arith.addf %broadcast_in_dim3A_152, %mul3A_162 : vector<16xf32>
      %get3A_164 = arith.index_cast %scan3A_150 : i32 to index
      %get3A_165 = arith.constant 16 : index
      %get3A_166 = tpu.vector_load %arg12[%get3A_164, %get3A_165] {strides = array<i32>} : memref<128x128xf32, #tpu.memory_space<vmem>>, vector<16xf32>,
      %get3A_167 = arith.index_cast %scan3A_150 : i32 to index
      %get3A_168 = arith.constant 16 : index
      %get3A_169 = tpu.vector_load %arg13[%get3A_167, %get3A_168] {strides = array<i32>} : memref<128x128xf32, #tpu.memory_space<vmem>>, vector<16xf32>,
      %mul3A_170 = arith.mulf %get3A_166, %get3A_169 : vector<16xf32>
      %get3A_171 = arith.index_cast %scan3A_150 : i32 to index
      %get3A_172 = arith.constant 16 : index
      %get3A_173 = tpu.vector_load %arg14[%get3A_171, %get3A_172] {strides = array<i32>} : memref<128x128xf32, #tpu.memory_space<vmem>>, vector<16xf32>,
      %mul3A_174 = arith.mulf %mul3A_170, %get3A_173 : vector<16xf32>
      %add3A_175 = arith.addf %add3A_163, %mul3A_174 : vector<16xf32>
      %get3A_176 = arith.index_cast %scan3A_150 : i32 to index
      %get3A_177 = arith.constant 32 : index
      %get3A_178 = tpu.vector_load %arg12[%get3A_176, %get3A_177] {strides = array<i32>} : memref<128x128xf32, #tpu.memory_space<vmem>>, vector<16xf32>,
      %get3A_179 = arith.index_cast %scan3A_150 : i32 to index
      %get3A_180 = arith.constant 32 : index
      %get3A_181 = tpu.vector_load %arg13[%get3A_179, %get3A_180] {strides = array<i32>} : memref<128x128xf32, #tpu.memory_space<vmem>>, vector<16xf32>,
      %mul3A_182 = arith.mulf %get3A_178, %get3A_181 : vector<16xf32>
      %get3A_183 = arith.index_cast %scan3A_150 : i32 to index
      %get3A_184 = arith.constant 32 : index
      %get3A_185 = tpu.vector_load %arg14[%get3A_183, %get3A_184] {strides = array<i32>} : memref<128x128xf32, #tpu.memory_space<vmem>>, vector<16xf32>,
      %mul3A_186 = arith.mulf %mul3A_182, %get3A_185 : vector<16xf32>
      %add3A_187 = arith.addf %add3A_175, %mul3A_186 : vector<16xf32>
      %get3A_188 = arith.index_cast %scan3A_150 : i32 to index
      %get3A_189 = arith.constant 48 : index
      %get3A_190 = tpu.vector_load %arg12[%get3A_188, %get3A_189] {strides = array<i32>} : memref<128x128xf32, #tpu.memory_space<vmem>>, vector<16xf32>,
      %get3A_191 = arith.index_cast %scan3A_150 : i32 to index
      %get3A_192 = arith.constant 48 : index
      %get3A_193 = tpu.vector_load %arg13[%get3A_191, %get3A_192] {strides = array<i32>} : memref<128x128xf32, #tpu.memory_space<vmem>>, vector<16xf32>,
      %mul3A_194 = arith.mulf %get3A_190, %get3A_193 : vector<16xf32>
      %get3A_195 = arith.index_cast %scan3A_150 : i32 to index
      %get3A_196 = arith.constant 48 : index
      %get3A_197 = tpu.vector_load %arg14[%get3A_195, %get3A_196] {strides = array<i32>} : memref<128x128xf32, #tpu.memory_space<vmem>>, vector<16xf32>,
      %mul3A_198 = arith.mulf %mul3A_194, %get3A_197 : vector<16xf32>
      %add3A_199 = arith.addf %add3A_187, %mul3A_198 : vector<16xf32>
      %reduce_sum3A = arith.constant true
      %reduce_sum3A_200 = vector.broadcast %reduce_sum3A : i1 to vector<16xi1>
      %reduce_sum3A_201 = tpu.scan <sum>, %add3A_199 masked %reduce_sum3A_200 : vector<16xf32>, vector<16xi1> -> vector<16xf32>
      %reduce_sum3A_202 = vector.extract %reduce_sum3A_201[15] : f32 from vector<16xf32>
      %broadcast_in_dim3A_203 = arith.constant 256 : i32
      %broadcast_in_dim3A_204 = vector.broadcast %broadcast_in_dim3A_203 : i32 to vector<16xi32>
      %add3A_205 = vector.broadcast %scan3A_150 : i32 to vector<16xi32>
      %add3A_206 = arith.addi %broadcast_in_dim3A_204, %add3A_205 : vector<16xi32>
      %broadcast_in_dim3A_207 = vector.broadcast %reduce_sum3A_202 : f32 to vector<16xf32>
      tpu.vector_store_idx %arg15[%add3A_206], %broadcast_in_dim3A_207 masked %eq3A_4 : memref<512xf32, #tpu.memory_space<vmem>>[vector<16xi32>], vector<16xf32>, vector<16xi1>
      %scan3A_208 = arith.constant 0 : i32
      scf.yield %scan3A_208 : i32
    }
    %scan3A_112 = arith.constant 128 : i32
    %dma_start3A_113 = arith.constant 384 : i32
    %dma_start3A_114 = tpu.memref_slice %arg9[%dma_start3A_113] : memref<512xi32, #tpu.memory_space<vmem>> -> memref<128xi32, #tpu.memory_space<vmem>>
    %dma_start3A_115 = arith.constant 0 : i32
    %dma_start3A_116 = arith.constant 0 : i32
    %dma_start3A_117 = tpu.memref_slice %arg5[%dma_start3A_115, %dma_start3A_116] : memref<100000x128xf32, #tpu.memory_space<hbm>> -> memref<100000x128xf32, #tpu.memory_space<hbm>>
    tpu.enqueue_indirect_dma source(%dma_start3A_117 : memref<100000x128xf32, #tpu.memory_space<hbm>>) target(%arg12 : memref<128x128xf32, #tpu.memory_space<vmem>>) offsets(%dma_start3A_114 : memref<128xi32, #tpu.memory_space<vmem>>) semaphore(%arg16 : memref<!tpu.dma_semaphore, #tpu.memory_space<semaphore_mem>>)
    %dma_start3A_118 = arith.constant 384 : i32
    %dma_start3A_119 = tpu.memref_slice %arg10[%dma_start3A_118] : memref<512xi32, #tpu.memory_space<vmem>> -> memref<128xi32, #tpu.memory_space<vmem>>
    %dma_start3A_120 = arith.constant 0 : i32
    %dma_start3A_121 = arith.constant 0 : i32
    %dma_start3A_122 = tpu.memref_slice %arg6[%dma_start3A_120, %dma_start3A_121] : memref<100000x128xf32, #tpu.memory_space<hbm>> -> memref<100000x128xf32, #tpu.memory_space<hbm>>
    tpu.enqueue_indirect_dma source(%dma_start3A_122 : memref<100000x128xf32, #tpu.memory_space<hbm>>) target(%arg13 : memref<128x128xf32, #tpu.memory_space<vmem>>) offsets(%dma_start3A_119 : memref<128xi32, #tpu.memory_space<vmem>>) semaphore(%arg16 : memref<!tpu.dma_semaphore, #tpu.memory_space<semaphore_mem>>)
    %dma_start3A_123 = arith.constant 384 : i32
    %dma_start3A_124 = tpu.memref_slice %arg11[%dma_start3A_123] : memref<512xi32, #tpu.memory_space<vmem>> -> memref<128xi32, #tpu.memory_space<vmem>>
    %dma_start3A_125 = arith.constant 0 : i32
    %dma_start3A_126 = arith.constant 0 : i32
    %dma_start3A_127 = tpu.memref_slice %arg7[%dma_start3A_125, %dma_start3A_126] : memref<100000x128xf32, #tpu.memory_space<hbm>> -> memref<100000x128xf32, #tpu.memory_space<hbm>>
    tpu.enqueue_indirect_dma source(%dma_start3A_127 : memref<100000x128xf32, #tpu.memory_space<hbm>>) target(%arg14 : memref<128x128xf32, #tpu.memory_space<vmem>>) offsets(%dma_start3A_124 : memref<128xi32, #tpu.memory_space<vmem>>) semaphore(%arg16 : memref<!tpu.dma_semaphore, #tpu.memory_space<semaphore_mem>>)
    %dma_wait3A_128 = arith.constant 384 : i32
    %dma_wait3A_129 = tpu.memref_slice %arg9[%dma_wait3A_128] : memref<512xi32, #tpu.memory_space<vmem>> -> memref<128xi32, #tpu.memory_space<vmem>>
    %dma_wait3A_130 = arith.constant 0 : i32
    %dma_wait3A_131 = arith.constant 0 : i32
    %dma_wait3A_132 = tpu.memref_slice %arg5[%dma_wait3A_130, %dma_wait3A_131] : memref<100000x128xf32, #tpu.memory_space<hbm>> -> memref<100000x128xf32, #tpu.memory_space<hbm>>
    tpu.wait_indirect_dma semaphore(%arg16 : memref<!tpu.dma_semaphore, #tpu.memory_space<semaphore_mem>>) src(%dma_wait3A_132 : memref<100000x128xf32, #tpu.memory_space<hbm>>) dst(%arg12 : memref<128x128xf32, #tpu.memory_space<vmem>>)
    %dma_wait3A_133 = arith.constant 384 : i32
    %dma_wait3A_134 = tpu.memref_slice %arg10[%dma_wait3A_133] : memref<512xi32, #tpu.memory_space<vmem>> -> memref<128xi32, #tpu.memory_space<vmem>>
    %dma_wait3A_135 = arith.constant 0 : i32
    %dma_wait3A_136 = arith.constant 0 : i32
    %dma_wait3A_137 = tpu.memref_slice %arg6[%dma_wait3A_135, %dma_wait3A_136] : memref<100000x128xf32, #tpu.memory_space<hbm>> -> memref<100000x128xf32, #tpu.memory_space<hbm>>
    tpu.wait_indirect_dma semaphore(%arg16 : memref<!tpu.dma_semaphore, #tpu.memory_space<semaphore_mem>>) src(%dma_wait3A_137 : memref<100000x128xf32, #tpu.memory_space<hbm>>) dst(%arg13 : memref<128x128xf32, #tpu.memory_space<vmem>>)
    %dma_wait3A_138 = arith.constant 384 : i32
    %dma_wait3A_139 = tpu.memref_slice %arg11[%dma_wait3A_138] : memref<512xi32, #tpu.memory_space<vmem>> -> memref<128xi32, #tpu.memory_space<vmem>>
    %dma_wait3A_140 = arith.constant 0 : i32
    %dma_wait3A_141 = arith.constant 0 : i32
    %dma_wait3A_142 = tpu.memref_slice %arg7[%dma_wait3A_140, %dma_wait3A_141] : memref<100000x128xf32, #tpu.memory_space<hbm>> -> memref<100000x128xf32, #tpu.memory_space<hbm>>
    tpu.wait_indirect_dma semaphore(%arg16 : memref<!tpu.dma_semaphore, #tpu.memory_space<semaphore_mem>>) src(%dma_wait3A_142 : memref<100000x128xf32, #tpu.memory_space<hbm>>) dst(%arg14 : memref<128x128xf32, #tpu.memory_space<vmem>>)
    %scan3A_143 = arith.constant 0 : i32
    %scan3A_144 = arith.constant 0 : i32
    %scan3A_145 = arith.constant 128 : i32
    %scan3A_146 = arith.addi %scan3A_144, %scan3A_145 : i32
    %scan3A_147 = arith.constant 1 : i32
    %scan3A_148 = scf.for %scan3A_150 = %scan3A_144 to %scan3A_146 step %scan3A_147 iter_args(%scan3A_151 = %scan3A_143) -> (i32)  : i32 {
      %broadcast_in_dim3A = arith.constant 0.000000e+00 : f32
      %broadcast_in_dim3A_152 = vector.broadcast %broadcast_in_dim3A : f32 to vector<16xf32>
      %get3A = arith.index_cast %scan3A_150 : i32 to index
      %get3A_153 = arith.constant 0 : index
      %get3A_154 = tpu.vector_load %arg12[%get3A, %get3A_153] {strides = array<i32>} : memref<128x128xf32, #tpu.memory_space<vmem>>, vector<16xf32>,
      %get3A_155 = arith.index_cast %scan3A_150 : i32 to index
      %get3A_156 = arith.constant 0 : index
      %get3A_157 = tpu.vector_load %arg13[%get3A_155, %get3A_156] {strides = array<i32>} : memref<128x128xf32, #tpu.memory_space<vmem>>, vector<16xf32>,
      %mul3A_158 = arith.mulf %get3A_154, %get3A_157 : vector<16xf32>
      %get3A_159 = arith.index_cast %scan3A_150 : i32 to index
      %get3A_160 = arith.constant 0 : index
      %get3A_161 = tpu.vector_load %arg14[%get3A_159, %get3A_160] {strides = array<i32>} : memref<128x128xf32, #tpu.memory_space<vmem>>, vector<16xf32>,
      %mul3A_162 = arith.mulf %mul3A_158, %get3A_161 : vector<16xf32>
      %add3A_163 = arith.addf %broadcast_in_dim3A_152, %mul3A_162 : vector<16xf32>
      %get3A_164 = arith.index_cast %scan3A_150 : i32 to index
      %get3A_165 = arith.constant 16 : index
      %get3A_166 = tpu.vector_load %arg12[%get3A_164, %get3A_165] {strides = array<i32>} : memref<128x128xf32, #tpu.memory_space<vmem>>, vector<16xf32>,
      %get3A_167 = arith.index_cast %scan3A_150 : i32 to index
      %get3A_168 = arith.constant 16 : index
      %get3A_169 = tpu.vector_load %arg13[%get3A_167, %get3A_168] {strides = array<i32>} : memref<128x128xf32, #tpu.memory_space<vmem>>, vector<16xf32>,
      %mul3A_170 = arith.mulf %get3A_166, %get3A_169 : vector<16xf32>
      %get3A_171 = arith.index_cast %scan3A_150 : i32 to index
      %get3A_172 = arith.constant 16 : index
      %get3A_173 = tpu.vector_load %arg14[%get3A_171, %get3A_172] {strides = array<i32>} : memref<128x128xf32, #tpu.memory_space<vmem>>, vector<16xf32>,
      %mul3A_174 = arith.mulf %mul3A_170, %get3A_173 : vector<16xf32>
      %add3A_175 = arith.addf %add3A_163, %mul3A_174 : vector<16xf32>
      %get3A_176 = arith.index_cast %scan3A_150 : i32 to index
      %get3A_177 = arith.constant 32 : index
      %get3A_178 = tpu.vector_load %arg12[%get3A_176, %get3A_177] {strides = array<i32>} : memref<128x128xf32, #tpu.memory_space<vmem>>, vector<16xf32>,
      %get3A_179 = arith.index_cast %scan3A_150 : i32 to index
      %get3A_180 = arith.constant 32 : index
      %get3A_181 = tpu.vector_load %arg13[%get3A_179, %get3A_180] {strides = array<i32>} : memref<128x128xf32, #tpu.memory_space<vmem>>, vector<16xf32>,
      %mul3A_182 = arith.mulf %get3A_178, %get3A_181 : vector<16xf32>
      %get3A_183 = arith.index_cast %scan3A_150 : i32 to index
      %get3A_184 = arith.constant 32 : index
      %get3A_185 = tpu.vector_load %arg14[%get3A_183, %get3A_184] {strides = array<i32>} : memref<128x128xf32, #tpu.memory_space<vmem>>, vector<16xf32>,
      %mul3A_186 = arith.mulf %mul3A_182, %get3A_185 : vector<16xf32>
      %add3A_187 = arith.addf %add3A_175, %mul3A_186 : vector<16xf32>
      %get3A_188 = arith.index_cast %scan3A_150 : i32 to index
      %get3A_189 = arith.constant 48 : index
      %get3A_190 = tpu.vector_load %arg12[%get3A_188, %get3A_189] {strides = array<i32>} : memref<128x128xf32, #tpu.memory_space<vmem>>, vector<16xf32>,
      %get3A_191 = arith.index_cast %scan3A_150 : i32 to index
      %get3A_192 = arith.constant 48 : index
      %get3A_193 = tpu.vector_load %arg13[%get3A_191, %get3A_192] {strides = array<i32>} : memref<128x128xf32, #tpu.memory_space<vmem>>, vector<16xf32>,
      %mul3A_194 = arith.mulf %get3A_190, %get3A_193 : vector<16xf32>
      %get3A_195 = arith.index_cast %scan3A_150 : i32 to index
      %get3A_196 = arith.constant 48 : index
      %get3A_197 = tpu.vector_load %arg14[%get3A_195, %get3A_196] {strides = array<i32>} : memref<128x128xf32, #tpu.memory_space<vmem>>, vector<16xf32>,
      %mul3A_198 = arith.mulf %mul3A_194, %get3A_197 : vector<16xf32>
      %add3A_199 = arith.addf %add3A_187, %mul3A_198 : vector<16xf32>
      %reduce_sum3A = arith.constant true
      %reduce_sum3A_200 = vector.broadcast %reduce_sum3A : i1 to vector<16xi1>
      %reduce_sum3A_201 = tpu.scan <sum>, %add3A_199 masked %reduce_sum3A_200 : vector<16xf32>, vector<16xi1> -> vector<16xf32>
      %reduce_sum3A_202 = vector.extract %reduce_sum3A_201[15] : f32 from vector<16xf32>
      %broadcast_in_dim3A_203 = arith.constant 384 : i32
      %broadcast_in_dim3A_204 = vector.broadcast %broadcast_in_dim3A_203 : i32 to vector<16xi32>
      %add3A_205 = vector.broadcast %scan3A_150 : i32 to vector<16xi32>
      %add3A_206 = arith.addi %broadcast_in_dim3A_204, %add3A_205 : vector<16xi32>
      %broadcast_in_dim3A_207 = vector.broadcast %reduce_sum3A_202 : f32 to vector<16xf32>
      tpu.vector_store_idx %arg15[%add3A_206], %broadcast_in_dim3A_207 masked %eq3A_4 : memref<512xf32, #tpu.memory_space<vmem>>[vector<16xi32>], vector<16xf32>, vector<16xi1>
      %scan3A_208 = arith.constant 0 : i32
      scf.yield %scan3A_208 : i32
    }
    %scan3A_149 = arith.constant 128 : i32
    "tpu.region"() ({
      %run_scoped3A = tpu.sem_alloc : memref<!tpu.dma_semaphore, #tpu.memory_space<semaphore_mem>>
      %dma_start3A_150 = tpu.memref_slice %arg8[%mul3A_2] : memref<16384xf32, #tpu.memory_space<hbm>> -> memref<512xf32, #tpu.memory_space<hbm>>
      %dma_start3A_151 = tpu.memref_slice %arg8[%mul3A_2] : memref<16384xf32, #tpu.memory_space<hbm>> -> memref<512xf32, #tpu.memory_space<hbm>>
      tpu.enqueue_dma source(%arg15 : memref<512xf32, #tpu.memory_space<vmem>>) target(%dma_start3A_151 : memref<512xf32, #tpu.memory_space<hbm>>) target_semaphore(%run_scoped3A : memref<!tpu.dma_semaphore, #tpu.memory_space<semaphore_mem>>)
      %dma_wait3A_152 = tpu.memref_slice %arg8[%mul3A_2] : memref<16384xf32, #tpu.memory_space<hbm>> -> memref<512xf32, #tpu.memory_space<hbm>>
      %dma_wait3A_153 = tpu.memref_slice %arg8[%mul3A_2] : memref<16384xf32, #tpu.memory_space<hbm>> -> memref<512xf32, #tpu.memory_space<hbm>>
      tpu.wait_dma2 semaphore(%run_scoped3A : memref<!tpu.dma_semaphore, #tpu.memory_space<semaphore_mem>>) src(%arg15 : memref<512xf32, #tpu.memory_space<vmem>>) dst(%dma_wait3A_153 : memref<512xf32, #tpu.memory_space<hbm>>)
      tpu.yield
    }) : () -> ()
    return
  }
}

#map = affine_map<(d0, d1) -> (0)>
#map1 = affine_map<(d0, d1) -> (0, 0)>
module attributes {stable_mosaic.version = 14 : i64} {
  func.func @_term_body(%arg0: i32, %arg1: i32, %arg2: memref<16384xi32, #tpu.memory_space<hbm>>, %arg3: memref<16384xi32, #tpu.memory_space<hbm>>, %arg4: memref<16384xi32, #tpu.memory_space<hbm>>, %arg5: memref<100000x128xf32, #tpu.memory_space<hbm>>, %arg6: memref<100000x128xf32, #tpu.memory_space<hbm>>, %arg7: memref<100000x128xf32, #tpu.memory_space<hbm>>, %arg8: memref<16384xf32, #tpu.memory_space<hbm>>, %arg9: memref<512xi32, #tpu.memory_space<vmem>>, %arg10: memref<512xi32, #tpu.memory_space<vmem>>, %arg11: memref<512xi32, #tpu.memory_space<vmem>>, %arg12: memref<128x128xf32, #tpu.memory_space<vmem>>, %arg13: memref<128x128xf32, #tpu.memory_space<vmem>>, %arg14: memref<128x128xf32, #tpu.memory_space<vmem>>, %arg15: memref<512xf32, #tpu.memory_space<vmem>>, %arg16: memref<!tpu.dma_semaphore, #tpu.memory_space<semaphore_mem>>) attributes {dimension_semantics = [#tpu.dimension_semantics<core_parallel>, #tpu.dimension_semantics<subcore_parallel>], iteration_bounds = array<i64: 2, 16>, scalar_prefetch = 0 : i64, scratch_operands = 8 : i64, tpu.core_type = #tpu.core_type<sc_vector_subcore>, window_params = [{transform_indices = #map}, {transform_indices = #map}, {transform_indices = #map}, {transform_indices = #map1}, {transform_indices = #map1}, {transform_indices = #map1}, {transform_indices = #map}]} {
    %mul3A = arith.constant 2 : i32
    %mul3A_0 = arith.muli %arg1, %mul3A : i32
    %add3A = arith.addi %mul3A_0, %arg0 : i32
    %mul3A_1 = arith.constant 512 : i32
    %mul3A_2 = arith.muli %add3A, %mul3A_1 : i32
    "tpu.region"() ({
      %run_scoped3A = tpu.sem_alloc : memref<!tpu.dma_semaphore, #tpu.memory_space<semaphore_mem>>
      %dma_start3A_150 = tpu.memref_slice %arg2[%mul3A_2] : memref<16384xi32, #tpu.memory_space<hbm>> -> memref<512xi32, #tpu.memory_space<hbm>>
      %dma_start3A_151 = tpu.memref_slice %arg2[%mul3A_2] : memref<16384xi32, #tpu.memory_space<hbm>> -> memref<512xi32, #tpu.memory_space<hbm>>
      tpu.enqueue_dma source(%dma_start3A_151 : memref<512xi32, #tpu.memory_space<hbm>>) target(%arg9 : memref<512xi32, #tpu.memory_space<vmem>>) target_semaphore(%run_scoped3A : memref<!tpu.dma_semaphore, #tpu.memory_space<semaphore_mem>>)
      %dma_wait3A_152 = tpu.memref_slice %arg2[%mul3A_2] : memref<16384xi32, #tpu.memory_space<hbm>> -> memref<512xi32, #tpu.memory_space<hbm>>
      %dma_wait3A_153 = tpu.memref_slice %arg2[%mul3A_2] : memref<16384xi32, #tpu.memory_space<hbm>> -> memref<512xi32, #tpu.memory_space<hbm>>
      tpu.wait_dma2 semaphore(%run_scoped3A : memref<!tpu.dma_semaphore, #tpu.memory_space<semaphore_mem>>) src(%dma_wait3A_153 : memref<512xi32, #tpu.memory_space<hbm>>) dst(%arg9 : memref<512xi32, #tpu.memory_space<vmem>>)
      tpu.yield
    }) : () -> ()
    "tpu.region"() ({
      %run_scoped3A = tpu.sem_alloc : memref<!tpu.dma_semaphore, #tpu.memory_space<semaphore_mem>>
      %dma_start3A_150 = tpu.memref_slice %arg3[%mul3A_2] : memref<16384xi32, #tpu.memory_space<hbm>> -> memref<512xi32, #tpu.memory_space<hbm>>
      %dma_start3A_151 = tpu.memref_slice %arg3[%mul3A_2] : memref<16384xi32, #tpu.memory_space<hbm>> -> memref<512xi32, #tpu.memory_space<hbm>>
      tpu.enqueue_dma source(%dma_start3A_151 : memref<512xi32, #tpu.memory_space<hbm>>) target(%arg10 : memref<512xi32, #tpu.memory_space<vmem>>) target_semaphore(%run_scoped3A : memref<!tpu.dma_semaphore, #tpu.memory_space<semaphore_mem>>)
      %dma_wait3A_152 = tpu.memref_slice %arg3[%mul3A_2] : memref<16384xi32, #tpu.memory_space<hbm>> -> memref<512xi32, #tpu.memory_space<hbm>>
      %dma_wait3A_153 = tpu.memref_slice %arg3[%mul3A_2] : memref<16384xi32, #tpu.memory_space<hbm>> -> memref<512xi32, #tpu.memory_space<hbm>>
      tpu.wait_dma2 semaphore(%run_scoped3A : memref<!tpu.dma_semaphore, #tpu.memory_space<semaphore_mem>>) src(%dma_wait3A_153 : memref<512xi32, #tpu.memory_space<hbm>>) dst(%arg10 : memref<512xi32, #tpu.memory_space<vmem>>)
      tpu.yield
    }) : () -> ()
    "tpu.region"() ({
      %run_scoped3A = tpu.sem_alloc : memref<!tpu.dma_semaphore, #tpu.memory_space<semaphore_mem>>
      %dma_start3A_150 = tpu.memref_slice %arg4[%mul3A_2] : memref<16384xi32, #tpu.memory_space<hbm>> -> memref<512xi32, #tpu.memory_space<hbm>>
      %dma_start3A_151 = tpu.memref_slice %arg4[%mul3A_2] : memref<16384xi32, #tpu.memory_space<hbm>> -> memref<512xi32, #tpu.memory_space<hbm>>
      tpu.enqueue_dma source(%dma_start3A_151 : memref<512xi32, #tpu.memory_space<hbm>>) target(%arg11 : memref<512xi32, #tpu.memory_space<vmem>>) target_semaphore(%run_scoped3A : memref<!tpu.dma_semaphore, #tpu.memory_space<semaphore_mem>>)
      %dma_wait3A_152 = tpu.memref_slice %arg4[%mul3A_2] : memref<16384xi32, #tpu.memory_space<hbm>> -> memref<512xi32, #tpu.memory_space<hbm>>
      %dma_wait3A_153 = tpu.memref_slice %arg4[%mul3A_2] : memref<16384xi32, #tpu.memory_space<hbm>> -> memref<512xi32, #tpu.memory_space<hbm>>
      tpu.wait_dma2 semaphore(%run_scoped3A : memref<!tpu.dma_semaphore, #tpu.memory_space<semaphore_mem>>) src(%dma_wait3A_153 : memref<512xi32, #tpu.memory_space<hbm>>) dst(%arg11 : memref<512xi32, #tpu.memory_space<vmem>>)
      tpu.yield
    }) : () -> ()
    %iota3A = tpu.iota {dimensions = array<i32: 0>} : vector<16xi32>
    %eq3A = arith.constant 0 : i32
    %eq3A_3 = vector.broadcast %eq3A : i32 to vector<16xi32>
    %eq3A_4 = arith.cmpi eq, %iota3A, %eq3A_3 : vector<16xi32>
    %dma_start3A = arith.constant 0 : i32
    %dma_start3A_5 = tpu.memref_slice %arg9[%dma_start3A] : memref<512xi32, #tpu.memory_space<vmem>> -> memref<128xi32, #tpu.memory_space<vmem>>
    %dma_start3A_6 = arith.constant 0 : i32
    %dma_start3A_7 = arith.constant 0 : i32
    %dma_start3A_8 = tpu.memref_slice %arg5[%dma_start3A_6, %dma_start3A_7] : memref<100000x128xf32, #tpu.memory_space<hbm>> -> memref<100000x128xf32, #tpu.memory_space<hbm>>
    tpu.enqueue_indirect_dma source(%dma_start3A_8 : memref<100000x128xf32, #tpu.memory_space<hbm>>) target(%arg12 : memref<128x128xf32, #tpu.memory_space<vmem>>) offsets(%dma_start3A_5 : memref<128xi32, #tpu.memory_space<vmem>>) semaphore(%arg16 : memref<!tpu.dma_semaphore, #tpu.memory_space<semaphore_mem>>)
    %dma_start3A_9 = arith.constant 0 : i32
    %dma_start3A_10 = tpu.memref_slice %arg10[%dma_start3A_9] : memref<512xi32, #tpu.memory_space<vmem>> -> memref<128xi32, #tpu.memory_space<vmem>>
    %dma_start3A_11 = arith.constant 0 : i32
    %dma_start3A_12 = arith.constant 0 : i32
    %dma_start3A_13 = tpu.memref_slice %arg6[%dma_start3A_11, %dma_start3A_12] : memref<100000x128xf32, #tpu.memory_space<hbm>> -> memref<100000x128xf32, #tpu.memory_space<hbm>>
    tpu.enqueue_indirect_dma source(%dma_start3A_13 : memref<100000x128xf32, #tpu.memory_space<hbm>>) target(%arg13 : memref<128x128xf32, #tpu.memory_space<vmem>>) offsets(%dma_start3A_10 : memref<128xi32, #tpu.memory_space<vmem>>) semaphore(%arg16 : memref<!tpu.dma_semaphore, #tpu.memory_space<semaphore_mem>>)
    %dma_start3A_14 = arith.constant 0 : i32
    %dma_start3A_15 = tpu.memref_slice %arg11[%dma_start3A_14] : memref<512xi32, #tpu.memory_space<vmem>> -> memref<128xi32, #tpu.memory_space<vmem>>
    %dma_start3A_16 = arith.constant 0 : i32
    %dma_start3A_17 = arith.constant 0 : i32
    %dma_start3A_18 = tpu.memref_slice %arg7[%dma_start3A_16, %dma_start3A_17] : memref<100000x128xf32, #tpu.memory_space<hbm>> -> memref<100000x128xf32, #tpu.memory_space<hbm>>
    tpu.enqueue_indirect_dma source(%dma_start3A_18 : memref<100000x128xf32, #tpu.memory_space<hbm>>) target(%arg14 : memref<128x128xf32, #tpu.memory_space<vmem>>) offsets(%dma_start3A_15 : memref<128xi32, #tpu.memory_space<vmem>>) semaphore(%arg16 : memref<!tpu.dma_semaphore, #tpu.memory_space<semaphore_mem>>)
    %dma_wait3A = arith.constant 0 : i32
    %dma_wait3A_19 = tpu.memref_slice %arg9[%dma_wait3A] : memref<512xi32, #tpu.memory_space<vmem>> -> memref<128xi32, #tpu.memory_space<vmem>>
    %dma_wait3A_20 = arith.constant 0 : i32
    %dma_wait3A_21 = arith.constant 0 : i32
    %dma_wait3A_22 = tpu.memref_slice %arg5[%dma_wait3A_20, %dma_wait3A_21] : memref<100000x128xf32, #tpu.memory_space<hbm>> -> memref<100000x128xf32, #tpu.memory_space<hbm>>
    tpu.wait_indirect_dma semaphore(%arg16 : memref<!tpu.dma_semaphore, #tpu.memory_space<semaphore_mem>>) src(%dma_wait3A_22 : memref<100000x128xf32, #tpu.memory_space<hbm>>) dst(%arg12 : memref<128x128xf32, #tpu.memory_space<vmem>>)
    %dma_wait3A_23 = arith.constant 0 : i32
    %dma_wait3A_24 = tpu.memref_slice %arg10[%dma_wait3A_23] : memref<512xi32, #tpu.memory_space<vmem>> -> memref<128xi32, #tpu.memory_space<vmem>>
    %dma_wait3A_25 = arith.constant 0 : i32
    %dma_wait3A_26 = arith.constant 0 : i32
    %dma_wait3A_27 = tpu.memref_slice %arg6[%dma_wait3A_25, %dma_wait3A_26] : memref<100000x128xf32, #tpu.memory_space<hbm>> -> memref<100000x128xf32, #tpu.memory_space<hbm>>
    tpu.wait_indirect_dma semaphore(%arg16 : memref<!tpu.dma_semaphore, #tpu.memory_space<semaphore_mem>>) src(%dma_wait3A_27 : memref<100000x128xf32, #tpu.memory_space<hbm>>) dst(%arg13 : memref<128x128xf32, #tpu.memory_space<vmem>>)
    %dma_wait3A_28 = arith.constant 0 : i32
    %dma_wait3A_29 = tpu.memref_slice %arg11[%dma_wait3A_28] : memref<512xi32, #tpu.memory_space<vmem>> -> memref<128xi32, #tpu.memory_space<vmem>>
    %dma_wait3A_30 = arith.constant 0 : i32
    %dma_wait3A_31 = arith.constant 0 : i32
    %dma_wait3A_32 = tpu.memref_slice %arg7[%dma_wait3A_30, %dma_wait3A_31] : memref<100000x128xf32, #tpu.memory_space<hbm>> -> memref<100000x128xf32, #tpu.memory_space<hbm>>
    tpu.wait_indirect_dma semaphore(%arg16 : memref<!tpu.dma_semaphore, #tpu.memory_space<semaphore_mem>>) src(%dma_wait3A_32 : memref<100000x128xf32, #tpu.memory_space<hbm>>) dst(%arg14 : memref<128x128xf32, #tpu.memory_space<vmem>>)
    %scan3A = arith.constant 0 : i32
    %scan3A_33 = arith.constant 0 : i32
    %scan3A_34 = arith.constant 128 : i32
    %scan3A_35 = arith.addi %scan3A_33, %scan3A_34 : i32
    %scan3A_36 = arith.constant 1 : i32
    %scan3A_37 = scf.for %scan3A_150 = %scan3A_33 to %scan3A_35 step %scan3A_36 iter_args(%scan3A_151 = %scan3A) -> (i32)  : i32 {
      %broadcast_in_dim3A = arith.constant 0.000000e+00 : f32
      %broadcast_in_dim3A_152 = vector.broadcast %broadcast_in_dim3A : f32 to vector<16xf32>
      %get3A = arith.index_cast %scan3A_150 : i32 to index
      %get3A_153 = arith.constant 0 : index
      %get3A_154 = tpu.vector_load %arg12[%get3A, %get3A_153] {strides = array<i32>} : memref<128x128xf32, #tpu.memory_space<vmem>>, vector<16xf32>,
      %get3A_155 = arith.index_cast %scan3A_150 : i32 to index
      %get3A_156 = arith.constant 0 : index
      %get3A_157 = tpu.vector_load %arg13[%get3A_155, %get3A_156] {strides = array<i32>} : memref<128x128xf32, #tpu.memory_space<vmem>>, vector<16xf32>,
      %mul3A_158 = arith.mulf %get3A_154, %get3A_157 : vector<16xf32>
      %get3A_159 = arith.index_cast %scan3A_150 : i32 to index
      %get3A_160 = arith.constant 0 : index
      %get3A_161 = tpu.vector_load %arg14[%get3A_159, %get3A_160] {strides = array<i32>} : memref<128x128xf32, #tpu.memory_space<vmem>>, vector<16xf32>,
      %mul3A_162 = arith.mulf %mul3A_158, %get3A_161 : vector<16xf32>
      %add3A_163 = arith.addf %broadcast_in_dim3A_152, %mul3A_162 : vector<16xf32>
      %get3A_164 = arith.index_cast %scan3A_150 : i32 to index
      %get3A_165 = arith.constant 16 : index
      %get3A_166 = tpu.vector_load %arg12[%get3A_164, %get3A_165] {strides = array<i32>} : memref<128x128xf32, #tpu.memory_space<vmem>>, vector<16xf32>,
      %get3A_167 = arith.index_cast %scan3A_150 : i32 to index
      %get3A_168 = arith.constant 16 : index
      %get3A_169 = tpu.vector_load %arg13[%get3A_167, %get3A_168] {strides = array<i32>} : memref<128x128xf32, #tpu.memory_space<vmem>>, vector<16xf32>,
      %mul3A_170 = arith.mulf %get3A_166, %get3A_169 : vector<16xf32>
      %get3A_171 = arith.index_cast %scan3A_150 : i32 to index
      %get3A_172 = arith.constant 16 : index
      %get3A_173 = tpu.vector_load %arg14[%get3A_171, %get3A_172] {strides = array<i32>} : memref<128x128xf32, #tpu.memory_space<vmem>>, vector<16xf32>,
      %mul3A_174 = arith.mulf %mul3A_170, %get3A_173 : vector<16xf32>
      %add3A_175 = arith.addf %add3A_163, %mul3A_174 : vector<16xf32>
      %get3A_176 = arith.index_cast %scan3A_150 : i32 to index
      %get3A_177 = arith.constant 32 : index
      %get3A_178 = tpu.vector_load %arg12[%get3A_176, %get3A_177] {strides = array<i32>} : memref<128x128xf32, #tpu.memory_space<vmem>>, vector<16xf32>,
      %get3A_179 = arith.index_cast %scan3A_150 : i32 to index
      %get3A_180 = arith.constant 32 : index
      %get3A_181 = tpu.vector_load %arg13[%get3A_179, %get3A_180] {strides = array<i32>} : memref<128x128xf32, #tpu.memory_space<vmem>>, vector<16xf32>,
      %mul3A_182 = arith.mulf %get3A_178, %get3A_181 : vector<16xf32>
      %get3A_183 = arith.index_cast %scan3A_150 : i32 to index
      %get3A_184 = arith.constant 32 : index
      %get3A_185 = tpu.vector_load %arg14[%get3A_183, %get3A_184] {strides = array<i32>} : memref<128x128xf32, #tpu.memory_space<vmem>>, vector<16xf32>,
      %mul3A_186 = arith.mulf %mul3A_182, %get3A_185 : vector<16xf32>
      %add3A_187 = arith.addf %add3A_175, %mul3A_186 : vector<16xf32>
      %get3A_188 = arith.index_cast %scan3A_150 : i32 to index
      %get3A_189 = arith.constant 48 : index
      %get3A_190 = tpu.vector_load %arg12[%get3A_188, %get3A_189] {strides = array<i32>} : memref<128x128xf32, #tpu.memory_space<vmem>>, vector<16xf32>,
      %get3A_191 = arith.index_cast %scan3A_150 : i32 to index
      %get3A_192 = arith.constant 48 : index
      %get3A_193 = tpu.vector_load %arg13[%get3A_191, %get3A_192] {strides = array<i32>} : memref<128x128xf32, #tpu.memory_space<vmem>>, vector<16xf32>,
      %mul3A_194 = arith.mulf %get3A_190, %get3A_193 : vector<16xf32>
      %get3A_195 = arith.index_cast %scan3A_150 : i32 to index
      %get3A_196 = arith.constant 48 : index
      %get3A_197 = tpu.vector_load %arg14[%get3A_195, %get3A_196] {strides = array<i32>} : memref<128x128xf32, #tpu.memory_space<vmem>>, vector<16xf32>,
      %mul3A_198 = arith.mulf %mul3A_194, %get3A_197 : vector<16xf32>
      %add3A_199 = arith.addf %add3A_187, %mul3A_198 : vector<16xf32>
      %reduce_sum3A = arith.constant true
      %reduce_sum3A_200 = vector.broadcast %reduce_sum3A : i1 to vector<16xi1>
      %reduce_sum3A_201 = tpu.scan <sum>, %add3A_199 masked %reduce_sum3A_200 : vector<16xf32>, vector<16xi1> -> vector<16xf32>
      %reduce_sum3A_202 = vector.extract %reduce_sum3A_201[15] : f32 from vector<16xf32>
      %broadcast_in_dim3A_203 = arith.constant 0 : i32
      %broadcast_in_dim3A_204 = vector.broadcast %broadcast_in_dim3A_203 : i32 to vector<16xi32>
      %add3A_205 = vector.broadcast %scan3A_150 : i32 to vector<16xi32>
      %add3A_206 = arith.addi %broadcast_in_dim3A_204, %add3A_205 : vector<16xi32>
      %broadcast_in_dim3A_207 = vector.broadcast %reduce_sum3A_202 : f32 to vector<16xf32>
      tpu.vector_store_idx %arg15[%add3A_206], %broadcast_in_dim3A_207 masked %eq3A_4 : memref<512xf32, #tpu.memory_space<vmem>>[vector<16xi32>], vector<16xf32>, vector<16xi1>
      %scan3A_208 = arith.constant 0 : i32
      scf.yield %scan3A_208 : i32
    }
    %scan3A_38 = arith.constant 128 : i32
    %dma_start3A_39 = arith.constant 128 : i32
    %dma_start3A_40 = tpu.memref_slice %arg9[%dma_start3A_39] : memref<512xi32, #tpu.memory_space<vmem>> -> memref<128xi32, #tpu.memory_space<vmem>>
    %dma_start3A_41 = arith.constant 0 : i32
    %dma_start3A_42 = arith.constant 0 : i32
    %dma_start3A_43 = tpu.memref_slice %arg5[%dma_start3A_41, %dma_start3A_42] : memref<100000x128xf32, #tpu.memory_space<hbm>> -> memref<100000x128xf32, #tpu.memory_space<hbm>>
    tpu.enqueue_indirect_dma source(%dma_start3A_43 : memref<100000x128xf32, #tpu.memory_space<hbm>>) target(%arg12 : memref<128x128xf32, #tpu.memory_space<vmem>>) offsets(%dma_start3A_40 : memref<128xi32, #tpu.memory_space<vmem>>) semaphore(%arg16 : memref<!tpu.dma_semaphore, #tpu.memory_space<semaphore_mem>>)
    %dma_start3A_44 = arith.constant 128 : i32
    %dma_start3A_45 = tpu.memref_slice %arg10[%dma_start3A_44] : memref<512xi32, #tpu.memory_space<vmem>> -> memref<128xi32, #tpu.memory_space<vmem>>
    %dma_start3A_46 = arith.constant 0 : i32
    %dma_start3A_47 = arith.constant 0 : i32
    %dma_start3A_48 = tpu.memref_slice %arg6[%dma_start3A_46, %dma_start3A_47] : memref<100000x128xf32, #tpu.memory_space<hbm>> -> memref<100000x128xf32, #tpu.memory_space<hbm>>
    tpu.enqueue_indirect_dma source(%dma_start3A_48 : memref<100000x128xf32, #tpu.memory_space<hbm>>) target(%arg13 : memref<128x128xf32, #tpu.memory_space<vmem>>) offsets(%dma_start3A_45 : memref<128xi32, #tpu.memory_space<vmem>>) semaphore(%arg16 : memref<!tpu.dma_semaphore, #tpu.memory_space<semaphore_mem>>)
    %dma_start3A_49 = arith.constant 128 : i32
    %dma_start3A_50 = tpu.memref_slice %arg11[%dma_start3A_49] : memref<512xi32, #tpu.memory_space<vmem>> -> memref<128xi32, #tpu.memory_space<vmem>>
    %dma_start3A_51 = arith.constant 0 : i32
    %dma_start3A_52 = arith.constant 0 : i32
    %dma_start3A_53 = tpu.memref_slice %arg7[%dma_start3A_51, %dma_start3A_52] : memref<100000x128xf32, #tpu.memory_space<hbm>> -> memref<100000x128xf32, #tpu.memory_space<hbm>>
    tpu.enqueue_indirect_dma source(%dma_start3A_53 : memref<100000x128xf32, #tpu.memory_space<hbm>>) target(%arg14 : memref<128x128xf32, #tpu.memory_space<vmem>>) offsets(%dma_start3A_50 : memref<128xi32, #tpu.memory_space<vmem>>) semaphore(%arg16 : memref<!tpu.dma_semaphore, #tpu.memory_space<semaphore_mem>>)
    %dma_wait3A_54 = arith.constant 128 : i32
    %dma_wait3A_55 = tpu.memref_slice %arg9[%dma_wait3A_54] : memref<512xi32, #tpu.memory_space<vmem>> -> memref<128xi32, #tpu.memory_space<vmem>>
    %dma_wait3A_56 = arith.constant 0 : i32
    %dma_wait3A_57 = arith.constant 0 : i32
    %dma_wait3A_58 = tpu.memref_slice %arg5[%dma_wait3A_56, %dma_wait3A_57] : memref<100000x128xf32, #tpu.memory_space<hbm>> -> memref<100000x128xf32, #tpu.memory_space<hbm>>
    tpu.wait_indirect_dma semaphore(%arg16 : memref<!tpu.dma_semaphore, #tpu.memory_space<semaphore_mem>>) src(%dma_wait3A_58 : memref<100000x128xf32, #tpu.memory_space<hbm>>) dst(%arg12 : memref<128x128xf32, #tpu.memory_space<vmem>>)
    %dma_wait3A_59 = arith.constant 128 : i32
    %dma_wait3A_60 = tpu.memref_slice %arg10[%dma_wait3A_59] : memref<512xi32, #tpu.memory_space<vmem>> -> memref<128xi32, #tpu.memory_space<vmem>>
    %dma_wait3A_61 = arith.constant 0 : i32
    %dma_wait3A_62 = arith.constant 0 : i32
    %dma_wait3A_63 = tpu.memref_slice %arg6[%dma_wait3A_61, %dma_wait3A_62] : memref<100000x128xf32, #tpu.memory_space<hbm>> -> memref<100000x128xf32, #tpu.memory_space<hbm>>
    tpu.wait_indirect_dma semaphore(%arg16 : memref<!tpu.dma_semaphore, #tpu.memory_space<semaphore_mem>>) src(%dma_wait3A_63 : memref<100000x128xf32, #tpu.memory_space<hbm>>) dst(%arg13 : memref<128x128xf32, #tpu.memory_space<vmem>>)
    %dma_wait3A_64 = arith.constant 128 : i32
    %dma_wait3A_65 = tpu.memref_slice %arg11[%dma_wait3A_64] : memref<512xi32, #tpu.memory_space<vmem>> -> memref<128xi32, #tpu.memory_space<vmem>>
    %dma_wait3A_66 = arith.constant 0 : i32
    %dma_wait3A_67 = arith.constant 0 : i32
    %dma_wait3A_68 = tpu.memref_slice %arg7[%dma_wait3A_66, %dma_wait3A_67] : memref<100000x128xf32, #tpu.memory_space<hbm>> -> memref<100000x128xf32, #tpu.memory_space<hbm>>
    tpu.wait_indirect_dma semaphore(%arg16 : memref<!tpu.dma_semaphore, #tpu.memory_space<semaphore_mem>>) src(%dma_wait3A_68 : memref<100000x128xf32, #tpu.memory_space<hbm>>) dst(%arg14 : memref<128x128xf32, #tpu.memory_space<vmem>>)
    %scan3A_69 = arith.constant 0 : i32
    %scan3A_70 = arith.constant 0 : i32
    %scan3A_71 = arith.constant 128 : i32
    %scan3A_72 = arith.addi %scan3A_70, %scan3A_71 : i32
    %scan3A_73 = arith.constant 1 : i32
    %scan3A_74 = scf.for %scan3A_150 = %scan3A_70 to %scan3A_72 step %scan3A_73 iter_args(%scan3A_151 = %scan3A_69) -> (i32)  : i32 {
      %broadcast_in_dim3A = arith.constant 0.000000e+00 : f32
      %broadcast_in_dim3A_152 = vector.broadcast %broadcast_in_dim3A : f32 to vector<16xf32>
      %get3A = arith.index_cast %scan3A_150 : i32 to index
      %get3A_153 = arith.constant 0 : index
      %get3A_154 = tpu.vector_load %arg12[%get3A, %get3A_153] {strides = array<i32>} : memref<128x128xf32, #tpu.memory_space<vmem>>, vector<16xf32>,
      %get3A_155 = arith.index_cast %scan3A_150 : i32 to index
      %get3A_156 = arith.constant 0 : index
      %get3A_157 = tpu.vector_load %arg13[%get3A_155, %get3A_156] {strides = array<i32>} : memref<128x128xf32, #tpu.memory_space<vmem>>, vector<16xf32>,
      %mul3A_158 = arith.mulf %get3A_154, %get3A_157 : vector<16xf32>
      %get3A_159 = arith.index_cast %scan3A_150 : i32 to index
      %get3A_160 = arith.constant 0 : index
      %get3A_161 = tpu.vector_load %arg14[%get3A_159, %get3A_160] {strides = array<i32>} : memref<128x128xf32, #tpu.memory_space<vmem>>, vector<16xf32>,
      %mul3A_162 = arith.mulf %mul3A_158, %get3A_161 : vector<16xf32>
      %add3A_163 = arith.addf %broadcast_in_dim3A_152, %mul3A_162 : vector<16xf32>
      %get3A_164 = arith.index_cast %scan3A_150 : i32 to index
      %get3A_165 = arith.constant 16 : index
      %get3A_166 = tpu.vector_load %arg12[%get3A_164, %get3A_165] {strides = array<i32>} : memref<128x128xf32, #tpu.memory_space<vmem>>, vector<16xf32>,
      %get3A_167 = arith.index_cast %scan3A_150 : i32 to index
      %get3A_168 = arith.constant 16 : index
      %get3A_169 = tpu.vector_load %arg13[%get3A_167, %get3A_168] {strides = array<i32>} : memref<128x128xf32, #tpu.memory_space<vmem>>, vector<16xf32>,
      %mul3A_170 = arith.mulf %get3A_166, %get3A_169 : vector<16xf32>
      %get3A_171 = arith.index_cast %scan3A_150 : i32 to index
      %get3A_172 = arith.constant 16 : index
      %get3A_173 = tpu.vector_load %arg14[%get3A_171, %get3A_172] {strides = array<i32>} : memref<128x128xf32, #tpu.memory_space<vmem>>, vector<16xf32>,
      %mul3A_174 = arith.mulf %mul3A_170, %get3A_173 : vector<16xf32>
      %add3A_175 = arith.addf %add3A_163, %mul3A_174 : vector<16xf32>
      %get3A_176 = arith.index_cast %scan3A_150 : i32 to index
      %get3A_177 = arith.constant 32 : index
      %get3A_178 = tpu.vector_load %arg12[%get3A_176, %get3A_177] {strides = array<i32>} : memref<128x128xf32, #tpu.memory_space<vmem>>, vector<16xf32>,
      %get3A_179 = arith.index_cast %scan3A_150 : i32 to index
      %get3A_180 = arith.constant 32 : index
      %get3A_181 = tpu.vector_load %arg13[%get3A_179, %get3A_180] {strides = array<i32>} : memref<128x128xf32, #tpu.memory_space<vmem>>, vector<16xf32>,
      %mul3A_182 = arith.mulf %get3A_178, %get3A_181 : vector<16xf32>
      %get3A_183 = arith.index_cast %scan3A_150 : i32 to index
      %get3A_184 = arith.constant 32 : index
      %get3A_185 = tpu.vector_load %arg14[%get3A_183, %get3A_184] {strides = array<i32>} : memref<128x128xf32, #tpu.memory_space<vmem>>, vector<16xf32>,
      %mul3A_186 = arith.mulf %mul3A_182, %get3A_185 : vector<16xf32>
      %add3A_187 = arith.addf %add3A_175, %mul3A_186 : vector<16xf32>
      %get3A_188 = arith.index_cast %scan3A_150 : i32 to index
      %get3A_189 = arith.constant 48 : index
      %get3A_190 = tpu.vector_load %arg12[%get3A_188, %get3A_189] {strides = array<i32>} : memref<128x128xf32, #tpu.memory_space<vmem>>, vector<16xf32>,
      %get3A_191 = arith.index_cast %scan3A_150 : i32 to index
      %get3A_192 = arith.constant 48 : index
      %get3A_193 = tpu.vector_load %arg13[%get3A_191, %get3A_192] {strides = array<i32>} : memref<128x128xf32, #tpu.memory_space<vmem>>, vector<16xf32>,
      %mul3A_194 = arith.mulf %get3A_190, %get3A_193 : vector<16xf32>
      %get3A_195 = arith.index_cast %scan3A_150 : i32 to index
      %get3A_196 = arith.constant 48 : index
      %get3A_197 = tpu.vector_load %arg14[%get3A_195, %get3A_196] {strides = array<i32>} : memref<128x128xf32, #tpu.memory_space<vmem>>, vector<16xf32>,
      %mul3A_198 = arith.mulf %mul3A_194, %get3A_197 : vector<16xf32>
      %add3A_199 = arith.addf %add3A_187, %mul3A_198 : vector<16xf32>
      %reduce_sum3A = arith.constant true
      %reduce_sum3A_200 = vector.broadcast %reduce_sum3A : i1 to vector<16xi1>
      %reduce_sum3A_201 = tpu.scan <sum>, %add3A_199 masked %reduce_sum3A_200 : vector<16xf32>, vector<16xi1> -> vector<16xf32>
      %reduce_sum3A_202 = vector.extract %reduce_sum3A_201[15] : f32 from vector<16xf32>
      %broadcast_in_dim3A_203 = arith.constant 128 : i32
      %broadcast_in_dim3A_204 = vector.broadcast %broadcast_in_dim3A_203 : i32 to vector<16xi32>
      %add3A_205 = vector.broadcast %scan3A_150 : i32 to vector<16xi32>
      %add3A_206 = arith.addi %broadcast_in_dim3A_204, %add3A_205 : vector<16xi32>
      %broadcast_in_dim3A_207 = vector.broadcast %reduce_sum3A_202 : f32 to vector<16xf32>
      tpu.vector_store_idx %arg15[%add3A_206], %broadcast_in_dim3A_207 masked %eq3A_4 : memref<512xf32, #tpu.memory_space<vmem>>[vector<16xi32>], vector<16xf32>, vector<16xi1>
      %scan3A_208 = arith.constant 0 : i32
      scf.yield %scan3A_208 : i32
    }
    %scan3A_75 = arith.constant 128 : i32
    %dma_start3A_76 = arith.constant 256 : i32
    %dma_start3A_77 = tpu.memref_slice %arg9[%dma_start3A_76] : memref<512xi32, #tpu.memory_space<vmem>> -> memref<128xi32, #tpu.memory_space<vmem>>
    %dma_start3A_78 = arith.constant 0 : i32
    %dma_start3A_79 = arith.constant 0 : i32
    %dma_start3A_80 = tpu.memref_slice %arg5[%dma_start3A_78, %dma_start3A_79] : memref<100000x128xf32, #tpu.memory_space<hbm>> -> memref<100000x128xf32, #tpu.memory_space<hbm>>
    tpu.enqueue_indirect_dma source(%dma_start3A_80 : memref<100000x128xf32, #tpu.memory_space<hbm>>) target(%arg12 : memref<128x128xf32, #tpu.memory_space<vmem>>) offsets(%dma_start3A_77 : memref<128xi32, #tpu.memory_space<vmem>>) semaphore(%arg16 : memref<!tpu.dma_semaphore, #tpu.memory_space<semaphore_mem>>)
    %dma_start3A_81 = arith.constant 256 : i32
    %dma_start3A_82 = tpu.memref_slice %arg10[%dma_start3A_81] : memref<512xi32, #tpu.memory_space<vmem>> -> memref<128xi32, #tpu.memory_space<vmem>>
    %dma_start3A_83 = arith.constant 0 : i32
    %dma_start3A_84 = arith.constant 0 : i32
    %dma_start3A_85 = tpu.memref_slice %arg6[%dma_start3A_83, %dma_start3A_84] : memref<100000x128xf32, #tpu.memory_space<hbm>> -> memref<100000x128xf32, #tpu.memory_space<hbm>>
    tpu.enqueue_indirect_dma source(%dma_start3A_85 : memref<100000x128xf32, #tpu.memory_space<hbm>>) target(%arg13 : memref<128x128xf32, #tpu.memory_space<vmem>>) offsets(%dma_start3A_82 : memref<128xi32, #tpu.memory_space<vmem>>) semaphore(%arg16 : memref<!tpu.dma_semaphore, #tpu.memory_space<semaphore_mem>>)
    %dma_start3A_86 = arith.constant 256 : i32
    %dma_start3A_87 = tpu.memref_slice %arg11[%dma_start3A_86] : memref<512xi32, #tpu.memory_space<vmem>> -> memref<128xi32, #tpu.memory_space<vmem>>
    %dma_start3A_88 = arith.constant 0 : i32
    %dma_start3A_89 = arith.constant 0 : i32
    %dma_start3A_90 = tpu.memref_slice %arg7[%dma_start3A_88, %dma_start3A_89] : memref<100000x128xf32, #tpu.memory_space<hbm>> -> memref<100000x128xf32, #tpu.memory_space<hbm>>
    tpu.enqueue_indirect_dma source(%dma_start3A_90 : memref<100000x128xf32, #tpu.memory_space<hbm>>) target(%arg14 : memref<128x128xf32, #tpu.memory_space<vmem>>) offsets(%dma_start3A_87 : memref<128xi32, #tpu.memory_space<vmem>>) semaphore(%arg16 : memref<!tpu.dma_semaphore, #tpu.memory_space<semaphore_mem>>)
    %dma_wait3A_91 = arith.constant 256 : i32
    %dma_wait3A_92 = tpu.memref_slice %arg9[%dma_wait3A_91] : memref<512xi32, #tpu.memory_space<vmem>> -> memref<128xi32, #tpu.memory_space<vmem>>
    %dma_wait3A_93 = arith.constant 0 : i32
    %dma_wait3A_94 = arith.constant 0 : i32
    %dma_wait3A_95 = tpu.memref_slice %arg5[%dma_wait3A_93, %dma_wait3A_94] : memref<100000x128xf32, #tpu.memory_space<hbm>> -> memref<100000x128xf32, #tpu.memory_space<hbm>>
    tpu.wait_indirect_dma semaphore(%arg16 : memref<!tpu.dma_semaphore, #tpu.memory_space<semaphore_mem>>) src(%dma_wait3A_95 : memref<100000x128xf32, #tpu.memory_space<hbm>>) dst(%arg12 : memref<128x128xf32, #tpu.memory_space<vmem>>)
    %dma_wait3A_96 = arith.constant 256 : i32
    %dma_wait3A_97 = tpu.memref_slice %arg10[%dma_wait3A_96] : memref<512xi32, #tpu.memory_space<vmem>> -> memref<128xi32, #tpu.memory_space<vmem>>
    %dma_wait3A_98 = arith.constant 0 : i32
    %dma_wait3A_99 = arith.constant 0 : i32
    %dma_wait3A_100 = tpu.memref_slice %arg6[%dma_wait3A_98, %dma_wait3A_99] : memref<100000x128xf32, #tpu.memory_space<hbm>> -> memref<100000x128xf32, #tpu.memory_space<hbm>>
    tpu.wait_indirect_dma semaphore(%arg16 : memref<!tpu.dma_semaphore, #tpu.memory_space<semaphore_mem>>) src(%dma_wait3A_100 : memref<100000x128xf32, #tpu.memory_space<hbm>>) dst(%arg13 : memref<128x128xf32, #tpu.memory_space<vmem>>)
    %dma_wait3A_101 = arith.constant 256 : i32
    %dma_wait3A_102 = tpu.memref_slice %arg11[%dma_wait3A_101] : memref<512xi32, #tpu.memory_space<vmem>> -> memref<128xi32, #tpu.memory_space<vmem>>
    %dma_wait3A_103 = arith.constant 0 : i32
    %dma_wait3A_104 = arith.constant 0 : i32
    %dma_wait3A_105 = tpu.memref_slice %arg7[%dma_wait3A_103, %dma_wait3A_104] : memref<100000x128xf32, #tpu.memory_space<hbm>> -> memref<100000x128xf32, #tpu.memory_space<hbm>>
    tpu.wait_indirect_dma semaphore(%arg16 : memref<!tpu.dma_semaphore, #tpu.memory_space<semaphore_mem>>) src(%dma_wait3A_105 : memref<100000x128xf32, #tpu.memory_space<hbm>>) dst(%arg14 : memref<128x128xf32, #tpu.memory_space<vmem>>)
    %scan3A_106 = arith.constant 0 : i32
    %scan3A_107 = arith.constant 0 : i32
    %scan3A_108 = arith.constant 128 : i32
    %scan3A_109 = arith.addi %scan3A_107, %scan3A_108 : i32
    %scan3A_110 = arith.constant 1 : i32
    %scan3A_111 = scf.for %scan3A_150 = %scan3A_107 to %scan3A_109 step %scan3A_110 iter_args(%scan3A_151 = %scan3A_106) -> (i32)  : i32 {
      %broadcast_in_dim3A = arith.constant 0.000000e+00 : f32
      %broadcast_in_dim3A_152 = vector.broadcast %broadcast_in_dim3A : f32 to vector<16xf32>
      %get3A = arith.index_cast %scan3A_150 : i32 to index
      %get3A_153 = arith.constant 0 : index
      %get3A_154 = tpu.vector_load %arg12[%get3A, %get3A_153] {strides = array<i32>} : memref<128x128xf32, #tpu.memory_space<vmem>>, vector<16xf32>,
      %get3A_155 = arith.index_cast %scan3A_150 : i32 to index
      %get3A_156 = arith.constant 0 : index
      %get3A_157 = tpu.vector_load %arg13[%get3A_155, %get3A_156] {strides = array<i32>} : memref<128x128xf32, #tpu.memory_space<vmem>>, vector<16xf32>,
      %mul3A_158 = arith.mulf %get3A_154, %get3A_157 : vector<16xf32>
      %get3A_159 = arith.index_cast %scan3A_150 : i32 to index
      %get3A_160 = arith.constant 0 : index
      %get3A_161 = tpu.vector_load %arg14[%get3A_159, %get3A_160] {strides = array<i32>} : memref<128x128xf32, #tpu.memory_space<vmem>>, vector<16xf32>,
      %mul3A_162 = arith.mulf %mul3A_158, %get3A_161 : vector<16xf32>
      %add3A_163 = arith.addf %broadcast_in_dim3A_152, %mul3A_162 : vector<16xf32>
      %get3A_164 = arith.index_cast %scan3A_150 : i32 to index
      %get3A_165 = arith.constant 16 : index
      %get3A_166 = tpu.vector_load %arg12[%get3A_164, %get3A_165] {strides = array<i32>} : memref<128x128xf32, #tpu.memory_space<vmem>>, vector<16xf32>,
      %get3A_167 = arith.index_cast %scan3A_150 : i32 to index
      %get3A_168 = arith.constant 16 : index
      %get3A_169 = tpu.vector_load %arg13[%get3A_167, %get3A_168] {strides = array<i32>} : memref<128x128xf32, #tpu.memory_space<vmem>>, vector<16xf32>,
      %mul3A_170 = arith.mulf %get3A_166, %get3A_169 : vector<16xf32>
      %get3A_171 = arith.index_cast %scan3A_150 : i32 to index
      %get3A_172 = arith.constant 16 : index
      %get3A_173 = tpu.vector_load %arg14[%get3A_171, %get3A_172] {strides = array<i32>} : memref<128x128xf32, #tpu.memory_space<vmem>>, vector<16xf32>,
      %mul3A_174 = arith.mulf %mul3A_170, %get3A_173 : vector<16xf32>
      %add3A_175 = arith.addf %add3A_163, %mul3A_174 : vector<16xf32>
      %get3A_176 = arith.index_cast %scan3A_150 : i32 to index
      %get3A_177 = arith.constant 32 : index
      %get3A_178 = tpu.vector_load %arg12[%get3A_176, %get3A_177] {strides = array<i32>} : memref<128x128xf32, #tpu.memory_space<vmem>>, vector<16xf32>,
      %get3A_179 = arith.index_cast %scan3A_150 : i32 to index
      %get3A_180 = arith.constant 32 : index
      %get3A_181 = tpu.vector_load %arg13[%get3A_179, %get3A_180] {strides = array<i32>} : memref<128x128xf32, #tpu.memory_space<vmem>>, vector<16xf32>,
      %mul3A_182 = arith.mulf %get3A_178, %get3A_181 : vector<16xf32>
      %get3A_183 = arith.index_cast %scan3A_150 : i32 to index
      %get3A_184 = arith.constant 32 : index
      %get3A_185 = tpu.vector_load %arg14[%get3A_183, %get3A_184] {strides = array<i32>} : memref<128x128xf32, #tpu.memory_space<vmem>>, vector<16xf32>,
      %mul3A_186 = arith.mulf %mul3A_182, %get3A_185 : vector<16xf32>
      %add3A_187 = arith.addf %add3A_175, %mul3A_186 : vector<16xf32>
      %get3A_188 = arith.index_cast %scan3A_150 : i32 to index
      %get3A_189 = arith.constant 48 : index
      %get3A_190 = tpu.vector_load %arg12[%get3A_188, %get3A_189] {strides = array<i32>} : memref<128x128xf32, #tpu.memory_space<vmem>>, vector<16xf32>,
      %get3A_191 = arith.index_cast %scan3A_150 : i32 to index
      %get3A_192 = arith.constant 48 : index
      %get3A_193 = tpu.vector_load %arg13[%get3A_191, %get3A_192] {strides = array<i32>} : memref<128x128xf32, #tpu.memory_space<vmem>>, vector<16xf32>,
      %mul3A_194 = arith.mulf %get3A_190, %get3A_193 : vector<16xf32>
      %get3A_195 = arith.index_cast %scan3A_150 : i32 to index
      %get3A_196 = arith.constant 48 : index
      %get3A_197 = tpu.vector_load %arg14[%get3A_195, %get3A_196] {strides = array<i32>} : memref<128x128xf32, #tpu.memory_space<vmem>>, vector<16xf32>,
      %mul3A_198 = arith.mulf %mul3A_194, %get3A_197 : vector<16xf32>
      %add3A_199 = arith.addf %add3A_187, %mul3A_198 : vector<16xf32>
      %reduce_sum3A = arith.constant true
      %reduce_sum3A_200 = vector.broadcast %reduce_sum3A : i1 to vector<16xi1>
      %reduce_sum3A_201 = tpu.scan <sum>, %add3A_199 masked %reduce_sum3A_200 : vector<16xf32>, vector<16xi1> -> vector<16xf32>
      %reduce_sum3A_202 = vector.extract %reduce_sum3A_201[15] : f32 from vector<16xf32>
      %broadcast_in_dim3A_203 = arith.constant 256 : i32
      %broadcast_in_dim3A_204 = vector.broadcast %broadcast_in_dim3A_203 : i32 to vector<16xi32>
      %add3A_205 = vector.broadcast %scan3A_150 : i32 to vector<16xi32>
      %add3A_206 = arith.addi %broadcast_in_dim3A_204, %add3A_205 : vector<16xi32>
      %broadcast_in_dim3A_207 = vector.broadcast %reduce_sum3A_202 : f32 to vector<16xf32>
      tpu.vector_store_idx %arg15[%add3A_206], %broadcast_in_dim3A_207 masked %eq3A_4 : memref<512xf32, #tpu.memory_space<vmem>>[vector<16xi32>], vector<16xf32>, vector<16xi1>
      %scan3A_208 = arith.constant 0 : i32
      scf.yield %scan3A_208 : i32
    }
    %scan3A_112 = arith.constant 128 : i32
    %dma_start3A_113 = arith.constant 384 : i32
    %dma_start3A_114 = tpu.memref_slice %arg9[%dma_start3A_113] : memref<512xi32, #tpu.memory_space<vmem>> -> memref<128xi32, #tpu.memory_space<vmem>>
    %dma_start3A_115 = arith.constant 0 : i32
    %dma_start3A_116 = arith.constant 0 : i32
    %dma_start3A_117 = tpu.memref_slice %arg5[%dma_start3A_115, %dma_start3A_116] : memref<100000x128xf32, #tpu.memory_space<hbm>> -> memref<100000x128xf32, #tpu.memory_space<hbm>>
    tpu.enqueue_indirect_dma source(%dma_start3A_117 : memref<100000x128xf32, #tpu.memory_space<hbm>>) target(%arg12 : memref<128x128xf32, #tpu.memory_space<vmem>>) offsets(%dma_start3A_114 : memref<128xi32, #tpu.memory_space<vmem>>) semaphore(%arg16 : memref<!tpu.dma_semaphore, #tpu.memory_space<semaphore_mem>>)
    %dma_start3A_118 = arith.constant 384 : i32
    %dma_start3A_119 = tpu.memref_slice %arg10[%dma_start3A_118] : memref<512xi32, #tpu.memory_space<vmem>> -> memref<128xi32, #tpu.memory_space<vmem>>
    %dma_start3A_120 = arith.constant 0 : i32
    %dma_start3A_121 = arith.constant 0 : i32
    %dma_start3A_122 = tpu.memref_slice %arg6[%dma_start3A_120, %dma_start3A_121] : memref<100000x128xf32, #tpu.memory_space<hbm>> -> memref<100000x128xf32, #tpu.memory_space<hbm>>
    tpu.enqueue_indirect_dma source(%dma_start3A_122 : memref<100000x128xf32, #tpu.memory_space<hbm>>) target(%arg13 : memref<128x128xf32, #tpu.memory_space<vmem>>) offsets(%dma_start3A_119 : memref<128xi32, #tpu.memory_space<vmem>>) semaphore(%arg16 : memref<!tpu.dma_semaphore, #tpu.memory_space<semaphore_mem>>)
    %dma_start3A_123 = arith.constant 384 : i32
    %dma_start3A_124 = tpu.memref_slice %arg11[%dma_start3A_123] : memref<512xi32, #tpu.memory_space<vmem>> -> memref<128xi32, #tpu.memory_space<vmem>>
    %dma_start3A_125 = arith.constant 0 : i32
    %dma_start3A_126 = arith.constant 0 : i32
    %dma_start3A_127 = tpu.memref_slice %arg7[%dma_start3A_125, %dma_start3A_126] : memref<100000x128xf32, #tpu.memory_space<hbm>> -> memref<100000x128xf32, #tpu.memory_space<hbm>>
    tpu.enqueue_indirect_dma source(%dma_start3A_127 : memref<100000x128xf32, #tpu.memory_space<hbm>>) target(%arg14 : memref<128x128xf32, #tpu.memory_space<vmem>>) offsets(%dma_start3A_124 : memref<128xi32, #tpu.memory_space<vmem>>) semaphore(%arg16 : memref<!tpu.dma_semaphore, #tpu.memory_space<semaphore_mem>>)
    %dma_wait3A_128 = arith.constant 384 : i32
    %dma_wait3A_129 = tpu.memref_slice %arg9[%dma_wait3A_128] : memref<512xi32, #tpu.memory_space<vmem>> -> memref<128xi32, #tpu.memory_space<vmem>>
    %dma_wait3A_130 = arith.constant 0 : i32
    %dma_wait3A_131 = arith.constant 0 : i32
    %dma_wait3A_132 = tpu.memref_slice %arg5[%dma_wait3A_130, %dma_wait3A_131] : memref<100000x128xf32, #tpu.memory_space<hbm>> -> memref<100000x128xf32, #tpu.memory_space<hbm>>
    tpu.wait_indirect_dma semaphore(%arg16 : memref<!tpu.dma_semaphore, #tpu.memory_space<semaphore_mem>>) src(%dma_wait3A_132 : memref<100000x128xf32, #tpu.memory_space<hbm>>) dst(%arg12 : memref<128x128xf32, #tpu.memory_space<vmem>>)
    %dma_wait3A_133 = arith.constant 384 : i32
    %dma_wait3A_134 = tpu.memref_slice %arg10[%dma_wait3A_133] : memref<512xi32, #tpu.memory_space<vmem>> -> memref<128xi32, #tpu.memory_space<vmem>>
    %dma_wait3A_135 = arith.constant 0 : i32
    %dma_wait3A_136 = arith.constant 0 : i32
    %dma_wait3A_137 = tpu.memref_slice %arg6[%dma_wait3A_135, %dma_wait3A_136] : memref<100000x128xf32, #tpu.memory_space<hbm>> -> memref<100000x128xf32, #tpu.memory_space<hbm>>
    tpu.wait_indirect_dma semaphore(%arg16 : memref<!tpu.dma_semaphore, #tpu.memory_space<semaphore_mem>>) src(%dma_wait3A_137 : memref<100000x128xf32, #tpu.memory_space<hbm>>) dst(%arg13 : memref<128x128xf32, #tpu.memory_space<vmem>>)
    %dma_wait3A_138 = arith.constant 384 : i32
    %dma_wait3A_139 = tpu.memref_slice %arg11[%dma_wait3A_138] : memref<512xi32, #tpu.memory_space<vmem>> -> memref<128xi32, #tpu.memory_space<vmem>>
    %dma_wait3A_140 = arith.constant 0 : i32
    %dma_wait3A_141 = arith.constant 0 : i32
    %dma_wait3A_142 = tpu.memref_slice %arg7[%dma_wait3A_140, %dma_wait3A_141] : memref<100000x128xf32, #tpu.memory_space<hbm>> -> memref<100000x128xf32, #tpu.memory_space<hbm>>
    tpu.wait_indirect_dma semaphore(%arg16 : memref<!tpu.dma_semaphore, #tpu.memory_space<semaphore_mem>>) src(%dma_wait3A_142 : memref<100000x128xf32, #tpu.memory_space<hbm>>) dst(%arg14 : memref<128x128xf32, #tpu.memory_space<vmem>>)
    %scan3A_143 = arith.constant 0 : i32
    %scan3A_144 = arith.constant 0 : i32
    %scan3A_145 = arith.constant 128 : i32
    %scan3A_146 = arith.addi %scan3A_144, %scan3A_145 : i32
    %scan3A_147 = arith.constant 1 : i32
    %scan3A_148 = scf.for %scan3A_150 = %scan3A_144 to %scan3A_146 step %scan3A_147 iter_args(%scan3A_151 = %scan3A_143) -> (i32)  : i32 {
      %broadcast_in_dim3A = arith.constant 0.000000e+00 : f32
      %broadcast_in_dim3A_152 = vector.broadcast %broadcast_in_dim3A : f32 to vector<16xf32>
      %get3A = arith.index_cast %scan3A_150 : i32 to index
      %get3A_153 = arith.constant 0 : index
      %get3A_154 = tpu.vector_load %arg12[%get3A, %get3A_153] {strides = array<i32>} : memref<128x128xf32, #tpu.memory_space<vmem>>, vector<16xf32>,
      %get3A_155 = arith.index_cast %scan3A_150 : i32 to index
      %get3A_156 = arith.constant 0 : index
      %get3A_157 = tpu.vector_load %arg13[%get3A_155, %get3A_156] {strides = array<i32>} : memref<128x128xf32, #tpu.memory_space<vmem>>, vector<16xf32>,
      %mul3A_158 = arith.mulf %get3A_154, %get3A_157 : vector<16xf32>
      %get3A_159 = arith.index_cast %scan3A_150 : i32 to index
      %get3A_160 = arith.constant 0 : index
      %get3A_161 = tpu.vector_load %arg14[%get3A_159, %get3A_160] {strides = array<i32>} : memref<128x128xf32, #tpu.memory_space<vmem>>, vector<16xf32>,
      %mul3A_162 = arith.mulf %mul3A_158, %get3A_161 : vector<16xf32>
      %add3A_163 = arith.addf %broadcast_in_dim3A_152, %mul3A_162 : vector<16xf32>
      %get3A_164 = arith.index_cast %scan3A_150 : i32 to index
      %get3A_165 = arith.constant 16 : index
      %get3A_166 = tpu.vector_load %arg12[%get3A_164, %get3A_165] {strides = array<i32>} : memref<128x128xf32, #tpu.memory_space<vmem>>, vector<16xf32>,
      %get3A_167 = arith.index_cast %scan3A_150 : i32 to index
      %get3A_168 = arith.constant 16 : index
      %get3A_169 = tpu.vector_load %arg13[%get3A_167, %get3A_168] {strides = array<i32>} : memref<128x128xf32, #tpu.memory_space<vmem>>, vector<16xf32>,
      %mul3A_170 = arith.mulf %get3A_166, %get3A_169 : vector<16xf32>
      %get3A_171 = arith.index_cast %scan3A_150 : i32 to index
      %get3A_172 = arith.constant 16 : index
      %get3A_173 = tpu.vector_load %arg14[%get3A_171, %get3A_172] {strides = array<i32>} : memref<128x128xf32, #tpu.memory_space<vmem>>, vector<16xf32>,
      %mul3A_174 = arith.mulf %mul3A_170, %get3A_173 : vector<16xf32>
      %add3A_175 = arith.addf %add3A_163, %mul3A_174 : vector<16xf32>
      %get3A_176 = arith.index_cast %scan3A_150 : i32 to index
      %get3A_177 = arith.constant 32 : index
      %get3A_178 = tpu.vector_load %arg12[%get3A_176, %get3A_177] {strides = array<i32>} : memref<128x128xf32, #tpu.memory_space<vmem>>, vector<16xf32>,
      %get3A_179 = arith.index_cast %scan3A_150 : i32 to index
      %get3A_180 = arith.constant 32 : index
      %get3A_181 = tpu.vector_load %arg13[%get3A_179, %get3A_180] {strides = array<i32>} : memref<128x128xf32, #tpu.memory_space<vmem>>, vector<16xf32>,
      %mul3A_182 = arith.mulf %get3A_178, %get3A_181 : vector<16xf32>
      %get3A_183 = arith.index_cast %scan3A_150 : i32 to index
      %get3A_184 = arith.constant 32 : index
      %get3A_185 = tpu.vector_load %arg14[%get3A_183, %get3A_184] {strides = array<i32>} : memref<128x128xf32, #tpu.memory_space<vmem>>, vector<16xf32>,
      %mul3A_186 = arith.mulf %mul3A_182, %get3A_185 : vector<16xf32>
      %add3A_187 = arith.addf %add3A_175, %mul3A_186 : vector<16xf32>
      %get3A_188 = arith.index_cast %scan3A_150 : i32 to index
      %get3A_189 = arith.constant 48 : index
      %get3A_190 = tpu.vector_load %arg12[%get3A_188, %get3A_189] {strides = array<i32>} : memref<128x128xf32, #tpu.memory_space<vmem>>, vector<16xf32>,
      %get3A_191 = arith.index_cast %scan3A_150 : i32 to index
      %get3A_192 = arith.constant 48 : index
      %get3A_193 = tpu.vector_load %arg13[%get3A_191, %get3A_192] {strides = array<i32>} : memref<128x128xf32, #tpu.memory_space<vmem>>, vector<16xf32>,
      %mul3A_194 = arith.mulf %get3A_190, %get3A_193 : vector<16xf32>
      %get3A_195 = arith.index_cast %scan3A_150 : i32 to index
      %get3A_196 = arith.constant 48 : index
      %get3A_197 = tpu.vector_load %arg14[%get3A_195, %get3A_196] {strides = array<i32>} : memref<128x128xf32, #tpu.memory_space<vmem>>, vector<16xf32>,
      %mul3A_198 = arith.mulf %mul3A_194, %get3A_197 : vector<16xf32>
      %add3A_199 = arith.addf %add3A_187, %mul3A_198 : vector<16xf32>
      %reduce_sum3A = arith.constant true
      %reduce_sum3A_200 = vector.broadcast %reduce_sum3A : i1 to vector<16xi1>
      %reduce_sum3A_201 = tpu.scan <sum>, %add3A_199 masked %reduce_sum3A_200 : vector<16xf32>, vector<16xi1> -> vector<16xf32>
      %reduce_sum3A_202 = vector.extract %reduce_sum3A_201[15] : f32 from vector<16xf32>
      %broadcast_in_dim3A_203 = arith.constant 384 : i32
      %broadcast_in_dim3A_204 = vector.broadcast %broadcast_in_dim3A_203 : i32 to vector<16xi32>
      %add3A_205 = vector.broadcast %scan3A_150 : i32 to vector<16xi32>
      %add3A_206 = arith.addi %broadcast_in_dim3A_204, %add3A_205 : vector<16xi32>
      %broadcast_in_dim3A_207 = vector.broadcast %reduce_sum3A_202 : f32 to vector<16xf32>
      tpu.vector_store_idx %arg15[%add3A_206], %broadcast_in_dim3A_207 masked %eq3A_4 : memref<512xf32, #tpu.memory_space<vmem>>[vector<16xi32>], vector<16xf32>, vector<16xi1>
      %scan3A_208 = arith.constant 0 : i32
      scf.yield %scan3A_208 : i32
    }
    %scan3A_149 = arith.constant 128 : i32
    "tpu.region"() ({
      %run_scoped3A = tpu.sem_alloc : memref<!tpu.dma_semaphore, #tpu.memory_space<semaphore_mem>>
      %dma_start3A_150 = tpu.memref_slice %arg8[%mul3A_2] : memref<16384xf32, #tpu.memory_space<hbm>> -> memref<512xf32, #tpu.memory_space<hbm>>
      %dma_start3A_151 = tpu.memref_slice %arg8[%mul3A_2] : memref<16384xf32, #tpu.memory_space<hbm>> -> memref<512xf32, #tpu.memory_space<hbm>>
      tpu.enqueue_dma source(%arg15 : memref<512xf32, #tpu.memory_space<vmem>>) target(%dma_start3A_151 : memref<512xf32, #tpu.memory_space<hbm>>) target_semaphore(%run_scoped3A : memref<!tpu.dma_semaphore, #tpu.memory_space<semaphore_mem>>)
      %dma_wait3A_152 = tpu.memref_slice %arg8[%mul3A_2] : memref<16384xf32, #tpu.memory_space<hbm>> -> memref<512xf32, #tpu.memory_space<hbm>>
      %dma_wait3A_153 = tpu.memref_slice %arg8[%mul3A_2] : memref<16384xf32, #tpu.memory_space<hbm>> -> memref<512xf32, #tpu.memory_space<hbm>>
      tpu.wait_dma2 semaphore(%run_scoped3A : memref<!tpu.dma_semaphore, #tpu.memory_space<semaphore_mem>>) src(%arg15 : memref<512xf32, #tpu.memory_space<vmem>>) dst(%dma_wait3A_153 : memref<512xf32, #tpu.memory_space<hbm>>)
      tpu.yield
    }) : () -> ()
    return
  }
}

#map = affine_map<(d0, d1) -> (0)>
#map1 = affine_map<(d0, d1) -> (0, 0)>
module attributes {stable_mosaic.version = 14 : i64} {
  func.func @_term_body(%arg0: i32, %arg1: i32, %arg2: memref<16384xi32, #tpu.memory_space<hbm>>, %arg3: memref<16384xi32, #tpu.memory_space<hbm>>, %arg4: memref<16384xi32, #tpu.memory_space<hbm>>, %arg5: memref<100000x128xf32, #tpu.memory_space<hbm>>, %arg6: memref<100000x128xf32, #tpu.memory_space<hbm>>, %arg7: memref<100000x128xf32, #tpu.memory_space<hbm>>, %arg8: memref<16384xf32, #tpu.memory_space<hbm>>, %arg9: memref<512xi32, #tpu.memory_space<vmem>>, %arg10: memref<512xi32, #tpu.memory_space<vmem>>, %arg11: memref<512xi32, #tpu.memory_space<vmem>>, %arg12: memref<128x128xf32, #tpu.memory_space<vmem>>, %arg13: memref<128x128xf32, #tpu.memory_space<vmem>>, %arg14: memref<128x128xf32, #tpu.memory_space<vmem>>, %arg15: memref<512xf32, #tpu.memory_space<vmem>>, %arg16: memref<!tpu.dma_semaphore, #tpu.memory_space<semaphore_mem>>) attributes {dimension_semantics = [#tpu.dimension_semantics<core_parallel>, #tpu.dimension_semantics<subcore_parallel>], iteration_bounds = array<i64: 2, 16>, scalar_prefetch = 0 : i64, scratch_operands = 8 : i64, tpu.core_type = #tpu.core_type<sc_vector_subcore>, window_params = [{transform_indices = #map}, {transform_indices = #map}, {transform_indices = #map}, {transform_indices = #map1}, {transform_indices = #map1}, {transform_indices = #map1}, {transform_indices = #map}]} {
    %mul3A = arith.constant 2 : i32
    %mul3A_0 = arith.muli %arg1, %mul3A : i32
    %add3A = arith.addi %mul3A_0, %arg0 : i32
    %mul3A_1 = arith.constant 512 : i32
    %mul3A_2 = arith.muli %add3A, %mul3A_1 : i32
    "tpu.region"() ({
      %run_scoped3A = tpu.sem_alloc : memref<!tpu.dma_semaphore, #tpu.memory_space<semaphore_mem>>
      %dma_start3A_150 = tpu.memref_slice %arg2[%mul3A_2] : memref<16384xi32, #tpu.memory_space<hbm>> -> memref<512xi32, #tpu.memory_space<hbm>>
      %dma_start3A_151 = tpu.memref_slice %arg2[%mul3A_2] : memref<16384xi32, #tpu.memory_space<hbm>> -> memref<512xi32, #tpu.memory_space<hbm>>
      tpu.enqueue_dma source(%dma_start3A_151 : memref<512xi32, #tpu.memory_space<hbm>>) target(%arg9 : memref<512xi32, #tpu.memory_space<vmem>>) target_semaphore(%run_scoped3A : memref<!tpu.dma_semaphore, #tpu.memory_space<semaphore_mem>>)
      %dma_wait3A_152 = tpu.memref_slice %arg2[%mul3A_2] : memref<16384xi32, #tpu.memory_space<hbm>> -> memref<512xi32, #tpu.memory_space<hbm>>
      %dma_wait3A_153 = tpu.memref_slice %arg2[%mul3A_2] : memref<16384xi32, #tpu.memory_space<hbm>> -> memref<512xi32, #tpu.memory_space<hbm>>
      tpu.wait_dma2 semaphore(%run_scoped3A : memref<!tpu.dma_semaphore, #tpu.memory_space<semaphore_mem>>) src(%dma_wait3A_153 : memref<512xi32, #tpu.memory_space<hbm>>) dst(%arg9 : memref<512xi32, #tpu.memory_space<vmem>>)
      tpu.yield
    }) : () -> ()
    "tpu.region"() ({
      %run_scoped3A = tpu.sem_alloc : memref<!tpu.dma_semaphore, #tpu.memory_space<semaphore_mem>>
      %dma_start3A_150 = tpu.memref_slice %arg3[%mul3A_2] : memref<16384xi32, #tpu.memory_space<hbm>> -> memref<512xi32, #tpu.memory_space<hbm>>
      %dma_start3A_151 = tpu.memref_slice %arg3[%mul3A_2] : memref<16384xi32, #tpu.memory_space<hbm>> -> memref<512xi32, #tpu.memory_space<hbm>>
      tpu.enqueue_dma source(%dma_start3A_151 : memref<512xi32, #tpu.memory_space<hbm>>) target(%arg10 : memref<512xi32, #tpu.memory_space<vmem>>) target_semaphore(%run_scoped3A : memref<!tpu.dma_semaphore, #tpu.memory_space<semaphore_mem>>)
      %dma_wait3A_152 = tpu.memref_slice %arg3[%mul3A_2] : memref<16384xi32, #tpu.memory_space<hbm>> -> memref<512xi32, #tpu.memory_space<hbm>>
      %dma_wait3A_153 = tpu.memref_slice %arg3[%mul3A_2] : memref<16384xi32, #tpu.memory_space<hbm>> -> memref<512xi32, #tpu.memory_space<hbm>>
      tpu.wait_dma2 semaphore(%run_scoped3A : memref<!tpu.dma_semaphore, #tpu.memory_space<semaphore_mem>>) src(%dma_wait3A_153 : memref<512xi32, #tpu.memory_space<hbm>>) dst(%arg10 : memref<512xi32, #tpu.memory_space<vmem>>)
      tpu.yield
    }) : () -> ()
    "tpu.region"() ({
      %run_scoped3A = tpu.sem_alloc : memref<!tpu.dma_semaphore, #tpu.memory_space<semaphore_mem>>
      %dma_start3A_150 = tpu.memref_slice %arg4[%mul3A_2] : memref<16384xi32, #tpu.memory_space<hbm>> -> memref<512xi32, #tpu.memory_space<hbm>>
      %dma_start3A_151 = tpu.memref_slice %arg4[%mul3A_2] : memref<16384xi32, #tpu.memory_space<hbm>> -> memref<512xi32, #tpu.memory_space<hbm>>
      tpu.enqueue_dma source(%dma_start3A_151 : memref<512xi32, #tpu.memory_space<hbm>>) target(%arg11 : memref<512xi32, #tpu.memory_space<vmem>>) target_semaphore(%run_scoped3A : memref<!tpu.dma_semaphore, #tpu.memory_space<semaphore_mem>>)
      %dma_wait3A_152 = tpu.memref_slice %arg4[%mul3A_2] : memref<16384xi32, #tpu.memory_space<hbm>> -> memref<512xi32, #tpu.memory_space<hbm>>
      %dma_wait3A_153 = tpu.memref_slice %arg4[%mul3A_2] : memref<16384xi32, #tpu.memory_space<hbm>> -> memref<512xi32, #tpu.memory_space<hbm>>
      tpu.wait_dma2 semaphore(%run_scoped3A : memref<!tpu.dma_semaphore, #tpu.memory_space<semaphore_mem>>) src(%dma_wait3A_153 : memref<512xi32, #tpu.memory_space<hbm>>) dst(%arg11 : memref<512xi32, #tpu.memory_space<vmem>>)
      tpu.yield
    }) : () -> ()
    %iota3A = tpu.iota {dimensions = array<i32: 0>} : vector<16xi32>
    %eq3A = arith.constant 0 : i32
    %eq3A_3 = vector.broadcast %eq3A : i32 to vector<16xi32>
    %eq3A_4 = arith.cmpi eq, %iota3A, %eq3A_3 : vector<16xi32>
    %dma_start3A = arith.constant 0 : i32
    %dma_start3A_5 = tpu.memref_slice %arg9[%dma_start3A] : memref<512xi32, #tpu.memory_space<vmem>> -> memref<128xi32, #tpu.memory_space<vmem>>
    %dma_start3A_6 = arith.constant 0 : i32
    %dma_start3A_7 = arith.constant 0 : i32
    %dma_start3A_8 = tpu.memref_slice %arg5[%dma_start3A_6, %dma_start3A_7] : memref<100000x128xf32, #tpu.memory_space<hbm>> -> memref<100000x128xf32, #tpu.memory_space<hbm>>
    tpu.enqueue_indirect_dma source(%dma_start3A_8 : memref<100000x128xf32, #tpu.memory_space<hbm>>) target(%arg12 : memref<128x128xf32, #tpu.memory_space<vmem>>) offsets(%dma_start3A_5 : memref<128xi32, #tpu.memory_space<vmem>>) semaphore(%arg16 : memref<!tpu.dma_semaphore, #tpu.memory_space<semaphore_mem>>)
    %dma_start3A_9 = arith.constant 0 : i32
    %dma_start3A_10 = tpu.memref_slice %arg10[%dma_start3A_9] : memref<512xi32, #tpu.memory_space<vmem>> -> memref<128xi32, #tpu.memory_space<vmem>>
    %dma_start3A_11 = arith.constant 0 : i32
    %dma_start3A_12 = arith.constant 0 : i32
    %dma_start3A_13 = tpu.memref_slice %arg6[%dma_start3A_11, %dma_start3A_12] : memref<100000x128xf32, #tpu.memory_space<hbm>> -> memref<100000x128xf32, #tpu.memory_space<hbm>>
    tpu.enqueue_indirect_dma source(%dma_start3A_13 : memref<100000x128xf32, #tpu.memory_space<hbm>>) target(%arg13 : memref<128x128xf32, #tpu.memory_space<vmem>>) offsets(%dma_start3A_10 : memref<128xi32, #tpu.memory_space<vmem>>) semaphore(%arg16 : memref<!tpu.dma_semaphore, #tpu.memory_space<semaphore_mem>>)
    %dma_start3A_14 = arith.constant 0 : i32
    %dma_start3A_15 = tpu.memref_slice %arg11[%dma_start3A_14] : memref<512xi32, #tpu.memory_space<vmem>> -> memref<128xi32, #tpu.memory_space<vmem>>
    %dma_start3A_16 = arith.constant 0 : i32
    %dma_start3A_17 = arith.constant 0 : i32
    %dma_start3A_18 = tpu.memref_slice %arg7[%dma_start3A_16, %dma_start3A_17] : memref<100000x128xf32, #tpu.memory_space<hbm>> -> memref<100000x128xf32, #tpu.memory_space<hbm>>
    tpu.enqueue_indirect_dma source(%dma_start3A_18 : memref<100000x128xf32, #tpu.memory_space<hbm>>) target(%arg14 : memref<128x128xf32, #tpu.memory_space<vmem>>) offsets(%dma_start3A_15 : memref<128xi32, #tpu.memory_space<vmem>>) semaphore(%arg16 : memref<!tpu.dma_semaphore, #tpu.memory_space<semaphore_mem>>)
    %dma_wait3A = arith.constant 0 : i32
    %dma_wait3A_19 = tpu.memref_slice %arg9[%dma_wait3A] : memref<512xi32, #tpu.memory_space<vmem>> -> memref<128xi32, #tpu.memory_space<vmem>>
    %dma_wait3A_20 = arith.constant 0 : i32
    %dma_wait3A_21 = arith.constant 0 : i32
    %dma_wait3A_22 = tpu.memref_slice %arg5[%dma_wait3A_20, %dma_wait3A_21] : memref<100000x128xf32, #tpu.memory_space<hbm>> -> memref<100000x128xf32, #tpu.memory_space<hbm>>
    tpu.wait_indirect_dma semaphore(%arg16 : memref<!tpu.dma_semaphore, #tpu.memory_space<semaphore_mem>>) src(%dma_wait3A_22 : memref<100000x128xf32, #tpu.memory_space<hbm>>) dst(%arg12 : memref<128x128xf32, #tpu.memory_space<vmem>>)
    %dma_wait3A_23 = arith.constant 0 : i32
    %dma_wait3A_24 = tpu.memref_slice %arg10[%dma_wait3A_23] : memref<512xi32, #tpu.memory_space<vmem>> -> memref<128xi32, #tpu.memory_space<vmem>>
    %dma_wait3A_25 = arith.constant 0 : i32
    %dma_wait3A_26 = arith.constant 0 : i32
    %dma_wait3A_27 = tpu.memref_slice %arg6[%dma_wait3A_25, %dma_wait3A_26] : memref<100000x128xf32, #tpu.memory_space<hbm>> -> memref<100000x128xf32, #tpu.memory_space<hbm>>
    tpu.wait_indirect_dma semaphore(%arg16 : memref<!tpu.dma_semaphore, #tpu.memory_space<semaphore_mem>>) src(%dma_wait3A_27 : memref<100000x128xf32, #tpu.memory_space<hbm>>) dst(%arg13 : memref<128x128xf32, #tpu.memory_space<vmem>>)
    %dma_wait3A_28 = arith.constant 0 : i32
    %dma_wait3A_29 = tpu.memref_slice %arg11[%dma_wait3A_28] : memref<512xi32, #tpu.memory_space<vmem>> -> memref<128xi32, #tpu.memory_space<vmem>>
    %dma_wait3A_30 = arith.constant 0 : i32
    %dma_wait3A_31 = arith.constant 0 : i32
    %dma_wait3A_32 = tpu.memref_slice %arg7[%dma_wait3A_30, %dma_wait3A_31] : memref<100000x128xf32, #tpu.memory_space<hbm>> -> memref<100000x128xf32, #tpu.memory_space<hbm>>
    tpu.wait_indirect_dma semaphore(%arg16 : memref<!tpu.dma_semaphore, #tpu.memory_space<semaphore_mem>>) src(%dma_wait3A_32 : memref<100000x128xf32, #tpu.memory_space<hbm>>) dst(%arg14 : memref<128x128xf32, #tpu.memory_space<vmem>>)
    %scan3A = arith.constant 0 : i32
    %scan3A_33 = arith.constant 0 : i32
    %scan3A_34 = arith.constant 128 : i32
    %scan3A_35 = arith.addi %scan3A_33, %scan3A_34 : i32
    %scan3A_36 = arith.constant 1 : i32
    %scan3A_37 = scf.for %scan3A_150 = %scan3A_33 to %scan3A_35 step %scan3A_36 iter_args(%scan3A_151 = %scan3A) -> (i32)  : i32 {
      %broadcast_in_dim3A = arith.constant 0.000000e+00 : f32
      %broadcast_in_dim3A_152 = vector.broadcast %broadcast_in_dim3A : f32 to vector<16xf32>
      %get3A = arith.index_cast %scan3A_150 : i32 to index
      %get3A_153 = arith.constant 0 : index
      %get3A_154 = tpu.vector_load %arg12[%get3A, %get3A_153] {strides = array<i32>} : memref<128x128xf32, #tpu.memory_space<vmem>>, vector<16xf32>,
      %get3A_155 = arith.index_cast %scan3A_150 : i32 to index
      %get3A_156 = arith.constant 0 : index
      %get3A_157 = tpu.vector_load %arg13[%get3A_155, %get3A_156] {strides = array<i32>} : memref<128x128xf32, #tpu.memory_space<vmem>>, vector<16xf32>,
      %mul3A_158 = arith.mulf %get3A_154, %get3A_157 : vector<16xf32>
      %get3A_159 = arith.index_cast %scan3A_150 : i32 to index
      %get3A_160 = arith.constant 0 : index
      %get3A_161 = tpu.vector_load %arg14[%get3A_159, %get3A_160] {strides = array<i32>} : memref<128x128xf32, #tpu.memory_space<vmem>>, vector<16xf32>,
      %mul3A_162 = arith.mulf %mul3A_158, %get3A_161 : vector<16xf32>
      %add3A_163 = arith.addf %broadcast_in_dim3A_152, %mul3A_162 : vector<16xf32>
      %get3A_164 = arith.index_cast %scan3A_150 : i32 to index
      %get3A_165 = arith.constant 16 : index
      %get3A_166 = tpu.vector_load %arg12[%get3A_164, %get3A_165] {strides = array<i32>} : memref<128x128xf32, #tpu.memory_space<vmem>>, vector<16xf32>,
      %get3A_167 = arith.index_cast %scan3A_150 : i32 to index
      %get3A_168 = arith.constant 16 : index
      %get3A_169 = tpu.vector_load %arg13[%get3A_167, %get3A_168] {strides = array<i32>} : memref<128x128xf32, #tpu.memory_space<vmem>>, vector<16xf32>,
      %mul3A_170 = arith.mulf %get3A_166, %get3A_169 : vector<16xf32>
      %get3A_171 = arith.index_cast %scan3A_150 : i32 to index
      %get3A_172 = arith.constant 16 : index
      %get3A_173 = tpu.vector_load %arg14[%get3A_171, %get3A_172] {strides = array<i32>} : memref<128x128xf32, #tpu.memory_space<vmem>>, vector<16xf32>,
      %mul3A_174 = arith.mulf %mul3A_170, %get3A_173 : vector<16xf32>
      %add3A_175 = arith.addf %add3A_163, %mul3A_174 : vector<16xf32>
      %get3A_176 = arith.index_cast %scan3A_150 : i32 to index
      %get3A_177 = arith.constant 32 : index
      %get3A_178 = tpu.vector_load %arg12[%get3A_176, %get3A_177] {strides = array<i32>} : memref<128x128xf32, #tpu.memory_space<vmem>>, vector<16xf32>,
      %get3A_179 = arith.index_cast %scan3A_150 : i32 to index
      %get3A_180 = arith.constant 32 : index
      %get3A_181 = tpu.vector_load %arg13[%get3A_179, %get3A_180] {strides = array<i32>} : memref<128x128xf32, #tpu.memory_space<vmem>>, vector<16xf32>,
      %mul3A_182 = arith.mulf %get3A_178, %get3A_181 : vector<16xf32>
      %get3A_183 = arith.index_cast %scan3A_150 : i32 to index
      %get3A_184 = arith.constant 32 : index
      %get3A_185 = tpu.vector_load %arg14[%get3A_183, %get3A_184] {strides = array<i32>} : memref<128x128xf32, #tpu.memory_space<vmem>>, vector<16xf32>,
      %mul3A_186 = arith.mulf %mul3A_182, %get3A_185 : vector<16xf32>
      %add3A_187 = arith.addf %add3A_175, %mul3A_186 : vector<16xf32>
      %get3A_188 = arith.index_cast %scan3A_150 : i32 to index
      %get3A_189 = arith.constant 48 : index
      %get3A_190 = tpu.vector_load %arg12[%get3A_188, %get3A_189] {strides = array<i32>} : memref<128x128xf32, #tpu.memory_space<vmem>>, vector<16xf32>,
      %get3A_191 = arith.index_cast %scan3A_150 : i32 to index
      %get3A_192 = arith.constant 48 : index
      %get3A_193 = tpu.vector_load %arg13[%get3A_191, %get3A_192] {strides = array<i32>} : memref<128x128xf32, #tpu.memory_space<vmem>>, vector<16xf32>,
      %mul3A_194 = arith.mulf %get3A_190, %get3A_193 : vector<16xf32>
      %get3A_195 = arith.index_cast %scan3A_150 : i32 to index
      %get3A_196 = arith.constant 48 : index
      %get3A_197 = tpu.vector_load %arg14[%get3A_195, %get3A_196] {strides = array<i32>} : memref<128x128xf32, #tpu.memory_space<vmem>>, vector<16xf32>,
      %mul3A_198 = arith.mulf %mul3A_194, %get3A_197 : vector<16xf32>
      %add3A_199 = arith.addf %add3A_187, %mul3A_198 : vector<16xf32>
      %reduce_sum3A = arith.constant true
      %reduce_sum3A_200 = vector.broadcast %reduce_sum3A : i1 to vector<16xi1>
      %reduce_sum3A_201 = tpu.scan <sum>, %add3A_199 masked %reduce_sum3A_200 : vector<16xf32>, vector<16xi1> -> vector<16xf32>
      %reduce_sum3A_202 = vector.extract %reduce_sum3A_201[15] : f32 from vector<16xf32>
      %broadcast_in_dim3A_203 = arith.constant 0 : i32
      %broadcast_in_dim3A_204 = vector.broadcast %broadcast_in_dim3A_203 : i32 to vector<16xi32>
      %add3A_205 = vector.broadcast %scan3A_150 : i32 to vector<16xi32>
      %add3A_206 = arith.addi %broadcast_in_dim3A_204, %add3A_205 : vector<16xi32>
      %broadcast_in_dim3A_207 = vector.broadcast %reduce_sum3A_202 : f32 to vector<16xf32>
      tpu.vector_store_idx %arg15[%add3A_206], %broadcast_in_dim3A_207 masked %eq3A_4 : memref<512xf32, #tpu.memory_space<vmem>>[vector<16xi32>], vector<16xf32>, vector<16xi1>
      %scan3A_208 = arith.constant 0 : i32
      scf.yield %scan3A_208 : i32
    }
    %scan3A_38 = arith.constant 128 : i32
    %dma_start3A_39 = arith.constant 128 : i32
    %dma_start3A_40 = tpu.memref_slice %arg9[%dma_start3A_39] : memref<512xi32, #tpu.memory_space<vmem>> -> memref<128xi32, #tpu.memory_space<vmem>>
    %dma_start3A_41 = arith.constant 0 : i32
    %dma_start3A_42 = arith.constant 0 : i32
    %dma_start3A_43 = tpu.memref_slice %arg5[%dma_start3A_41, %dma_start3A_42] : memref<100000x128xf32, #tpu.memory_space<hbm>> -> memref<100000x128xf32, #tpu.memory_space<hbm>>
    tpu.enqueue_indirect_dma source(%dma_start3A_43 : memref<100000x128xf32, #tpu.memory_space<hbm>>) target(%arg12 : memref<128x128xf32, #tpu.memory_space<vmem>>) offsets(%dma_start3A_40 : memref<128xi32, #tpu.memory_space<vmem>>) semaphore(%arg16 : memref<!tpu.dma_semaphore, #tpu.memory_space<semaphore_mem>>)
    %dma_start3A_44 = arith.constant 128 : i32
    %dma_start3A_45 = tpu.memref_slice %arg10[%dma_start3A_44] : memref<512xi32, #tpu.memory_space<vmem>> -> memref<128xi32, #tpu.memory_space<vmem>>
    %dma_start3A_46 = arith.constant 0 : i32
    %dma_start3A_47 = arith.constant 0 : i32
    %dma_start3A_48 = tpu.memref_slice %arg6[%dma_start3A_46, %dma_start3A_47] : memref<100000x128xf32, #tpu.memory_space<hbm>> -> memref<100000x128xf32, #tpu.memory_space<hbm>>
    tpu.enqueue_indirect_dma source(%dma_start3A_48 : memref<100000x128xf32, #tpu.memory_space<hbm>>) target(%arg13 : memref<128x128xf32, #tpu.memory_space<vmem>>) offsets(%dma_start3A_45 : memref<128xi32, #tpu.memory_space<vmem>>) semaphore(%arg16 : memref<!tpu.dma_semaphore, #tpu.memory_space<semaphore_mem>>)
    %dma_start3A_49 = arith.constant 128 : i32
    %dma_start3A_50 = tpu.memref_slice %arg11[%dma_start3A_49] : memref<512xi32, #tpu.memory_space<vmem>> -> memref<128xi32, #tpu.memory_space<vmem>>
    %dma_start3A_51 = arith.constant 0 : i32
    %dma_start3A_52 = arith.constant 0 : i32
    %dma_start3A_53 = tpu.memref_slice %arg7[%dma_start3A_51, %dma_start3A_52] : memref<100000x128xf32, #tpu.memory_space<hbm>> -> memref<100000x128xf32, #tpu.memory_space<hbm>>
    tpu.enqueue_indirect_dma source(%dma_start3A_53 : memref<100000x128xf32, #tpu.memory_space<hbm>>) target(%arg14 : memref<128x128xf32, #tpu.memory_space<vmem>>) offsets(%dma_start3A_50 : memref<128xi32, #tpu.memory_space<vmem>>) semaphore(%arg16 : memref<!tpu.dma_semaphore, #tpu.memory_space<semaphore_mem>>)
    %dma_wait3A_54 = arith.constant 128 : i32
    %dma_wait3A_55 = tpu.memref_slice %arg9[%dma_wait3A_54] : memref<512xi32, #tpu.memory_space<vmem>> -> memref<128xi32, #tpu.memory_space<vmem>>
    %dma_wait3A_56 = arith.constant 0 : i32
    %dma_wait3A_57 = arith.constant 0 : i32
    %dma_wait3A_58 = tpu.memref_slice %arg5[%dma_wait3A_56, %dma_wait3A_57] : memref<100000x128xf32, #tpu.memory_space<hbm>> -> memref<100000x128xf32, #tpu.memory_space<hbm>>
    tpu.wait_indirect_dma semaphore(%arg16 : memref<!tpu.dma_semaphore, #tpu.memory_space<semaphore_mem>>) src(%dma_wait3A_58 : memref<100000x128xf32, #tpu.memory_space<hbm>>) dst(%arg12 : memref<128x128xf32, #tpu.memory_space<vmem>>)
    %dma_wait3A_59 = arith.constant 128 : i32
    %dma_wait3A_60 = tpu.memref_slice %arg10[%dma_wait3A_59] : memref<512xi32, #tpu.memory_space<vmem>> -> memref<128xi32, #tpu.memory_space<vmem>>
    %dma_wait3A_61 = arith.constant 0 : i32
    %dma_wait3A_62 = arith.constant 0 : i32
    %dma_wait3A_63 = tpu.memref_slice %arg6[%dma_wait3A_61, %dma_wait3A_62] : memref<100000x128xf32, #tpu.memory_space<hbm>> -> memref<100000x128xf32, #tpu.memory_space<hbm>>
    tpu.wait_indirect_dma semaphore(%arg16 : memref<!tpu.dma_semaphore, #tpu.memory_space<semaphore_mem>>) src(%dma_wait3A_63 : memref<100000x128xf32, #tpu.memory_space<hbm>>) dst(%arg13 : memref<128x128xf32, #tpu.memory_space<vmem>>)
    %dma_wait3A_64 = arith.constant 128 : i32
    %dma_wait3A_65 = tpu.memref_slice %arg11[%dma_wait3A_64] : memref<512xi32, #tpu.memory_space<vmem>> -> memref<128xi32, #tpu.memory_space<vmem>>
    %dma_wait3A_66 = arith.constant 0 : i32
    %dma_wait3A_67 = arith.constant 0 : i32
    %dma_wait3A_68 = tpu.memref_slice %arg7[%dma_wait3A_66, %dma_wait3A_67] : memref<100000x128xf32, #tpu.memory_space<hbm>> -> memref<100000x128xf32, #tpu.memory_space<hbm>>
    tpu.wait_indirect_dma semaphore(%arg16 : memref<!tpu.dma_semaphore, #tpu.memory_space<semaphore_mem>>) src(%dma_wait3A_68 : memref<100000x128xf32, #tpu.memory_space<hbm>>) dst(%arg14 : memref<128x128xf32, #tpu.memory_space<vmem>>)
    %scan3A_69 = arith.constant 0 : i32
    %scan3A_70 = arith.constant 0 : i32
    %scan3A_71 = arith.constant 128 : i32
    %scan3A_72 = arith.addi %scan3A_70, %scan3A_71 : i32
    %scan3A_73 = arith.constant 1 : i32
    %scan3A_74 = scf.for %scan3A_150 = %scan3A_70 to %scan3A_72 step %scan3A_73 iter_args(%scan3A_151 = %scan3A_69) -> (i32)  : i32 {
      %broadcast_in_dim3A = arith.constant 0.000000e+00 : f32
      %broadcast_in_dim3A_152 = vector.broadcast %broadcast_in_dim3A : f32 to vector<16xf32>
      %get3A = arith.index_cast %scan3A_150 : i32 to index
      %get3A_153 = arith.constant 0 : index
      %get3A_154 = tpu.vector_load %arg12[%get3A, %get3A_153] {strides = array<i32>} : memref<128x128xf32, #tpu.memory_space<vmem>>, vector<16xf32>,
      %get3A_155 = arith.index_cast %scan3A_150 : i32 to index
      %get3A_156 = arith.constant 0 : index
      %get3A_157 = tpu.vector_load %arg13[%get3A_155, %get3A_156] {strides = array<i32>} : memref<128x128xf32, #tpu.memory_space<vmem>>, vector<16xf32>,
      %mul3A_158 = arith.mulf %get3A_154, %get3A_157 : vector<16xf32>
      %get3A_159 = arith.index_cast %scan3A_150 : i32 to index
      %get3A_160 = arith.constant 0 : index
      %get3A_161 = tpu.vector_load %arg14[%get3A_159, %get3A_160] {strides = array<i32>} : memref<128x128xf32, #tpu.memory_space<vmem>>, vector<16xf32>,
      %mul3A_162 = arith.mulf %mul3A_158, %get3A_161 : vector<16xf32>
      %add3A_163 = arith.addf %broadcast_in_dim3A_152, %mul3A_162 : vector<16xf32>
      %get3A_164 = arith.index_cast %scan3A_150 : i32 to index
      %get3A_165 = arith.constant 16 : index
      %get3A_166 = tpu.vector_load %arg12[%get3A_164, %get3A_165] {strides = array<i32>} : memref<128x128xf32, #tpu.memory_space<vmem>>, vector<16xf32>,
      %get3A_167 = arith.index_cast %scan3A_150 : i32 to index
      %get3A_168 = arith.constant 16 : index
      %get3A_169 = tpu.vector_load %arg13[%get3A_167, %get3A_168] {strides = array<i32>} : memref<128x128xf32, #tpu.memory_space<vmem>>, vector<16xf32>,
      %mul3A_170 = arith.mulf %get3A_166, %get3A_169 : vector<16xf32>
      %get3A_171 = arith.index_cast %scan3A_150 : i32 to index
      %get3A_172 = arith.constant 16 : index
      %get3A_173 = tpu.vector_load %arg14[%get3A_171, %get3A_172] {strides = array<i32>} : memref<128x128xf32, #tpu.memory_space<vmem>>, vector<16xf32>,
      %mul3A_174 = arith.mulf %mul3A_170, %get3A_173 : vector<16xf32>
      %add3A_175 = arith.addf %add3A_163, %mul3A_174 : vector<16xf32>
      %get3A_176 = arith.index_cast %scan3A_150 : i32 to index
      %get3A_177 = arith.constant 32 : index
      %get3A_178 = tpu.vector_load %arg12[%get3A_176, %get3A_177] {strides = array<i32>} : memref<128x128xf32, #tpu.memory_space<vmem>>, vector<16xf32>,
      %get3A_179 = arith.index_cast %scan3A_150 : i32 to index
      %get3A_180 = arith.constant 32 : index
      %get3A_181 = tpu.vector_load %arg13[%get3A_179, %get3A_180] {strides = array<i32>} : memref<128x128xf32, #tpu.memory_space<vmem>>, vector<16xf32>,
      %mul3A_182 = arith.mulf %get3A_178, %get3A_181 : vector<16xf32>
      %get3A_183 = arith.index_cast %scan3A_150 : i32 to index
      %get3A_184 = arith.constant 32 : index
      %get3A_185 = tpu.vector_load %arg14[%get3A_183, %get3A_184] {strides = array<i32>} : memref<128x128xf32, #tpu.memory_space<vmem>>, vector<16xf32>,
      %mul3A_186 = arith.mulf %mul3A_182, %get3A_185 : vector<16xf32>
      %add3A_187 = arith.addf %add3A_175, %mul3A_186 : vector<16xf32>
      %get3A_188 = arith.index_cast %scan3A_150 : i32 to index
      %get3A_189 = arith.constant 48 : index
      %get3A_190 = tpu.vector_load %arg12[%get3A_188, %get3A_189] {strides = array<i32>} : memref<128x128xf32, #tpu.memory_space<vmem>>, vector<16xf32>,
      %get3A_191 = arith.index_cast %scan3A_150 : i32 to index
      %get3A_192 = arith.constant 48 : index
      %get3A_193 = tpu.vector_load %arg13[%get3A_191, %get3A_192] {strides = array<i32>} : memref<128x128xf32, #tpu.memory_space<vmem>>, vector<16xf32>,
      %mul3A_194 = arith.mulf %get3A_190, %get3A_193 : vector<16xf32>
      %get3A_195 = arith.index_cast %scan3A_150 : i32 to index
      %get3A_196 = arith.constant 48 : index
      %get3A_197 = tpu.vector_load %arg14[%get3A_195, %get3A_196] {strides = array<i32>} : memref<128x128xf32, #tpu.memory_space<vmem>>, vector<16xf32>,
      %mul3A_198 = arith.mulf %mul3A_194, %get3A_197 : vector<16xf32>
      %add3A_199 = arith.addf %add3A_187, %mul3A_198 : vector<16xf32>
      %reduce_sum3A = arith.constant true
      %reduce_sum3A_200 = vector.broadcast %reduce_sum3A : i1 to vector<16xi1>
      %reduce_sum3A_201 = tpu.scan <sum>, %add3A_199 masked %reduce_sum3A_200 : vector<16xf32>, vector<16xi1> -> vector<16xf32>
      %reduce_sum3A_202 = vector.extract %reduce_sum3A_201[15] : f32 from vector<16xf32>
      %broadcast_in_dim3A_203 = arith.constant 128 : i32
      %broadcast_in_dim3A_204 = vector.broadcast %broadcast_in_dim3A_203 : i32 to vector<16xi32>
      %add3A_205 = vector.broadcast %scan3A_150 : i32 to vector<16xi32>
      %add3A_206 = arith.addi %broadcast_in_dim3A_204, %add3A_205 : vector<16xi32>
      %broadcast_in_dim3A_207 = vector.broadcast %reduce_sum3A_202 : f32 to vector<16xf32>
      tpu.vector_store_idx %arg15[%add3A_206], %broadcast_in_dim3A_207 masked %eq3A_4 : memref<512xf32, #tpu.memory_space<vmem>>[vector<16xi32>], vector<16xf32>, vector<16xi1>
      %scan3A_208 = arith.constant 0 : i32
      scf.yield %scan3A_208 : i32
    }
    %scan3A_75 = arith.constant 128 : i32
    %dma_start3A_76 = arith.constant 256 : i32
    %dma_start3A_77 = tpu.memref_slice %arg9[%dma_start3A_76] : memref<512xi32, #tpu.memory_space<vmem>> -> memref<128xi32, #tpu.memory_space<vmem>>
    %dma_start3A_78 = arith.constant 0 : i32
    %dma_start3A_79 = arith.constant 0 : i32
    %dma_start3A_80 = tpu.memref_slice %arg5[%dma_start3A_78, %dma_start3A_79] : memref<100000x128xf32, #tpu.memory_space<hbm>> -> memref<100000x128xf32, #tpu.memory_space<hbm>>
    tpu.enqueue_indirect_dma source(%dma_start3A_80 : memref<100000x128xf32, #tpu.memory_space<hbm>>) target(%arg12 : memref<128x128xf32, #tpu.memory_space<vmem>>) offsets(%dma_start3A_77 : memref<128xi32, #tpu.memory_space<vmem>>) semaphore(%arg16 : memref<!tpu.dma_semaphore, #tpu.memory_space<semaphore_mem>>)
    %dma_start3A_81 = arith.constant 256 : i32
    %dma_start3A_82 = tpu.memref_slice %arg10[%dma_start3A_81] : memref<512xi32, #tpu.memory_space<vmem>> -> memref<128xi32, #tpu.memory_space<vmem>>
    %dma_start3A_83 = arith.constant 0 : i32
    %dma_start3A_84 = arith.constant 0 : i32
    %dma_start3A_85 = tpu.memref_slice %arg6[%dma_start3A_83, %dma_start3A_84] : memref<100000x128xf32, #tpu.memory_space<hbm>> -> memref<100000x128xf32, #tpu.memory_space<hbm>>
    tpu.enqueue_indirect_dma source(%dma_start3A_85 : memref<100000x128xf32, #tpu.memory_space<hbm>>) target(%arg13 : memref<128x128xf32, #tpu.memory_space<vmem>>) offsets(%dma_start3A_82 : memref<128xi32, #tpu.memory_space<vmem>>) semaphore(%arg16 : memref<!tpu.dma_semaphore, #tpu.memory_space<semaphore_mem>>)
    %dma_start3A_86 = arith.constant 256 : i32
    %dma_start3A_87 = tpu.memref_slice %arg11[%dma_start3A_86] : memref<512xi32, #tpu.memory_space<vmem>> -> memref<128xi32, #tpu.memory_space<vmem>>
    %dma_start3A_88 = arith.constant 0 : i32
    %dma_start3A_89 = arith.constant 0 : i32
    %dma_start3A_90 = tpu.memref_slice %arg7[%dma_start3A_88, %dma_start3A_89] : memref<100000x128xf32, #tpu.memory_space<hbm>> -> memref<100000x128xf32, #tpu.memory_space<hbm>>
    tpu.enqueue_indirect_dma source(%dma_start3A_90 : memref<100000x128xf32, #tpu.memory_space<hbm>>) target(%arg14 : memref<128x128xf32, #tpu.memory_space<vmem>>) offsets(%dma_start3A_87 : memref<128xi32, #tpu.memory_space<vmem>>) semaphore(%arg16 : memref<!tpu.dma_semaphore, #tpu.memory_space<semaphore_mem>>)
    %dma_wait3A_91 = arith.constant 256 : i32
    %dma_wait3A_92 = tpu.memref_slice %arg9[%dma_wait3A_91] : memref<512xi32, #tpu.memory_space<vmem>> -> memref<128xi32, #tpu.memory_space<vmem>>
    %dma_wait3A_93 = arith.constant 0 : i32
    %dma_wait3A_94 = arith.constant 0 : i32
    %dma_wait3A_95 = tpu.memref_slice %arg5[%dma_wait3A_93, %dma_wait3A_94] : memref<100000x128xf32, #tpu.memory_space<hbm>> -> memref<100000x128xf32, #tpu.memory_space<hbm>>
    tpu.wait_indirect_dma semaphore(%arg16 : memref<!tpu.dma_semaphore, #tpu.memory_space<semaphore_mem>>) src(%dma_wait3A_95 : memref<100000x128xf32, #tpu.memory_space<hbm>>) dst(%arg12 : memref<128x128xf32, #tpu.memory_space<vmem>>)
    %dma_wait3A_96 = arith.constant 256 : i32
    %dma_wait3A_97 = tpu.memref_slice %arg10[%dma_wait3A_96] : memref<512xi32, #tpu.memory_space<vmem>> -> memref<128xi32, #tpu.memory_space<vmem>>
    %dma_wait3A_98 = arith.constant 0 : i32
    %dma_wait3A_99 = arith.constant 0 : i32
    %dma_wait3A_100 = tpu.memref_slice %arg6[%dma_wait3A_98, %dma_wait3A_99] : memref<100000x128xf32, #tpu.memory_space<hbm>> -> memref<100000x128xf32, #tpu.memory_space<hbm>>
    tpu.wait_indirect_dma semaphore(%arg16 : memref<!tpu.dma_semaphore, #tpu.memory_space<semaphore_mem>>) src(%dma_wait3A_100 : memref<100000x128xf32, #tpu.memory_space<hbm>>) dst(%arg13 : memref<128x128xf32, #tpu.memory_space<vmem>>)
    %dma_wait3A_101 = arith.constant 256 : i32
    %dma_wait3A_102 = tpu.memref_slice %arg11[%dma_wait3A_101] : memref<512xi32, #tpu.memory_space<vmem>> -> memref<128xi32, #tpu.memory_space<vmem>>
    %dma_wait3A_103 = arith.constant 0 : i32
    %dma_wait3A_104 = arith.constant 0 : i32
    %dma_wait3A_105 = tpu.memref_slice %arg7[%dma_wait3A_103, %dma_wait3A_104] : memref<100000x128xf32, #tpu.memory_space<hbm>> -> memref<100000x128xf32, #tpu.memory_space<hbm>>
    tpu.wait_indirect_dma semaphore(%arg16 : memref<!tpu.dma_semaphore, #tpu.memory_space<semaphore_mem>>) src(%dma_wait3A_105 : memref<100000x128xf32, #tpu.memory_space<hbm>>) dst(%arg14 : memref<128x128xf32, #tpu.memory_space<vmem>>)
    %scan3A_106 = arith.constant 0 : i32
    %scan3A_107 = arith.constant 0 : i32
    %scan3A_108 = arith.constant 128 : i32
    %scan3A_109 = arith.addi %scan3A_107, %scan3A_108 : i32
    %scan3A_110 = arith.constant 1 : i32
    %scan3A_111 = scf.for %scan3A_150 = %scan3A_107 to %scan3A_109 step %scan3A_110 iter_args(%scan3A_151 = %scan3A_106) -> (i32)  : i32 {
      %broadcast_in_dim3A = arith.constant 0.000000e+00 : f32
      %broadcast_in_dim3A_152 = vector.broadcast %broadcast_in_dim3A : f32 to vector<16xf32>
      %get3A = arith.index_cast %scan3A_150 : i32 to index
      %get3A_153 = arith.constant 0 : index
      %get3A_154 = tpu.vector_load %arg12[%get3A, %get3A_153] {strides = array<i32>} : memref<128x128xf32, #tpu.memory_space<vmem>>, vector<16xf32>,
      %get3A_155 = arith.index_cast %scan3A_150 : i32 to index
      %get3A_156 = arith.constant 0 : index
      %get3A_157 = tpu.vector_load %arg13[%get3A_155, %get3A_156] {strides = array<i32>} : memref<128x128xf32, #tpu.memory_space<vmem>>, vector<16xf32>,
      %mul3A_158 = arith.mulf %get3A_154, %get3A_157 : vector<16xf32>
      %get3A_159 = arith.index_cast %scan3A_150 : i32 to index
      %get3A_160 = arith.constant 0 : index
      %get3A_161 = tpu.vector_load %arg14[%get3A_159, %get3A_160] {strides = array<i32>} : memref<128x128xf32, #tpu.memory_space<vmem>>, vector<16xf32>,
      %mul3A_162 = arith.mulf %mul3A_158, %get3A_161 : vector<16xf32>
      %add3A_163 = arith.addf %broadcast_in_dim3A_152, %mul3A_162 : vector<16xf32>
      %get3A_164 = arith.index_cast %scan3A_150 : i32 to index
      %get3A_165 = arith.constant 16 : index
      %get3A_166 = tpu.vector_load %arg12[%get3A_164, %get3A_165] {strides = array<i32>} : memref<128x128xf32, #tpu.memory_space<vmem>>, vector<16xf32>,
      %get3A_167 = arith.index_cast %scan3A_150 : i32 to index
      %get3A_168 = arith.constant 16 : index
      %get3A_169 = tpu.vector_load %arg13[%get3A_167, %get3A_168] {strides = array<i32>} : memref<128x128xf32, #tpu.memory_space<vmem>>, vector<16xf32>,
      %mul3A_170 = arith.mulf %get3A_166, %get3A_169 : vector<16xf32>
      %get3A_171 = arith.index_cast %scan3A_150 : i32 to index
      %get3A_172 = arith.constant 16 : index
      %get3A_173 = tpu.vector_load %arg14[%get3A_171, %get3A_172] {strides = array<i32>} : memref<128x128xf32, #tpu.memory_space<vmem>>, vector<16xf32>,
      %mul3A_174 = arith.mulf %mul3A_170, %get3A_173 : vector<16xf32>
      %add3A_175 = arith.addf %add3A_163, %mul3A_174 : vector<16xf32>
      %get3A_176 = arith.index_cast %scan3A_150 : i32 to index
      %get3A_177 = arith.constant 32 : index
      %get3A_178 = tpu.vector_load %arg12[%get3A_176, %get3A_177] {strides = array<i32>} : memref<128x128xf32, #tpu.memory_space<vmem>>, vector<16xf32>,
      %get3A_179 = arith.index_cast %scan3A_150 : i32 to index
      %get3A_180 = arith.constant 32 : index
      %get3A_181 = tpu.vector_load %arg13[%get3A_179, %get3A_180] {strides = array<i32>} : memref<128x128xf32, #tpu.memory_space<vmem>>, vector<16xf32>,
      %mul3A_182 = arith.mulf %get3A_178, %get3A_181 : vector<16xf32>
      %get3A_183 = arith.index_cast %scan3A_150 : i32 to index
      %get3A_184 = arith.constant 32 : index
      %get3A_185 = tpu.vector_load %arg14[%get3A_183, %get3A_184] {strides = array<i32>} : memref<128x128xf32, #tpu.memory_space<vmem>>, vector<16xf32>,
      %mul3A_186 = arith.mulf %mul3A_182, %get3A_185 : vector<16xf32>
      %add3A_187 = arith.addf %add3A_175, %mul3A_186 : vector<16xf32>
      %get3A_188 = arith.index_cast %scan3A_150 : i32 to index
      %get3A_189 = arith.constant 48 : index
      %get3A_190 = tpu.vector_load %arg12[%get3A_188, %get3A_189] {strides = array<i32>} : memref<128x128xf32, #tpu.memory_space<vmem>>, vector<16xf32>,
      %get3A_191 = arith.index_cast %scan3A_150 : i32 to index
      %get3A_192 = arith.constant 48 : index
      %get3A_193 = tpu.vector_load %arg13[%get3A_191, %get3A_192] {strides = array<i32>} : memref<128x128xf32, #tpu.memory_space<vmem>>, vector<16xf32>,
      %mul3A_194 = arith.mulf %get3A_190, %get3A_193 : vector<16xf32>
      %get3A_195 = arith.index_cast %scan3A_150 : i32 to index
      %get3A_196 = arith.constant 48 : index
      %get3A_197 = tpu.vector_load %arg14[%get3A_195, %get3A_196] {strides = array<i32>} : memref<128x128xf32, #tpu.memory_space<vmem>>, vector<16xf32>,
      %mul3A_198 = arith.mulf %mul3A_194, %get3A_197 : vector<16xf32>
      %add3A_199 = arith.addf %add3A_187, %mul3A_198 : vector<16xf32>
      %reduce_sum3A = arith.constant true
      %reduce_sum3A_200 = vector.broadcast %reduce_sum3A : i1 to vector<16xi1>
      %reduce_sum3A_201 = tpu.scan <sum>, %add3A_199 masked %reduce_sum3A_200 : vector<16xf32>, vector<16xi1> -> vector<16xf32>
      %reduce_sum3A_202 = vector.extract %reduce_sum3A_201[15] : f32 from vector<16xf32>
      %broadcast_in_dim3A_203 = arith.constant 256 : i32
      %broadcast_in_dim3A_204 = vector.broadcast %broadcast_in_dim3A_203 : i32 to vector<16xi32>
      %add3A_205 = vector.broadcast %scan3A_150 : i32 to vector<16xi32>
      %add3A_206 = arith.addi %broadcast_in_dim3A_204, %add3A_205 : vector<16xi32>
      %broadcast_in_dim3A_207 = vector.broadcast %reduce_sum3A_202 : f32 to vector<16xf32>
      tpu.vector_store_idx %arg15[%add3A_206], %broadcast_in_dim3A_207 masked %eq3A_4 : memref<512xf32, #tpu.memory_space<vmem>>[vector<16xi32>], vector<16xf32>, vector<16xi1>
      %scan3A_208 = arith.constant 0 : i32
      scf.yield %scan3A_208 : i32
    }
    %scan3A_112 = arith.constant 128 : i32
    %dma_start3A_113 = arith.constant 384 : i32
    %dma_start3A_114 = tpu.memref_slice %arg9[%dma_start3A_113] : memref<512xi32, #tpu.memory_space<vmem>> -> memref<128xi32, #tpu.memory_space<vmem>>
    %dma_start3A_115 = arith.constant 0 : i32
    %dma_start3A_116 = arith.constant 0 : i32
    %dma_start3A_117 = tpu.memref_slice %arg5[%dma_start3A_115, %dma_start3A_116] : memref<100000x128xf32, #tpu.memory_space<hbm>> -> memref<100000x128xf32, #tpu.memory_space<hbm>>
    tpu.enqueue_indirect_dma source(%dma_start3A_117 : memref<100000x128xf32, #tpu.memory_space<hbm>>) target(%arg12 : memref<128x128xf32, #tpu.memory_space<vmem>>) offsets(%dma_start3A_114 : memref<128xi32, #tpu.memory_space<vmem>>) semaphore(%arg16 : memref<!tpu.dma_semaphore, #tpu.memory_space<semaphore_mem>>)
    %dma_start3A_118 = arith.constant 384 : i32
    %dma_start3A_119 = tpu.memref_slice %arg10[%dma_start3A_118] : memref<512xi32, #tpu.memory_space<vmem>> -> memref<128xi32, #tpu.memory_space<vmem>>
    %dma_start3A_120 = arith.constant 0 : i32
    %dma_start3A_121 = arith.constant 0 : i32
    %dma_start3A_122 = tpu.memref_slice %arg6[%dma_start3A_120, %dma_start3A_121] : memref<100000x128xf32, #tpu.memory_space<hbm>> -> memref<100000x128xf32, #tpu.memory_space<hbm>>
    tpu.enqueue_indirect_dma source(%dma_start3A_122 : memref<100000x128xf32, #tpu.memory_space<hbm>>) target(%arg13 : memref<128x128xf32, #tpu.memory_space<vmem>>) offsets(%dma_start3A_119 : memref<128xi32, #tpu.memory_space<vmem>>) semaphore(%arg16 : memref<!tpu.dma_semaphore, #tpu.memory_space<semaphore_mem>>)
    %dma_start3A_123 = arith.constant 384 : i32
    %dma_start3A_124 = tpu.memref_slice %arg11[%dma_start3A_123] : memref<512xi32, #tpu.memory_space<vmem>> -> memref<128xi32, #tpu.memory_space<vmem>>
    %dma_start3A_125 = arith.constant 0 : i32
    %dma_start3A_126 = arith.constant 0 : i32
    %dma_start3A_127 = tpu.memref_slice %arg7[%dma_start3A_125, %dma_start3A_126] : memref<100000x128xf32, #tpu.memory_space<hbm>> -> memref<100000x128xf32, #tpu.memory_space<hbm>>
    tpu.enqueue_indirect_dma source(%dma_start3A_127 : memref<100000x128xf32, #tpu.memory_space<hbm>>) target(%arg14 : memref<128x128xf32, #tpu.memory_space<vmem>>) offsets(%dma_start3A_124 : memref<128xi32, #tpu.memory_space<vmem>>) semaphore(%arg16 : memref<!tpu.dma_semaphore, #tpu.memory_space<semaphore_mem>>)
    %dma_wait3A_128 = arith.constant 384 : i32
    %dma_wait3A_129 = tpu.memref_slice %arg9[%dma_wait3A_128] : memref<512xi32, #tpu.memory_space<vmem>> -> memref<128xi32, #tpu.memory_space<vmem>>
    %dma_wait3A_130 = arith.constant 0 : i32
    %dma_wait3A_131 = arith.constant 0 : i32
    %dma_wait3A_132 = tpu.memref_slice %arg5[%dma_wait3A_130, %dma_wait3A_131] : memref<100000x128xf32, #tpu.memory_space<hbm>> -> memref<100000x128xf32, #tpu.memory_space<hbm>>
    tpu.wait_indirect_dma semaphore(%arg16 : memref<!tpu.dma_semaphore, #tpu.memory_space<semaphore_mem>>) src(%dma_wait3A_132 : memref<100000x128xf32, #tpu.memory_space<hbm>>) dst(%arg12 : memref<128x128xf32, #tpu.memory_space<vmem>>)
    %dma_wait3A_133 = arith.constant 384 : i32
    %dma_wait3A_134 = tpu.memref_slice %arg10[%dma_wait3A_133] : memref<512xi32, #tpu.memory_space<vmem>> -> memref<128xi32, #tpu.memory_space<vmem>>
    %dma_wait3A_135 = arith.constant 0 : i32
    %dma_wait3A_136 = arith.constant 0 : i32
    %dma_wait3A_137 = tpu.memref_slice %arg6[%dma_wait3A_135, %dma_wait3A_136] : memref<100000x128xf32, #tpu.memory_space<hbm>> -> memref<100000x128xf32, #tpu.memory_space<hbm>>
    tpu.wait_indirect_dma semaphore(%arg16 : memref<!tpu.dma_semaphore, #tpu.memory_space<semaphore_mem>>) src(%dma_wait3A_137 : memref<100000x128xf32, #tpu.memory_space<hbm>>) dst(%arg13 : memref<128x128xf32, #tpu.memory_space<vmem>>)
    %dma_wait3A_138 = arith.constant 384 : i32
    %dma_wait3A_139 = tpu.memref_slice %arg11[%dma_wait3A_138] : memref<512xi32, #tpu.memory_space<vmem>> -> memref<128xi32, #tpu.memory_space<vmem>>
    %dma_wait3A_140 = arith.constant 0 : i32
    %dma_wait3A_141 = arith.constant 0 : i32
    %dma_wait3A_142 = tpu.memref_slice %arg7[%dma_wait3A_140, %dma_wait3A_141] : memref<100000x128xf32, #tpu.memory_space<hbm>> -> memref<100000x128xf32, #tpu.memory_space<hbm>>
    tpu.wait_indirect_dma semaphore(%arg16 : memref<!tpu.dma_semaphore, #tpu.memory_space<semaphore_mem>>) src(%dma_wait3A_142 : memref<100000x128xf32, #tpu.memory_space<hbm>>) dst(%arg14 : memref<128x128xf32, #tpu.memory_space<vmem>>)
    %scan3A_143 = arith.constant 0 : i32
    %scan3A_144 = arith.constant 0 : i32
    %scan3A_145 = arith.constant 128 : i32
    %scan3A_146 = arith.addi %scan3A_144, %scan3A_145 : i32
    %scan3A_147 = arith.constant 1 : i32
    %scan3A_148 = scf.for %scan3A_150 = %scan3A_144 to %scan3A_146 step %scan3A_147 iter_args(%scan3A_151 = %scan3A_143) -> (i32)  : i32 {
      %broadcast_in_dim3A = arith.constant 0.000000e+00 : f32
      %broadcast_in_dim3A_152 = vector.broadcast %broadcast_in_dim3A : f32 to vector<16xf32>
      %get3A = arith.index_cast %scan3A_150 : i32 to index
      %get3A_153 = arith.constant 0 : index
      %get3A_154 = tpu.vector_load %arg12[%get3A, %get3A_153] {strides = array<i32>} : memref<128x128xf32, #tpu.memory_space<vmem>>, vector<16xf32>,
      %get3A_155 = arith.index_cast %scan3A_150 : i32 to index
      %get3A_156 = arith.constant 0 : index
      %get3A_157 = tpu.vector_load %arg13[%get3A_155, %get3A_156] {strides = array<i32>} : memref<128x128xf32, #tpu.memory_space<vmem>>, vector<16xf32>,
      %mul3A_158 = arith.mulf %get3A_154, %get3A_157 : vector<16xf32>
      %get3A_159 = arith.index_cast %scan3A_150 : i32 to index
      %get3A_160 = arith.constant 0 : index
      %get3A_161 = tpu.vector_load %arg14[%get3A_159, %get3A_160] {strides = array<i32>} : memref<128x128xf32, #tpu.memory_space<vmem>>, vector<16xf32>,
      %mul3A_162 = arith.mulf %mul3A_158, %get3A_161 : vector<16xf32>
      %add3A_163 = arith.addf %broadcast_in_dim3A_152, %mul3A_162 : vector<16xf32>
      %get3A_164 = arith.index_cast %scan3A_150 : i32 to index
      %get3A_165 = arith.constant 16 : index
      %get3A_166 = tpu.vector_load %arg12[%get3A_164, %get3A_165] {strides = array<i32>} : memref<128x128xf32, #tpu.memory_space<vmem>>, vector<16xf32>,
      %get3A_167 = arith.index_cast %scan3A_150 : i32 to index
      %get3A_168 = arith.constant 16 : index
      %get3A_169 = tpu.vector_load %arg13[%get3A_167, %get3A_168] {strides = array<i32>} : memref<128x128xf32, #tpu.memory_space<vmem>>, vector<16xf32>,
      %mul3A_170 = arith.mulf %get3A_166, %get3A_169 : vector<16xf32>
      %get3A_171 = arith.index_cast %scan3A_150 : i32 to index
      %get3A_172 = arith.constant 16 : index
      %get3A_173 = tpu.vector_load %arg14[%get3A_171, %get3A_172] {strides = array<i32>} : memref<128x128xf32, #tpu.memory_space<vmem>>, vector<16xf32>,
      %mul3A_174 = arith.mulf %mul3A_170, %get3A_173 : vector<16xf32>
      %add3A_175 = arith.addf %add3A_163, %mul3A_174 : vector<16xf32>
      %get3A_176 = arith.index_cast %scan3A_150 : i32 to index
      %get3A_177 = arith.constant 32 : index
      %get3A_178 = tpu.vector_load %arg12[%get3A_176, %get3A_177] {strides = array<i32>} : memref<128x128xf32, #tpu.memory_space<vmem>>, vector<16xf32>,
      %get3A_179 = arith.index_cast %scan3A_150 : i32 to index
      %get3A_180 = arith.constant 32 : index
      %get3A_181 = tpu.vector_load %arg13[%get3A_179, %get3A_180] {strides = array<i32>} : memref<128x128xf32, #tpu.memory_space<vmem>>, vector<16xf32>,
      %mul3A_182 = arith.mulf %get3A_178, %get3A_181 : vector<16xf32>
      %get3A_183 = arith.index_cast %scan3A_150 : i32 to index
      %get3A_184 = arith.constant 32 : index
      %get3A_185 = tpu.vector_load %arg14[%get3A_183, %get3A_184] {strides = array<i32>} : memref<128x128xf32, #tpu.memory_space<vmem>>, vector<16xf32>,
      %mul3A_186 = arith.mulf %mul3A_182, %get3A_185 : vector<16xf32>
      %add3A_187 = arith.addf %add3A_175, %mul3A_186 : vector<16xf32>
      %get3A_188 = arith.index_cast %scan3A_150 : i32 to index
      %get3A_189 = arith.constant 48 : index
      %get3A_190 = tpu.vector_load %arg12[%get3A_188, %get3A_189] {strides = array<i32>} : memref<128x128xf32, #tpu.memory_space<vmem>>, vector<16xf32>,
      %get3A_191 = arith.index_cast %scan3A_150 : i32 to index
      %get3A_192 = arith.constant 48 : index
      %get3A_193 = tpu.vector_load %arg13[%get3A_191, %get3A_192] {strides = array<i32>} : memref<128x128xf32, #tpu.memory_space<vmem>>, vector<16xf32>,
      %mul3A_194 = arith.mulf %get3A_190, %get3A_193 : vector<16xf32>
      %get3A_195 = arith.index_cast %scan3A_150 : i32 to index
      %get3A_196 = arith.constant 48 : index
      %get3A_197 = tpu.vector_load %arg14[%get3A_195, %get3A_196] {strides = array<i32>} : memref<128x128xf32, #tpu.memory_space<vmem>>, vector<16xf32>,
      %mul3A_198 = arith.mulf %mul3A_194, %get3A_197 : vector<16xf32>
      %add3A_199 = arith.addf %add3A_187, %mul3A_198 : vector<16xf32>
      %reduce_sum3A = arith.constant true
      %reduce_sum3A_200 = vector.broadcast %reduce_sum3A : i1 to vector<16xi1>
      %reduce_sum3A_201 = tpu.scan <sum>, %add3A_199 masked %reduce_sum3A_200 : vector<16xf32>, vector<16xi1> -> vector<16xf32>
      %reduce_sum3A_202 = vector.extract %reduce_sum3A_201[15] : f32 from vector<16xf32>
      %broadcast_in_dim3A_203 = arith.constant 384 : i32
      %broadcast_in_dim3A_204 = vector.broadcast %broadcast_in_dim3A_203 : i32 to vector<16xi32>
      %add3A_205 = vector.broadcast %scan3A_150 : i32 to vector<16xi32>
      %add3A_206 = arith.addi %broadcast_in_dim3A_204, %add3A_205 : vector<16xi32>
      %broadcast_in_dim3A_207 = vector.broadcast %reduce_sum3A_202 : f32 to vector<16xf32>
      tpu.vector_store_idx %arg15[%add3A_206], %broadcast_in_dim3A_207 masked %eq3A_4 : memref<512xf32, #tpu.memory_space<vmem>>[vector<16xi32>], vector<16xf32>, vector<16xi1>
      %scan3A_208 = arith.constant 0 : i32
      scf.yield %scan3A_208 : i32
    }
    %scan3A_149 = arith.constant 128 : i32
    "tpu.region"() ({
      %run_scoped3A = tpu.sem_alloc : memref<!tpu.dma_semaphore, #tpu.memory_space<semaphore_mem>>
      %dma_start3A_150 = tpu.memref_slice %arg8[%mul3A_2] : memref<16384xf32, #tpu.memory_space<hbm>> -> memref<512xf32, #tpu.memory_space<hbm>>
      %dma_start3A_151 = tpu.memref_slice %arg8[%mul3A_2] : memref<16384xf32, #tpu.memory_space<hbm>> -> memref<512xf32, #tpu.memory_space<hbm>>
      tpu.enqueue_dma source(%arg15 : memref<512xf32, #tpu.memory_space<vmem>>) target(%dma_start3A_151 : memref<512xf32, #tpu.memory_space<hbm>>) target_semaphore(%run_scoped3A : memref<!tpu.dma_semaphore, #tpu.memory_space<semaphore_mem>>)
      %dma_wait3A_152 = tpu.memref_slice %arg8[%mul3A_2] : memref<16384xf32, #tpu.memory_space<hbm>> -> memref<512xf32, #tpu.memory_space<hbm>>
      %dma_wait3A_153 = tpu.memref_slice %arg8[%mul3A_2] : memref<16384xf32, #tpu.memory_space<hbm>> -> memref<512xf32, #tpu.memory_space<hbm>>
      tpu.wait_dma2 semaphore(%run_scoped3A : memref<!tpu.dma_semaphore, #tpu.memory_space<semaphore_mem>>) src(%arg15 : memref<512xf32, #tpu.memory_space<vmem>>) dst(%dma_wait3A_153 : memref<512xf32, #tpu.memory_space<hbm>>)
      tpu.yield
    }) : () -> ()
    return
  }
}

module attributes {stable_mosaic.version = 14 : i64} {
  func.func @_transpose_body(%arg0: i32, %arg1: memref<64x4096xf32, #tpu.memory_space<vmem>>, %arg2: memref<4096x128xf32, #tpu.memory_space<vmem>>) attributes {dimension_semantics = [#tpu.dimension_semantics<arbitrary>], iteration_bounds = array<i64: 25>, scalar_prefetch = 0 : i64, scratch_operands = 0 : i64, tpu.core_type = #tpu.core_type<tc>, window_params = [{transform_indices = @transform_0, window_bounds = array<i64: 64, 4096>}, {transform_indices = @transform_1, window_bounds = array<i64: 4096, 128>}]} {
    %iota3A = tpu.iota {dimensions = array<i32: 0>} : vector<64x128xi32>
    %iota3A_0 = tpu.iota {dimensions = array<i32: 1>} : vector<64x128xi32>
    %eq3A = arith.cmpi eq, %iota3A, %iota3A_0 : vector<64x128xi32>
    %convert_element_type3A = arith.extui %eq3A : vector<64x128xi1> to vector<64x128xi32>
    %convert_element_type3A_1 = arith.sitofp %convert_element_type3A : vector<64x128xi32> to vector<64x128xf32>
    %get3A = arith.constant 0 : index
    %get3A_2 = arith.constant 0 : index
    %get3A_3 = vector.load %arg1[%get3A, %get3A_2] : memref<64x4096xf32, #tpu.memory_space<vmem>>, vector<64x4096xf32>
    %dot_general3A = arith.constant dense<0.000000e+00> : vector<4096x128xf32>
    %dot_general3A_4 = tpu.matmul %get3A_3, %convert_element_type3A_1, %dot_general3A {dimension_numbers = #tpu.dot_dimension_numbers<[0], [0], [1], [1], [0, 1, 1, 1], [], []>, transpose_lhs_hint = false} : vector<64x4096xf32>, vector<64x128xf32>, vector<4096x128xf32> -> vector<4096x128xf32>
    %swap3A = arith.constant 0 : index
    %swap3A_5 = arith.constant 0 : index
    %swap3A_6 = vector.load %arg2[%swap3A, %swap3A_5] : memref<4096x128xf32, #tpu.memory_space<vmem>>, vector<4096x128xf32>
    tpu.vector_store %arg2[%swap3A, %swap3A_5], %dot_general3A_4 {strides = array<i32>} : memref<4096x128xf32, #tpu.memory_space<vmem>>, vector<4096x128xf32>,
    return
  }
  func.func @transform_0(%arg0: i32) -> (i32, i32) {
    %c0_i32 = arith.constant 0 : i32
    %c0_i32_0 = arith.constant 0 : i32
    return %c0_i32, %arg0 : i32, i32
  }
  func.func @transform_1(%arg0: i32) -> (i32, i32) {
    %c0_i32 = arith.constant 0 : i32
    %c0_i32_0 = arith.constant 0 : i32
    return %arg0, %c0_i32 : i32, i32
  }
}

</mosaic_0001>

<sc_bundles>
// kernel: _tri_vec.11.cloned.1.call-start
scs
__scs_entry_jumppad:
0x0: {  	(pc) =	sbr.rel $0x88, $3  }
0x1: {  	(tag) =	ssettag $0x0;
	lr =	simm.s32 $0x1  }
0x2: {  	[smem:$0x3F98] =	sst lr;
	_ =	strace $0xD0000000  }
0x3: {  	_ = 	snop  }
0x4: {  	_ = 	snop  }
0x5: {  	_ = 	snop  }
0x6: {  	_ = 	snop  }
0x7: {  	_ = 	snop  }
__scs_overlays_trampoline_lowered:
0x8: {  	[smem:$0x3FA7] =	sst s0  }
0x9: {  	[smem:$0x3FA8] =	sst s1  }
0xa: {  	[smem:$0x3FA9] =	sst s2  }
0xb: {  	[smem:$0x3FAA] =	sst s3  }
0xc: {  	[smem:$0x3FAB] =	sst s4  }
0xd: {  	[smem:$0x3FAC] =	sst s5  }
0xe: {  	[smem:$0x3FAD] =	sst s6  }
0xf: {  	[smem:$0x3FAE] =	sst s7  }
0x10: {  	[smem:$0x3FAF] =	sst s8  }
0x11: {  	[smem:$0x3FB0] =	sst s9;
	s0 =	simm.s32 @!p0 $0x0  }
0x12: {  	s1 =	sld [smem:$0x3F96];
	s0 =	simm.s32 @p0 $0x1  }
0x13: {  	[smem:$0x3FB1] =	sst s0;
	s0 =	simm.s32 @!p1 $0x0  }
0x14: {  	s2 =	sld [smem:$0x3F95];
	s0 =	simm.s32 @p1 $0x1  }
0x15: {  	[smem:$0x3FB2] =	sst s0;
	s0 =	simm.s32 @!p2 $0x0  }
0x16: {  	s3 =	sld [smem:$0x3FDB];
	s0 =	simm.s32 @p2 $0x1  }
0x17: {  	s4 =	simm.s32 $0x1BF5;
	[smem:$0x3FB4] =	sst s0  }
0x18: {  	s0 =	sld [smem:$0x3F97];
	_ =	swait.ge [sflag:s4], $0x0  }
0x19: {  	s7 =	sld [smem:$0x3F98]  }
0x1a: {  	s8 =	sadd.s32 $0xFFFFE003, lr  }
0x1b: {  	s9 =	sadd.s32 $0xFFFFFEF7, lr;
	s5 =	simm.s32 $0xFFFFFFFF;
	p2 =	slt.u32 s8, $0xFFFFF086  }
0x1c: {  	p1 =	slt.u32 s9, $0xF7A;
	s5 =	simm.s32 @!p2 $0x0  }
0x1d: {  	s5 =	simm.s32 @p1 $0x1;
	p0 =	seq.s32 s7, s2  }
0x1e: {  	s7 =	smul.u32 @!p0 $0xF7A, s2;
	p2 =	seq.s32 @!p0 s5, $0x0  }
0x1f: {  	s9 =	smul.u32 $0xF7A, s1;
	s8 =	simm.s32 @!p0 $0x1BF5;
	p2 =	por !p2, p0  }
0x20: {  	[sflag:s8] =	ssyncset.s32 @!p0 $0xFFFFF086;
	s6 =	sadd.s32 @!p0 s3, s7;
	s7 =	simm.s32 @!p0 $0x108  }
0x21: {  	s3 =	sadd.s32 s3, s9;
	s6 =	sadd.s32 @!p0 $0x88, s6;
	s7 =	simm.s32 @p2 $0x1082  }
0x22: {  	[simem:s7], [sflag:s8] =	dma.local @!p0 [hbm:s6], $0xF7A  }
0x23: {  	s9 =	sor.u32 $0xD0000000, s2;
	s6 =	simm.s32 $0x108;
	_ =	swait.ge @!p0 [sflag:s8], $0x0  }
0x24: {  	s3 =	sadd.s32 $0x88, s3;
	s6 =	simm.s32 @!p1 $0x1082;
	[sflag:s4] =	ssyncset.s32 $0xFFFFF086  }
0x25: {  	[simem:s6], [sflag:s4] =	dma.local [hbm:s3], $0xF7A  }
0x26: {  	[smem:$0x3F98] =	sst s1;
	(tag) =	ssettag s2;
	_ =	strace s9  }
0x27: {  	s1 =	sld [smem:$0x3FA8]  }
0x28: {  	s2 =	sld [smem:$0x3FA9]  }
0x29: {  	s4 =	sld [smem:$0x3FAB]  }
0x2a: {  	p0 =	seq.s32 s5, $0x0;
	s5 =	sld [smem:$0x3FAC]  }
0x2b: {  	s6 =	sld [smem:$0x3FAD]  }
0x2c: {  	s7 =	sld [smem:$0x3FAE]  }
0x2d: {  	s3 =	simm.s32 $0x108;
	s8 =	sld [smem:$0x3FAF]  }
0x2e: {  	s3 =	simm.s32 @!p0 $0x1082;
	s9 =	sld [smem:$0x3FB0]  }
0x2f: {  	lr =	sadd.s32 s0, s3;
	s0 =	sld [smem:$0x3FA7]  }
0x30: {  	s3 =	sld [smem:$0x3FAA]  }
0x31: {  	[smem:$0x3FB3] =	sst s10  }
0x32: {  	s10 =	sld [smem:$0x3FB1];
	_ =	sdelay $0x3  }
0x33: {  	p0 =	seq.s32 s10, $0x1;
	s10 =	sld [smem:$0x3FB3];
	_ =	sdelay $0x3  }
0x34: {  	[smem:$0x3FB3] =	sst s10  }
0x35: {  	s10 =	sld [smem:$0x3FB2];
	_ =	sdelay $0x3  }
0x36: {  	p1 =	seq.s32 s10, $0x1;
	s10 =	sld [smem:$0x3FB3];
	_ =	sdelay $0x3  }
0x37: {  	[smem:$0x3FB3] =	sst s10  }
0x38: {  	s10 =	sld [smem:$0x3FB4]  }
0x39: {  	_ = 	snop;
	(pc) =	sbr.ind lr, $3  }
0x3a: {  	_ = 	snop  }
0x3b: {  	_ = 	snop  }
0x3c: {  	p2 =	seq.s32 s10, $0x1;
	s10 =	sld [smem:$0x3FB3]  }
0x3d: {  	_ =	shalt  }
0x3e: {  	_ =	shalt  }
0x3f: {  	_ =	shalt  }
0x40: {  	_ =	shalt  }
0x41: {  	_ =	shalt  }
0x42: {  	_ =	shalt  }
0x43: {  	_ =	shalt  }
0x44: {  	_ =	shalt  }
0x45: {  	_ =	shalt  }
0x46: {  	_ =	shalt  }
0x47: {  	_ =	shalt  }
0x48: {  	_ =	shalt  }
0x49: {  	_ =	shalt  }
0x4a: {  	_ =	shalt  }
0x4b: {  	_ =	shalt  }
0x4c: {  	_ =	shalt  }
0x4d: {  	_ =	shalt  }
0x4e: {  	_ =	shalt  }
0x4f: {  	_ =	shalt  }
0x50: {  	_ =	shalt  }
0x51: {  	_ =	shalt  }
0x52: {  	_ =	shalt  }
0x53: {  	_ =	shalt  }
0x54: {  	_ =	shalt  }
0x55: {  	_ =	shalt  }
0x56: {  	_ =	shalt  }
0x57: {  	_ =	shalt  }
0x58: {  	_ =	shalt  }
0x59: {  	_ =	shalt  }
0x5a: {  	_ =	shalt  }
0x5b: {  	_ =	shalt  }
0x5c: {  	_ =	shalt  }
0x5d: {  	_ =	shalt  }
0x5e: {  	_ =	shalt  }
0x5f: {  	_ =	shalt  }
0x60: {  	_ =	shalt  }
0x61: {  	_ =	shalt  }
0x62: {  	_ =	shalt  }
0x63: {  	_ =	shalt  }
0x64: {  	_ =	shalt  }
0x65: {  	_ =	shalt  }
0x66: {  	_ =	shalt  }
0x67: {  	_ =	shalt  }
0x68: {  	_ =	shalt  }
0x69: {  	_ =	shalt  }
0x6a: {  	_ =	shalt  }
0x6b: {  	_ =	shalt  }
0x6c: {  	_ =	shalt  }
0x6d: {  	_ =	shalt  }
0x6e: {  	_ =	shalt  }
0x6f: {  	_ =	shalt  }
0x70: {  	_ =	shalt  }
0x71: {  	_ =	shalt  }
0x72: {  	_ =	shalt  }
0x73: {  	_ =	shalt  }
0x74: {  	_ =	shalt  }
0x75: {  	_ =	shalt  }
0x76: {  	_ =	shalt  }
0x77: {  	_ =	shalt  }
0x78: {  	_ =	shalt  }
0x79: {  	_ =	shalt  }
0x7a: {  	_ =	shalt  }
0x7b: {  	_ =	shalt  }
0x7c: {  	_ =	shalt  }
0x7d: {  	_ =	shalt  }
0x7e: {  	_ =	shalt  }
0x7f: {  	_ =	shalt  }
0x80: {  	_ =	shalt  }
0x81: {  	_ =	shalt  }
0x82: {  	_ =	shalt  }
0x83: {  	_ =	shalt  }
0x84: {  	_ =	shalt  }
0x85: {  	_ =	shalt  }
0x86: {  	_ =	shalt  }
0x87: {  	_ =	shalt  }
.Lfunc_end0:
.L_simem_size_0:
called_computation_lowered:
.L_overlay_start_0:
0x88: {  	s2 =	sld [smem:$0x3FD9]  }
0x89: {  	s3 =	sld [smem:$0x3FFE];
	_ =	sdelay $0x1  }
0x8a: {  	s1 =	srdreg.scid  }
0x8b: {  	s0 =	sand.u32 $0x1, s1  }
0x8c: {  	s17 =	sshll.u32 s0, $0xA;
	s2 =	sadd.s32 s3, s2  }
0x8d: {  	s2 =	sadd.s32 s2, s17  }
0x8e: {  	[smem:$0x3FBF] =	sst s2  }
0x8f: {  	_ = 	snop  }
0x90: {  	s2 =	sld [smem:$0x3FC9]  }
0x91: {  	s18 =	sld [smem:$0x3FC8]  }
0x92: {  	s4 =	sld [smem:$0x3FC7];
	(tm) =	ssettm $0x1  }
0x93: {  	s5 =	sld [smem:$0x3FFB];
	_ =	sdelay $0x3  }
0x94: {  	_ =	strace s5  }
0x95: {  	s5 =	sld [smem:$0x3FFC];
	_ =	sdelay $0x3  }
0x96: {  	_ =	strace s5  }
0x97: {  	s5 =	sld [smem:$0x3FFD];
	_ =	sdelay $0x3  }
0x98: {  	_ =	strace s5  }
0x99: {  	_ =	strace $0x8FFFFFFF  }
0x9a: {  	s19 =	sld [smem:$0x3FDB];
	_ =	sdelay $0x1  }
0x9b: {  	s6 =	simm.s32 $_scs_section_size  }
0x9c: {  	s7 =	simm.s32 $_size__tile_overlayer_lowered;
	s8 =	simm.s32 $_tile_overlayer_lowered  }
0x9d: {  	s22 =	simm.s32 $0x1BFF;
	s21 =	sshll.u32 s8, $0x1;
	s5 =	sadd.s32 s6, s19  }
0x9e: {  	s9 =	simm.s32 $0x0;
	s20 =	sshll.u32 s7, $0x1;
	s7 =	sadd.s32 s21, s5  }
0x9f: {  	[timem:s9], [sflag:s22] =	dma.local [hbm:s7], s20  }
0xa0: {  	_ =	swait.ge [sflag:s22], s20  }
0xa1: {  	s6 =	ssub.s32 $0x0, s20;
	[sflag:s22] =	ssyncset.done $0x0  }
0xa2: {  	[sflag:s22] =	ssyncadd.s32 s6;
	_ =	sdelay $0x1  }
0xa3: {  	s23 =	simm.s32 $0x1B8B  }
0xa4: {  	_ =	swait.ge [sflag:s23], $0x1  }
0xa5: {  	[sflag:s23] =	ssyncset.done $0x0  }
0xa6: {  	s25 =	simm.s32 $0x1B8E;
	s24 =	sld [smem:$0x3FFE];
	[sflag:s23] =	ssyncadd.s32 $0xFFFFFFFF  }
0xa7: {  	s26 =	simm.s32 $execute0_lowered;
	[smem:$0x3FD2] =	sst s25  }
0xa8: {  	s7 =	sshll.u32 s26, $0x1;
	_ =	strace $0x80000046;
	[dreg:$0x1] =	wrdreg $0xFFFFFFFF  }
0xa9: {  	s28 =	simm.s32 $_size_execute0_lowered;
	s5 =	sadd.s32 s5, s7;
	[dreg:$0x0] =	wrdreg $0x0  }
0xaa: {  	s7 =	sshll.u32 s28, $0x1;
	[dreg:$0x2] =	wrdreg s5  }
0xab: {  	[dreg:$0x3] =	wrdreg s7  }
0xac: {  	[dreg:$0x4] =	wrdreg $0xC0  }
0xad: {  	_ =	task [dreg:s9], $0x5FFFF  }
0xae: {  	[dreg:$0x1] =	wrdreg $0xFFFFFFFF  }
0xaf: {  	[dreg:$0x0] =	wrdreg $0x60  }
0xb0: {  	[dreg:$0x2] =	wrdreg s2  }
0xb1: {  	[dreg:$0x3] =	wrdreg s18  }
0xb2: {  	[dreg:$0x4] =	wrdreg s4  }
0xb3: {  	[dreg:$0x5] =	wrdreg s24  }
0xb4: {  	[dreg:$0x6] =	wrdreg $0x9  }
0xb5: {  	_ =	task.clear_ibuf [dreg:s9], $0x7FFFF;
	_ =	strace $0x90000046  }
0xb6: {  	s29 =	simm.s32 $0x9;
	_ =	strace $0x80000048  }
0xb7: {  	_ =	swait.ge [sflag:s29], $0x1  }
0xb8: {  	[sflag:s29] =	ssyncadd.s32 $0xFFFFFFFF  }
0xb9: {  	_ =	strace $0x90000048  }
0xba: {  	_ =	sfence  }
0xbb: {  	s30 =	sld [smem:$0x0];
	_ =	sdelay $0x2  }
0xbc: {  	s31 =	sshll.u32 s1, $0xD;
	s1 =	sshrl.u32 s1, $0x2  }
0xbd: {  	s3 =	sand.u32 $0x4000, s31;
	s1 =	sadd.s32 s1, s30  }
0xbe: {  	s0 =	sor.u32 s3, s0;
	s1 =	sshll.u32 s1, $0x11  }
0xbf: {  	s0 =	sor.u32 s1, s0  }
0xc0: {  	s0 =	sadd.s32 $0x8F2B, s0  }
0xc1: {  	[sflag:s0] =	ssyncadd.remote.s32 $0x1  }
0xc2: {  	_ =	sfence.sel $0xFFFF  }
0xc3: {  	[dreg:$0x0] =	wrdreg $0xFFFFFFFF;
	(pc) =	sbr.abs _section_cstart, $3  }
0xc4: {  	[dreg:$0x1] =	wrdreg $0xFFFFFFFF  }
0xc5: {  	_ =	task.clear_ibuf [dreg:s9], $0x2FFFF;
	_ =	strace $0x9FFFFFFF  }
0xc6: {  	(tm) =	ssettm $0x7FFFFFFF  }
0xc7: {  	_ =	shalt  }
tec
execute0_lowered:
.L_overlay_start_1:
0x0: {  	(tag) =	ssettag $0x1  }
0x1: {  	s0 =	rddreg [dreg:$0x0]  }
0x2: {  	s1 =	rddreg [dreg:$0x1]  }
0x3: {  	s8 =	rddreg [dreg:$0x2]  }
0x4: {  	s6 =	rddreg [dreg:$0x3];
	s2 =	simm.s32 $0x0;
	s3 =	srdreg.scid  }
0x5: {  	s4 =	stileid.u32;
	s12 =	simm.s32 $0x200;
	s13 =	simm.s32 $0x400  }
0x6: {  	s14 =	simm.s32 $0x80;
	s15 =	simm.s32 $0x600;
	s16 =	simm.s32 $0x4600  }
0x7: {  	s17 =	simm.s32 $0x8600;
	s18 =	simm.s32 $0x1;
	s19 =	simm.s32 $0xC600  }
0x8: {  	s21 =	simm.s32 $0x480;
	s22 =	simm.s32 $0x100;
	s23 =	simm.s32 $0x300  }
0x9: {  	s24 =	simm.s32 $0x500;
	s25 =	simm.s32 $0x180;
	s26 =	simm.s32 $0x380  }
0xa: {  	s28 =	simm.s32 $0x580;
	s29 =	simm.s32 $0x0;
	[smem:$0x7FF] =	sst s2  }
0xb: {  	s5 =	sand.u32 $0x1, s3;
	s3 =	sadd.s32 $0xC00, s6;
	s7 =	sshll.u32 s4, $0x7  }
0xc: {  	s4 =	sadd.s32 $0x30E000, s6;
	s9 =	sshll.u32 s5, $0x6;
	s30 =	ssub.s32 $0x2, s5  }
0xd: {  	_ =	strace $0x80000047;
	s9 =	sor.u32 s9, s7;
	s31 =	sshrl.u32 s30, $0x1  }
0xe: {  	s5 =	sadd.s32 $0x187600, s6;
	s10 =	sadd.s32 s9, s6;
	s11 =	ssub.s32 s30, s31  }
0xf: {  	s6 =	sadd.s32 s0, s9;
	s7 =	sadd.s32 s1, s9;
	s8 =	sadd.s32 s8, s9  }
0x10: {  	s9 =	sadd.s32 $0x494A00, s10;
	s10 =	smax.u32 s11, $0x1;
	s11 =	simm.s32 $0x2  }
.LBB2_1:
0x11: {  	[tilespmem:s2], [sflag:$0x2] =	stream.linear.gather [hbm4b:s6+s2], $0x200, $0x38;
	[tilespmem:$0xC800] =	vst v63  }
0x12: {  	_ =	swait.ge [sflag:s11], $0x200  }
0x13: {  	[sflag:s11] =	ssyncset.done $0x0  }
0x14: {  	[sflag:s11] =	ssyncadd.s32 $0xFFFFFE00  }
0x15: {  	[tilespmem:s12], [sflag:$0x2] =	stream.linear.gather [hbm4b:s7+s2], $0x200, $0x38;
	[tilespmem:$0xC800] =	vst v63  }
0x16: {  	_ =	swait.ge [sflag:s11], $0x200  }
0x17: {  	[sflag:s11] =	ssyncset.done $0x0  }
0x18: {  	[sflag:s11] =	ssyncadd.s32 $0xFFFFFE00  }
0x19: {  	[tilespmem:s13], [sflag:$0x2] =	stream.linear.gather [hbm4b:s8+s2], $0x200, $0x38;
	[tilespmem:$0xC800] =	vst v63  }
0x1a: {  	_ =	swait.ge [sflag:s11], $0x200  }
0x1b: {  	[sflag:s11] =	ssyncset.done $0x0  }
0x1c: {  	[sflag:s11] =	ssyncadd.s32 $0xFFFFFE00  }
0x1d: {  	[tilespmem:s15], [sflag:$0x1] =	stream.indirect.gather [hbm4b:s3+s14], $0x80, s2, s14, $0xb8;
	[tilespmem:$0xC800] =	vst v63  }
0x1e: {  	_ = 	snop  }
0x1f: {  	[tilespmem:s16], [sflag:$0x1] =	stream.indirect.gather [hbm4b:s4+s14], $0x80, s12, s14, $0xb8;
	[tilespmem:$0xC800] =	vst v63  }
0x20: {  	_ = 	snop  }
0x21: {  	[tilespmem:s17], [sflag:$0x1] =	stream.indirect.gather [hbm4b:s5+s14], $0x80, s13, s14, $0xb8;
	[tilespmem:$0xC800] =	vst v63  }
0x22: {  	_ =	swait.ge [sflag:s18], $0x4000  }
0x23: {  	[sflag:s18] =	ssyncset.done $0x0  }
0x24: {  	[sflag:s18] =	ssyncadd.s32 $0xFFFFC000  }
0x25: {  	_ =	swait.ge [sflag:s18], $0x4000  }
0x26: {  	[sflag:s18] =	ssyncset.done $0x0  }
0x27: {  	[sflag:s18] =	ssyncadd.s32 $0xFFFFC000  }
0x28: {  	_ =	swait.ge [sflag:s18], $0x4000  }
0x29: {  	[sflag:s18] =	ssyncset.done $0x0  }
0x2a: {  	s31 =	simm.s32 $0x8620;
	[sflag:s18] =	ssyncadd.s32 $0xFFFFC000  }
0x2b: {  	v0 =	vld [tilespmem:s31+$0x0]  }
0x2c: {  	v1 =	vld [tilespmem:s31+$0xFFFFFFF0]  }
0x2d: {  	s0 =	simm.s32 $0x4620;
	v2 =	vld [tilespmem:s31+$0xFFFFFFE0]  }
0x2e: {  	s1 =	simm.s32 $0x620;
	v3 =	vld [tilespmem:s0+$0xFFFFFFE0]  }
0x2f: {  	s20 =	simm.s32 $0x1;
	s30 =	simm.s32 $0x0;
	v4 =	vld [tilespmem:s1+$0xFFFFFFE0]  }
.LBB2_2:
0x30: {  	p0 =	sne.s32 s20, $0x7F;
	v5 =	vld [tilespmem:s1+$0xFFFFFFF0]  }
0x31: {  	v6 =	vld [tilespmem:s0+$0xFFFFFFF0]  }
0x32: {  	v7 =	vld [tilespmem:s1+$0x0]  }
0x33: {  	v8 =	vld [tilespmem:s0+$0x0]  }
0x34: {  	v3 =	vmul.f32 v3, v4;
	v4 =	vld [tilespmem:s1+$0x10]  }
0x35: {  	v9 =	vld [tilespmem:s0+$0x10]  }
0x36: {  	v2 =	vmul.f32 v2, v3;
	v3 =	vmul.f32 v6, v5  }
0x37: {  	v5 =	vld [tilespmem:s31+$0x10]  }
0x38: {  	v2 =	vadd.f32 $0.0e+00, v2;
	v1 =	vmul.f32 v1, v3;
	v3 =	vmul.f32 v8, v7;
	_ =	sdelay $0x1  }
0x39: {  	v1 =	vadd.f32 v1, v2;
	v0 =	vmul.f32 v0, v3;
	v2 =	vmul.f32 v9, v4;
	_ =	sdelay $0x1  }
0x3a: {  	v0 =	vadd.f32 v0, v1;
	v1 =	vmul.f32 v5, v2;
	_ =	sdelay $0x1  }
0x3b: {  	v0 =	vadd.f32 v1, v0;
	_ =	sdelay $0x1  }
0x3c: {  	(xrf2) =	vadd.scan.msk.f32 $0xffff, v0;
	_ =	sdelay $0x7  }
0x3d: {  	v0 =	vmov s30;
	s30 =	smov.u32 s20;
	_ =	sdelay $0x1  }
0x3e: {  	v1, _, _ =	vpop (xrf2)  }
0x3f: {  	v1 =	vbroadcast v1, $0xF;
	_ =	sdelay $0x1  }
0x40: {  	s31 =	sadd.s32 $0x80, s31;
	[tilespmem:v0+s19+$0x0] =	vst.idx.msk $0x1, v1  }
.Ltmp0:
0x41: {  	v0 =	vld [tilespmem:s31+$0x0];
	(pc) =	sbr.rel @p0 .LBB2_2-.Ltmp0, $4  }
0x42: {  	v1 =	vld [tilespmem:s31+$0xFFFFFFF0]  }
0x43: {  	s0 =	sadd.s32 $0x80, s0;
	v2 =	vld [tilespmem:s31+$0xFFFFFFE0]  }
0x44: {  	s1 =	sadd.s32 $0x80, s1;
	v3 =	vld [tilespmem:s0+$0xFFFFFFE0]  }
0x45: {  	s20 =	sadd.s32 $0x1, s20;
	v4 =	vld [tilespmem:s1+$0xFFFFFFE0]  }
0x46: {  	v5 =	vld [tilespmem:s1+$0xFFFFFFF0]  }
0x47: {  	v6 =	vld [tilespmem:s0+$0xFFFFFFF0]  }
0x48: {  	v7 =	vld [tilespmem:s1+$0x0]  }
0x49: {  	v8 =	vld [tilespmem:s0+$0x0]  }
0x4a: {  	v9 =	vld [tilespmem:s0+$0x10];
	v3 =	vmul.f32 v3, v4  }
0x4b: {  	v4 =	vld [tilespmem:s1+$0x10]  }
0x4c: {  	v2 =	vmul.f32 v2, v3;
	v3 =	vmul.f32 v6, v5  }
0x4d: {  	v5 =	vld [tilespmem:s31+$0x10]  }
0x4e: {  	v2 =	vadd.f32 $0.0e+00, v2;
	v1 =	vmul.f32 v1, v3;
	v3 =	vmul.f32 v8, v7;
	_ =	sdelay $0x1  }
0x4f: {  	v1 =	vadd.f32 v1, v2;
	v0 =	vmul.f32 v0, v3;
	v2 =	vmul.f32 v9, v4;
	_ =	sdelay $0x1  }
0x50: {  	v0 =	vadd.f32 v0, v1;
	v1 =	vmul.f32 v5, v2;
	_ =	sdelay $0x1  }
0x51: {  	v0 =	vadd.f32 v1, v0;
	_ =	sdelay $0x1  }
0x52: {  	(xrf2) =	vadd.scan.msk.f32 $0xffff, v0;
	_ =	sdelay $0x7  }
0x53: {  	v0 =	vmov s30;
	_ =	sdelay $0x1  }
0x54: {  	v1, _, _ =	vpop (xrf2)  }
0x55: {  	v1 =	vbroadcast v1, $0xF;
	_ =	sdelay $0x1  }
0x56: {  	[tilespmem:v0+s19+$0x0] =	vst.idx.msk $0x1, v1  }
0x57: {  	[tilespmem:s15], [sflag:$0x1] =	stream.indirect.gather [hbm4b:s3+s14], $0x80, s14, s14, $0xb8;
	[tilespmem:$0xC800] =	vst v63  }
0x58: {  	s20 =	simm.s32 $0x280  }
0x59: {  	[tilespmem:s16], [sflag:$0x1] =	stream.indirect.gather [hbm4b:s4+s14], $0x80, s20, s14, $0xb8;
	[tilespmem:$0xC800] =	vst v63  }
0x5a: {  	_ = 	snop  }
0x5b: {  	[tilespmem:s17], [sflag:$0x1] =	stream.indirect.gather [hbm4b:s5+s14], $0x80, s21, s14, $0xb8;
	[tilespmem:$0xC800] =	vst v63  }
0x5c: {  	_ =	swait.ge [sflag:s18], $0x4000  }
0x5d: {  	[sflag:s18] =	ssyncset.done $0x0  }
0x5e: {  	[sflag:s18] =	ssyncadd.s32 $0xFFFFC000  }
0x5f: {  	_ =	swait.ge [sflag:s18], $0x4000  }
0x60: {  	[sflag:s18] =	ssyncset.done $0x0  }
0x61: {  	[sflag:s18] =	ssyncadd.s32 $0xFFFFC000  }
0x62: {  	_ =	swait.ge [sflag:s18], $0x4000  }
0x63: {  	[sflag:s18] =	ssyncset.done $0x0  }
0x64: {  	s31 =	simm.s32 $0x8620;
	[sflag:s18] =	ssyncadd.s32 $0xFFFFC000  }
0x65: {  	v0 =	vld [tilespmem:s31+$0x0]  }
0x66: {  	v1 =	vld [tilespmem:s31+$0xFFFFFFF0]  }
0x67: {  	s0 =	simm.s32 $0x4620;
	v2 =	vld [tilespmem:s31+$0xFFFFFFE0]  }
0x68: {  	s1 =	simm.s32 $0x620;
	v3 =	vld [tilespmem:s0+$0xFFFFFFE0]  }
0x69: {  	s30 =	simm.s32 $0x0;
	s20 =	simm.s32 $0x1;
	v4 =	vld [tilespmem:s1+$0xFFFFFFE0]  }
.LBB2_4:
0x6a: {  	p0 =	sne.s32 s20, $0x7F;
	v5 =	vld [tilespmem:s1+$0xFFFFFFF0]  }
0x6b: {  	v6 =	vld [tilespmem:s0+$0xFFFFFFF0]  }
0x6c: {  	v7 =	vld [tilespmem:s1+$0x0]  }
0x6d: {  	v8 =	vld [tilespmem:s0+$0x0]  }
0x6e: {  	v3 =	vmul.f32 v3, v4;
	v4 =	vld [tilespmem:s1+$0x10]  }
0x6f: {  	v9 =	vld [tilespmem:s0+$0x10]  }
0x70: {  	v2 =	vmul.f32 v2, v3;
	v3 =	vmul.f32 v6, v5  }
0x71: {  	v5 =	vld [tilespmem:s31+$0x10]  }
0x72: {  	v2 =	vadd.f32 $0.0e+00, v2;
	v1 =	vmul.f32 v1, v3;
	v3 =	vmul.f32 v8, v7;
	_ =	sdelay $0x1  }
0x73: {  	v1 =	vadd.f32 v1, v2;
	v0 =	vmul.f32 v0, v3;
	v2 =	vmul.f32 v9, v4;
	_ =	sdelay $0x1  }
0x74: {  	v0 =	vadd.f32 v0, v1;
	v1 =	vmul.f32 v5, v2;
	_ =	sdelay $0x1  }
0x75: {  	v0 =	vadd.f32 v1, v0;
	_ =	sdelay $0x1  }
0x76: {  	(xrf2) =	vadd.scan.msk.f32 $0xffff, v0;
	_ =	sdelay $0x4  }
0x77: {  	v0 =	vmov s30;
	s30 =	smov.u32 s20  }
0x78: {  	v0 =	vadd.s32 $0x80, v0  }
0x79: {  	v0 =	vbroadcast v0, $0x0;
	_ =	sdelay $0x2  }
0x7a: {  	v1, _, _ =	vpop (xrf2)  }
0x7b: {  	v1 =	vbroadcast v1, $0xF;
	_ =	sdelay $0x1  }
0x7c: {  	s31 =	sadd.s32 $0x80, s31;
	[tilespmem:v0+s19+$0x0] =	vst.idx.msk $0x1, v1  }
.Ltmp1:
0x7d: {  	v0 =	vld [tilespmem:s31+$0x0];
	(pc) =	sbr.rel @p0 .LBB2_4-.Ltmp1, $4  }
0x7e: {  	v1 =	vld [tilespmem:s31+$0xFFFFFFF0]  }
0x7f: {  	s0 =	sadd.s32 $0x80, s0;
	v2 =	vld [tilespmem:s31+$0xFFFFFFE0]  }
0x80: {  	s1 =	sadd.s32 $0x80, s1;
	v3 =	vld [tilespmem:s0+$0xFFFFFFE0]  }
0x81: {  	s20 =	sadd.s32 $0x1, s20;
	v4 =	vld [tilespmem:s1+$0xFFFFFFE0]  }
0x82: {  	v5 =	vld [tilespmem:s1+$0xFFFFFFF0]  }
0x83: {  	v6 =	vld [tilespmem:s0+$0xFFFFFFF0]  }
0x84: {  	v7 =	vld [tilespmem:s1+$0x0]  }
0x85: {  	v8 =	vld [tilespmem:s0+$0x0]  }
0x86: {  	v9 =	vld [tilespmem:s0+$0x10];
	v3 =	vmul.f32 v3, v4  }
0x87: {  	v4 =	vld [tilespmem:s1+$0x10]  }
0x88: {  	v2 =	vmul.f32 v2, v3;
	v3 =	vmul.f32 v6, v5  }
0x89: {  	v5 =	vld [tilespmem:s31+$0x10]  }
0x8a: {  	v2 =	vadd.f32 $0.0e+00, v2;
	v1 =	vmul.f32 v1, v3;
	v3 =	vmul.f32 v8, v7;
	_ =	sdelay $0x1  }
0x8b: {  	v1 =	vadd.f32 v1, v2;
	v0 =	vmul.f32 v0, v3;
	v2 =	vmul.f32 v9, v4;
	_ =	sdelay $0x1  }
0x8c: {  	v0 =	vadd.f32 v0, v1;
	v1 =	vmul.f32 v5, v2;
	_ =	sdelay $0x1  }
0x8d: {  	v0 =	vadd.f32 v1, v0;
	_ =	sdelay $0x1  }
0x8e: {  	(xrf2) =	vadd.scan.msk.f32 $0xffff, v0;
	_ =	sdelay $0x4  }
0x8f: {  	v0 =	vmov s30  }
0x90: {  	v0 =	vadd.s32 $0x80, v0  }
0x91: {  	v0 =	vbroadcast v0, $0x0;
	_ =	sdelay $0x2  }
0x92: {  	v1, _, _ =	vpop (xrf2)  }
0x93: {  	v1 =	vbroadcast v1, $0xF;
	_ =	sdelay $0x1  }
0x94: {  	[tilespmem:v0+s19+$0x0] =	vst.idx.msk $0x1, v1  }
0x95: {  	[tilespmem:s15], [sflag:$0x1] =	stream.indirect.gather [hbm4b:s3+s14], $0x80, s22, s14, $0xb8;
	[tilespmem:$0xC800] =	vst v63  }
0x96: {  	_ = 	snop  }
0x97: {  	[tilespmem:s16], [sflag:$0x1] =	stream.indirect.gather [hbm4b:s4+s14], $0x80, s23, s14, $0xb8;
	[tilespmem:$0xC800] =	vst v63  }
0x98: {  	_ = 	snop  }
0x99: {  	[tilespmem:s17], [sflag:$0x1] =	stream.indirect.gather [hbm4b:s5+s14], $0x80, s24, s14, $0xb8;
	[tilespmem:$0xC800] =	vst v63  }
0x9a: {  	_ =	swait.ge [sflag:s18], $0x4000  }
0x9b: {  	[sflag:s18] =	ssyncset.done $0x0  }
0x9c: {  	[sflag:s18] =	ssyncadd.s32 $0xFFFFC000  }
0x9d: {  	_ =	swait.ge [sflag:s18], $0x4000  }
0x9e: {  	[sflag:s18] =	ssyncset.done $0x0  }
0x9f: {  	[sflag:s18] =	ssyncadd.s32 $0xFFFFC000  }
0xa0: {  	_ =	swait.ge [sflag:s18], $0x4000  }
0xa1: {  	[sflag:s18] =	ssyncset.done $0x0  }
0xa2: {  	s31 =	simm.s32 $0x8620;
	[sflag:s18] =	ssyncadd.s32 $0xFFFFC000  }
0xa3: {  	v0 =	vld [tilespmem:s31+$0x0]  }
0xa4: {  	v1 =	vld [tilespmem:s31+$0xFFFFFFF0]  }
0xa5: {  	s0 =	simm.s32 $0x4620;
	v2 =	vld [tilespmem:s31+$0xFFFFFFE0]  }
0xa6: {  	s1 =	simm.s32 $0x620;
	v3 =	vld [tilespmem:s0+$0xFFFFFFE0]  }
0xa7: {  	s20 =	simm.s32 $0x1;
	s30 =	simm.s32 $0x0;
	v4 =	vld [tilespmem:s1+$0xFFFFFFE0]  }
.LBB2_6:
0xa8: {  	p0 =	sne.s32 s20, $0x7F;
	v5 =	vld [tilespmem:s1+$0xFFFFFFF0]  }
0xa9: {  	v6 =	vld [tilespmem:s0+$0xFFFFFFF0]  }
0xaa: {  	v7 =	vld [tilespmem:s1+$0x0]  }
0xab: {  	v8 =	vld [tilespmem:s0+$0x0]  }
0xac: {  	v3 =	vmul.f32 v3, v4;
	v4 =	vld [tilespmem:s1+$0x10]  }
0xad: {  	v9 =	vld [tilespmem:s0+$0x10]  }
0xae: {  	v2 =	vmul.f32 v2, v3;
	v3 =	vmul.f32 v6, v5  }
0xaf: {  	v5 =	vld [tilespmem:s31+$0x10]  }
0xb0: {  	v2 =	vadd.f32 $0.0e+00, v2;
	v1 =	vmul.f32 v1, v3;
	v3 =	vmul.f32 v8, v7;
	_ =	sdelay $0x1  }
0xb1: {  	v1 =	vadd.f32 v1, v2;
	v0 =	vmul.f32 v0, v3;
	v2 =	vmul.f32 v9, v4;
	_ =	sdelay $0x1  }
0xb2: {  	v0 =	vadd.f32 v0, v1;
	v1 =	vmul.f32 v5, v2;
	_ =	sdelay $0x1  }
0xb3: {  	v0 =	vadd.f32 v1, v0;
	_ =	sdelay $0x1  }
0xb4: {  	(xrf2) =	vadd.scan.msk.f32 $0xffff, v0;
	_ =	sdelay $0x4  }
0xb5: {  	v0 =	vmov s30;
	s30 =	smov.u32 s20  }
0xb6: {  	v0 =	vadd.s32 $0x100, v0  }
0xb7: {  	v0 =	vbroadcast v0, $0x0;
	_ =	sdelay $0x2  }
0xb8: {  	v1, _, _ =	vpop (xrf2)  }
0xb9: {  	v1 =	vbroadcast v1, $0xF;
	_ =	sdelay $0x1  }
0xba: {  	s31 =	sadd.s32 $0x80, s31;
	[tilespmem:v0+s19+$0x0] =	vst.idx.msk $0x1, v1  }
.Ltmp2:
0xbb: {  	v0 =	vld [tilespmem:s31+$0x0];
	(pc) =	sbr.rel @p0 .LBB2_6-.Ltmp2, $4  }
0xbc: {  	v1 =	vld [tilespmem:s31+$0xFFFFFFF0]  }
0xbd: {  	s0 =	sadd.s32 $0x80, s0;
	v2 =	vld [tilespmem:s31+$0xFFFFFFE0]  }
0xbe: {  	s1 =	sadd.s32 $0x80, s1;
	v3 =	vld [tilespmem:s0+$0xFFFFFFE0]  }
0xbf: {  	s20 =	sadd.s32 $0x1, s20;
	v4 =	vld [tilespmem:s1+$0xFFFFFFE0]  }
0xc0: {  	v5 =	vld [tilespmem:s1+$0xFFFFFFF0]  }
0xc1: {  	v6 =	vld [tilespmem:s0+$0xFFFFFFF0]  }
0xc2: {  	v7 =	vld [tilespmem:s1+$0x0]  }
0xc3: {  	v8 =	vld [tilespmem:s0+$0x0]  }
0xc4: {  	v9 =	vld [tilespmem:s0+$0x10];
	v3 =	vmul.f32 v3, v4  }
0xc5: {  	v4 =	vld [tilespmem:s1+$0x10]  }
0xc6: {  	v2 =	vmul.f32 v2, v3;
	v3 =	vmul.f32 v6, v5  }
0xc7: {  	v5 =	vld [tilespmem:s31+$0x10]  }
0xc8: {  	v2 =	vadd.f32 $0.0e+00, v2;
	v1 =	vmul.f32 v1, v3;
	v3 =	vmul.f32 v8, v7;
	_ =	sdelay $0x1  }
0xc9: {  	v1 =	vadd.f32 v1, v2;
	v0 =	vmul.f32 v0, v3;
	v2 =	vmul.f32 v9, v4;
	_ =	sdelay $0x1  }
0xca: {  	v0 =	vadd.f32 v0, v1;
	v1 =	vmul.f32 v5, v2;
	_ =	sdelay $0x1  }
0xcb: {  	v0 =	vadd.f32 v1, v0;
	_ =	sdelay $0x1  }
0xcc: {  	(xrf2) =	vadd.scan.msk.f32 $0xffff, v0;
	_ =	sdelay $0x4  }
0xcd: {  	v0 =	vmov s30  }
0xce: {  	v0 =	vadd.s32 $0x100, v0  }
0xcf: {  	v0 =	vbroadcast v0, $0x0;
	_ =	sdelay $0x2  }
0xd0: {  	v1, _, _ =	vpop (xrf2)  }
0xd1: {  	v1 =	vbroadcast v1, $0xF;
	_ =	sdelay $0x1  }
0xd2: {  	[tilespmem:v0+s19+$0x0] =	vst.idx.msk $0x1, v1  }
0xd3: {  	[tilespmem:s15], [sflag:$0x1] =	stream.indirect.gather [hbm4b:s3+s14], $0x80, s25, s14, $0xb8;
	[tilespmem:$0xC800] =	vst v63  }
0xd4: {  	_ = 	snop  }
0xd5: {  	[tilespmem:s16], [sflag:$0x1] =	stream.indirect.gather [hbm4b:s4+s14], $0x80, s26, s14, $0xb8;
	[tilespmem:$0xC800] =	vst v63  }
0xd6: {  	_ = 	snop  }
0xd7: {  	[tilespmem:s17], [sflag:$0x1] =	stream.indirect.gather [hbm4b:s5+s14], $0x80, s28, s14, $0xb8;
	[tilespmem:$0xC800] =	vst v63  }
0xd8: {  	_ =	swait.ge [sflag:s18], $0x4000  }
0xd9: {  	[sflag:s18] =	ssyncset.done $0x0  }
0xda: {  	[sflag:s18] =	ssyncadd.s32 $0xFFFFC000  }
0xdb: {  	_ =	swait.ge [sflag:s18], $0x4000  }
0xdc: {  	[sflag:s18] =	ssyncset.done $0x0  }
0xdd: {  	[sflag:s18] =	ssyncadd.s32 $0xFFFFC000  }
0xde: {  	_ =	swait.ge [sflag:s18], $0x4000  }
0xdf: {  	[sflag:s18] =	ssyncset.done $0x0  }
0xe0: {  	s31 =	simm.s32 $0x8620;
	[sflag:s18] =	ssyncadd.s32 $0xFFFFC000  }
0xe1: {  	v0 =	vld [tilespmem:s31+$0x0]  }
0xe2: {  	v1 =	vld [tilespmem:s31+$0xFFFFFFF0]  }
0xe3: {  	s0 =	simm.s32 $0x4620;
	v2 =	vld [tilespmem:s31+$0xFFFFFFE0]  }
0xe4: {  	s1 =	simm.s32 $0x620;
	v3 =	vld [tilespmem:s0+$0xFFFFFFE0]  }
0xe5: {  	s20 =	simm.s32 $0x1;
	s30 =	simm.s32 $0x0;
	v4 =	vld [tilespmem:s1+$0xFFFFFFE0]  }
.LBB2_8:
0xe6: {  	p0 =	sne.s32 s20, $0x7F;
	v5 =	vld [tilespmem:s1+$0xFFFFFFF0]  }
0xe7: {  	v6 =	vld [tilespmem:s0+$0xFFFFFFF0]  }
0xe8: {  	v7 =	vld [tilespmem:s1+$0x0]  }
0xe9: {  	v8 =	vld [tilespmem:s0+$0x0]  }
0xea: {  	v3 =	vmul.f32 v3, v4;
	v4 =	vld [tilespmem:s1+$0x10]  }
0xeb: {  	v9 =	vld [tilespmem:s0+$0x10]  }
0xec: {  	v2 =	vmul.f32 v2, v3;
	v3 =	vmul.f32 v6, v5  }
0xed: {  	v5 =	vld [tilespmem:s31+$0x10]  }
0xee: {  	v2 =	vadd.f32 $0.0e+00, v2;
	v1 =	vmul.f32 v1, v3;
	v3 =	vmul.f32 v8, v7;
	_ =	sdelay $0x1  }
0xef: {  	v1 =	vadd.f32 v1, v2;
	v0 =	vmul.f32 v0, v3;
	v2 =	vmul.f32 v9, v4;
	_ =	sdelay $0x1  }
0xf0: {  	v0 =	vadd.f32 v0, v1;
	v1 =	vmul.f32 v5, v2;
	_ =	sdelay $0x1  }
0xf1: {  	v0 =	vadd.f32 v1, v0;
	_ =	sdelay $0x1  }
0xf2: {  	(xrf2) =	vadd.scan.msk.f32 $0xffff, v0;
	_ =	sdelay $0x4  }
0xf3: {  	v0 =	vmov s30;
	s30 =	smov.u32 s20  }
0xf4: {  	v0 =	vadd.s32 $0x180, v0  }
0xf5: {  	v0 =	vbroadcast v0, $0x0;
	_ =	sdelay $0x2  }
0xf6: {  	v1, _, _ =	vpop (xrf2)  }
0xf7: {  	v1 =	vbroadcast v1, $0xF;
	_ =	sdelay $0x1  }
0xf8: {  	s31 =	sadd.s32 $0x80, s31;
	[tilespmem:v0+s19+$0x0] =	vst.idx.msk $0x1, v1  }
.Ltmp3:
0xf9: {  	v0 =	vld [tilespmem:s31+$0x0];
	(pc) =	sbr.rel @p0 .LBB2_8-.Ltmp3, $4  }
0xfa: {  	v1 =	vld [tilespmem:s31+$0xFFFFFFF0]  }
0xfb: {  	s0 =	sadd.s32 $0x80, s0;
	v2 =	vld [tilespmem:s31+$0xFFFFFFE0]  }
0xfc: {  	s1 =	sadd.s32 $0x80, s1;
	v3 =	vld [tilespmem:s0+$0xFFFFFFE0]  }
0xfd: {  	s20 =	sadd.s32 $0x1, s20;
	v4 =	vld [tilespmem:s1+$0xFFFFFFE0]  }
0xfe: {  	v5 =	vld [tilespmem:s1+$0xFFFFFFF0]  }
0xff: {  	v6 =	vld [tilespmem:s0+$0xFFFFFFF0]  }
0x100: {  	v7 =	vld [tilespmem:s1+$0x0]  }
0x101: {  	v8 =	vld [tilespmem:s0+$0x0]  }
0x102: {  	v56 =	vld [tilespmem:s1+$0x10];
	v3 =	vmul.f32 v3, v4  }
0x103: {  	v9 =	vld [tilespmem:s0+$0x10]  }
0x104: {  	v57 =	vmul.f32 v6, v5;
	v2 =	vmul.f32 v2, v3  }
0x105: {  	v58 =	vld [tilespmem:s31+$0x10]  }
0x106: {  	v59 =	vmul.f32 v8, v7;
	v1 =	vmul.f32 v1, v57;
	v2 =	vadd.f32 $0.0e+00, v2;
	_ =	sdelay $0x1  }
0x107: {  	v60 =	vmul.f32 v9, v56;
	v0 =	vmul.f32 v0, v59;
	v1 =	vadd.f32 v1, v2;
	_ =	sdelay $0x1  }
0x108: {  	v61 =	vmul.f32 v58, v60;
	v0 =	vadd.f32 v0, v1;
	_ =	sdelay $0x1  }
0x109: {  	v0 =	vadd.f32 v61, v0;
	_ =	sdelay $0x1  }
0x10a: {  	(xrf2) =	vadd.scan.msk.f32 $0xffff, v0;
	_ =	sdelay $0x4  }
0x10b: {  	v62 =	vmov s30  }
0x10c: {  	v0 =	vadd.s32 $0x180, v62  }
0x10d: {  	v0 =	vbroadcast v0, $0x0;
	_ =	sdelay $0x2  }
0x10e: {  	v63, _, _ =	vpop (xrf2)  }
0x10f: {  	s29 =	sadd.s32 $0x1, s29;
	v1 =	vbroadcast v63, $0xF  }
0x110: {  	p0 =	sne.s32 s29, s10  }
.Ltmp4:
0x111: {  	[tilespmem:v0+s19+$0x0] =	vst.idx.msk $0x1, v1;
	(pc) =	sbr.rel @p0 .LBB2_1-.Ltmp4, $4  }
0x112: {  	[hbm4b:s9+s2] =	stream.linear.scatter [tilespmem:s19], [sflag:$0x2], $0x200, $0x38;
	[tilespmem:$0xC800] =	vst v63  }
0x113: {  	_ =	swait.ge [sflag:s11], $0x200  }
0x114: {  	[sflag:s11] =	ssyncset.done $0x0  }
0x115: {  	[sflag:s11] =	ssyncadd.s32 $0xFFFFFE00  }
0x116: {  	_ =	sfence.sel $0x180000  }
0x117: {  	[bflag:$0x0] =	sbarrier.arrive $0xFFFF  }
0x118: {  	_ =	strace $0x90000047  }
0x119: {  	s0 =	stileid.u32;
	[bflag:$0x2] =	sbarrier.arrive $0xFFFF  }
0x11a: {  	p0 =	sne.s32 s0, $0x0;
	s0 =	rddreg [dreg:$0x4]  }
0x11b: {  	s0 =	sadd.s32 @!p0 $0x100000, s0  }
0x11c: {  	[sflag:s0] =	ssyncadd.tile.s32 @!p0 $0x1;
	_ =	shalt  }
.Lfunc_end2:
_tile_overlayer_lowered:
.L_overlay_start_2:
0x11d: {  	(tag) =	ssettag $0x2  }
0x11e: {  	s0 =	rddreg [dreg:$0x0];
	s2 =	stileid.u32  }
0x11f: {  	s1 =	rddreg [dreg:$0x1];
	p0 =	sne.s32 s2, $0x0  }
0x120: {  	s3 =	rddreg [dreg:$0x2];
	[bflag:$0x3] =	sbarrier.arrive $0xFFFF;
	s2 =	simm.s32 @!p0 $0x1C02  }
0x121: {  	[timem:s3], [sflag:s2] =	dma.local @!p0 [hbm:s0], s1  }
0x122: {  	s0 =	simm.s32 @!p0 $0x2  }
0x123: {  	_ =	swait.ge @!p0 [sflag:s0], s1  }
0x124: {  	s1 =	ssub.s32 @!p0 $0x0, s1;
	[sflag:s0] =	ssyncset.done @!p0 $0x0  }
0x125: {  	[sflag:s0] =	ssyncadd.s32 @!p0 s1  }
0x126: {  	[bflag:$0x3] =	sbarrier.arrive $0xFFFF  }
0x127: {  	_ =	shalt  }

// kernel: _tri_vec.14.cloned.1.call-start
scs
__scs_entry_jumppad:
0x0: {  	(pc) =	sbr.rel $0x88, $3  }
0x1: {  	(tag) =	ssettag $0x0;
	lr =	simm.s32 $0x1  }
0x2: {  	[smem:$0x3F98] =	sst lr;
	_ =	strace $0xD0000000  }
0x3: {  	_ = 	snop  }
0x4: {  	_ = 	snop  }
0x5: {  	_ = 	snop  }
0x6: {  	_ = 	snop  }
0x7: {  	_ = 	snop  }
__scs_overlays_trampoline_lowered:
0x8: {  	[smem:$0x3FA7] =	sst s0  }
0x9: {  	[smem:$0x3FA8] =	sst s1  }
0xa: {  	[smem:$0x3FA9] =	sst s2  }
0xb: {  	[smem:$0x3FAA] =	sst s3  }
0xc: {  	[smem:$0x3FAB] =	sst s4  }
0xd: {  	[smem:$0x3FAC] =	sst s5  }
0xe: {  	[smem:$0x3FAD] =	sst s6  }
0xf: {  	[smem:$0x3FAE] =	sst s7  }
0x10: {  	[smem:$0x3FAF] =	sst s8  }
0x11: {  	[smem:$0x3FB0] =	sst s9;
	s0 =	simm.s32 @!p0 $0x0  }
0x12: {  	s1 =	sld [smem:$0x3F96];
	s0 =	simm.s32 @p0 $0x1  }
0x13: {  	[smem:$0x3FB1] =	sst s0;
	s0 =	simm.s32 @!p1 $0x0  }
0x14: {  	s2 =	sld [smem:$0x3F95];
	s0 =	simm.s32 @p1 $0x1  }
0x15: {  	[smem:$0x3FB2] =	sst s0;
	s0 =	simm.s32 @!p2 $0x0  }
0x16: {  	s3 =	sld [smem:$0x3FDB];
	s0 =	simm.s32 @p2 $0x1  }
0x17: {  	s4 =	simm.s32 $0x1BF5;
	[smem:$0x3FB4] =	sst s0  }
0x18: {  	s0 =	sld [smem:$0x3F97];
	_ =	swait.ge [sflag:s4], $0x0  }
0x19: {  	s7 =	sld [smem:$0x3F98]  }
0x1a: {  	s8 =	sadd.s32 $0xFFFFE003, lr  }
0x1b: {  	s9 =	sadd.s32 $0xFFFFFEF7, lr;
	s5 =	simm.s32 $0xFFFFFFFF;
	p2 =	slt.u32 s8, $0xFFFFF086  }
0x1c: {  	p1 =	slt.u32 s9, $0xF7A;
	s5 =	simm.s32 @!p2 $0x0  }
0x1d: {  	s5 =	simm.s32 @p1 $0x1;
	p0 =	seq.s32 s7, s2  }
0x1e: {  	s7 =	smul.u32 @!p0 $0xF7A, s2;
	p2 =	seq.s32 @!p0 s5, $0x0  }
0x1f: {  	s9 =	smul.u32 $0xF7A, s1;
	s8 =	simm.s32 @!p0 $0x1BF5;
	p2 =	por !p2, p0  }
0x20: {  	[sflag:s8] =	ssyncset.s32 @!p0 $0xFFFFF086;
	s6 =	sadd.s32 @!p0 s3, s7;
	s7 =	simm.s32 @!p0 $0x108  }
0x21: {  	s3 =	sadd.s32 s3, s9;
	s6 =	sadd.s32 @!p0 $0x88, s6;
	s7 =	simm.s32 @p2 $0x1082  }
0x22: {  	[simem:s7], [sflag:s8] =	dma.local @!p0 [hbm:s6], $0xF7A  }
0x23: {  	s9 =	sor.u32 $0xD0000000, s2;
	s6 =	simm.s32 $0x108;
	_ =	swait.ge @!p0 [sflag:s8], $0x0  }
0x24: {  	s3 =	sadd.s32 $0x88, s3;
	s6 =	simm.s32 @!p1 $0x1082;
	[sflag:s4] =	ssyncset.s32 $0xFFFFF086  }
0x25: {  	[simem:s6], [sflag:s4] =	dma.local [hbm:s3], $0xF7A  }
0x26: {  	[smem:$0x3F98] =	sst s1;
	(tag) =	ssettag s2;
	_ =	strace s9  }
0x27: {  	s1 =	sld [smem:$0x3FA8]  }
0x28: {  	s2 =	sld [smem:$0x3FA9]  }
0x29: {  	s4 =	sld [smem:$0x3FAB]  }
0x2a: {  	p0 =	seq.s32 s5, $0x0;
	s5 =	sld [smem:$0x3FAC]  }
0x2b: {  	s6 =	sld [smem:$0x3FAD]  }
0x2c: {  	s7 =	sld [smem:$0x3FAE]  }
0x2d: {  	s3 =	simm.s32 $0x108;
	s8 =	sld [smem:$0x3FAF]  }
0x2e: {  	s3 =	simm.s32 @!p0 $0x1082;
	s9 =	sld [smem:$0x3FB0]  }
0x2f: {  	lr =	sadd.s32 s0, s3;
	s0 =	sld [smem:$0x3FA7]  }
0x30: {  	s3 =	sld [smem:$0x3FAA]  }
0x31: {  	[smem:$0x3FB3] =	sst s10  }
0x32: {  	s10 =	sld [smem:$0x3FB1];
	_ =	sdelay $0x3  }
0x33: {  	p0 =	seq.s32 s10, $0x1;
	s10 =	sld [smem:$0x3FB3];
	_ =	sdelay $0x3  }
0x34: {  	[smem:$0x3FB3] =	sst s10  }
0x35: {  	s10 =	sld [smem:$0x3FB2];
	_ =	sdelay $0x3  }
0x36: {  	p1 =	seq.s32 s10, $0x1;
	s10 =	sld [smem:$0x3FB3];
	_ =	sdelay $0x3  }
0x37: {  	[smem:$0x3FB3] =	sst s10  }
0x38: {  	s10 =	sld [smem:$0x3FB4]  }
0x39: {  	_ = 	snop;
	(pc) =	sbr.ind lr, $3  }
0x3a: {  	_ = 	snop  }
0x3b: {  	_ = 	snop  }
0x3c: {  	p2 =	seq.s32 s10, $0x1;
	s10 =	sld [smem:$0x3FB3]  }
0x3d: {  	_ =	shalt  }
0x3e: {  	_ =	shalt  }
0x3f: {  	_ =	shalt  }
0x40: {  	_ =	shalt  }
0x41: {  	_ =	shalt  }
0x42: {  	_ =	shalt  }
0x43: {  	_ =	shalt  }
0x44: {  	_ =	shalt  }
0x45: {  	_ =	shalt  }
0x46: {  	_ =	shalt  }
0x47: {  	_ =	shalt  }
0x48: {  	_ =	shalt  }
0x49: {  	_ =	shalt  }
0x4a: {  	_ =	shalt  }
0x4b: {  	_ =	shalt  }
0x4c: {  	_ =	shalt  }
0x4d: {  	_ =	shalt  }
0x4e: {  	_ =	shalt  }
0x4f: {  	_ =	shalt  }
0x50: {  	_ =	shalt  }
0x51: {  	_ =	shalt  }
0x52: {  	_ =	shalt  }
0x53: {  	_ =	shalt  }
0x54: {  	_ =	shalt  }
0x55: {  	_ =	shalt  }
0x56: {  	_ =	shalt  }
0x57: {  	_ =	shalt  }
0x58: {  	_ =	shalt  }
0x59: {  	_ =	shalt  }
0x5a: {  	_ =	shalt  }
0x5b: {  	_ =	shalt  }
0x5c: {  	_ =	shalt  }
0x5d: {  	_ =	shalt  }
0x5e: {  	_ =	shalt  }
0x5f: {  	_ =	shalt  }
0x60: {  	_ =	shalt  }
0x61: {  	_ =	shalt  }
0x62: {  	_ =	shalt  }
0x63: {  	_ =	shalt  }
0x64: {  	_ =	shalt  }
0x65: {  	_ =	shalt  }
0x66: {  	_ =	shalt  }
0x67: {  	_ =	shalt  }
0x68: {  	_ =	shalt  }
0x69: {  	_ =	shalt  }
0x6a: {  	_ =	shalt  }
0x6b: {  	_ =	shalt  }
0x6c: {  	_ =	shalt  }
0x6d: {  	_ =	shalt  }
0x6e: {  	_ =	shalt  }
0x6f: {  	_ =	shalt  }
0x70: {  	_ =	shalt  }
0x71: {  	_ =	shalt  }
0x72: {  	_ =	shalt  }
0x73: {  	_ =	shalt  }
0x74: {  	_ =	shalt  }
0x75: {  	_ =	shalt  }
0x76: {  	_ =	shalt  }
0x77: {  	_ =	shalt  }
0x78: {  	_ =	shalt  }
0x79: {  	_ =	shalt  }
0x7a: {  	_ =	shalt  }
0x7b: {  	_ =	shalt  }
0x7c: {  	_ =	shalt  }
0x7d: {  	_ =	shalt  }
0x7e: {  	_ =	shalt  }
0x7f: {  	_ =	shalt  }
0x80: {  	_ =	shalt  }
0x81: {  	_ =	shalt  }
0x82: {  	_ =	shalt  }
0x83: {  	_ =	shalt  }
0x84: {  	_ =	shalt  }
0x85: {  	_ =	shalt  }
0x86: {  	_ =	shalt  }
0x87: {  	_ =	shalt  }
.Lfunc_end0:
.L_simem_size_0:
called_computation.1_lowered:
.L_overlay_start_0:
0x88: {  	s2 =	sld [smem:$0x3FD9]  }
0x89: {  	s3 =	sld [smem:$0x3FFE];
	_ =	sdelay $0x1  }
0x8a: {  	s1 =	srdreg.scid  }
0x8b: {  	s0 =	sand.u32 $0x1, s1  }
0x8c: {  	s17 =	sshll.u32 s0, $0xA;
	s2 =	sadd.s32 s3, s2  }
0x8d: {  	s2 =	sadd.s32 s2, s17  }
0x8e: {  	[smem:$0x3FBF] =	sst s2  }
0x8f: {  	_ = 	snop  }
0x90: {  	s4 =	sld [smem:$0x3FC9]  }
0x91: {  	s5 =	sld [smem:$0x3FC8]  }
0x92: {  	s6 =	sld [smem:$0x3FC7]  }
0x93: {  	s18 =	sld [smem:$0x3FD0];
	(tm) =	ssettm $0x1  }
0x94: {  	s19 =	sld [smem:$0x3FFB];
	_ =	sdelay $0x3  }
0x95: {  	_ =	strace s19  }
0x96: {  	s2 =	sld [smem:$0x3FFC];
	_ =	sdelay $0x3  }
0x97: {  	_ =	strace s2  }
0x98: {  	s2 =	sld [smem:$0x3FFD];
	_ =	sdelay $0x3  }
0x99: {  	_ =	strace s2  }
0x9a: {  	_ =	strace $0x8FFFFFFF  }
0x9b: {  	s20 =	sld [smem:$0x3FDB];
	_ =	sdelay $0x1  }
0x9c: {  	s7 =	simm.s32 $_scs_section_size  }
0x9d: {  	s8 =	simm.s32 $_size__tile_overlayer_lowered;
	s9 =	simm.s32 $_tile_overlayer_lowered  }
0x9e: {  	s10 =	simm.s32 $0x1BFF;
	s21 =	sshll.u32 s9, $0x1;
	s7 =	sadd.s32 s7, s20  }
0x9f: {  	s22 =	simm.s32 $0x0;
	s8 =	sshll.u32 s8, $0x1;
	s9 =	sadd.s32 s21, s7  }
0xa0: {  	[timem:s22], [sflag:s10] =	dma.local [hbm:s9], s8  }
0xa1: {  	_ =	swait.ge [sflag:s10], s8  }
0xa2: {  	s8 =	ssub.s32 $0x0, s8;
	[sflag:s10] =	ssyncset.done $0x0  }
0xa3: {  	[sflag:s10] =	ssyncadd.s32 s8;
	_ =	sdelay $0x1  }
0xa4: {  	s23 =	simm.s32 $0x1B8B  }
0xa5: {  	_ =	swait.ge [sflag:s23], $0x1  }
0xa6: {  	[sflag:s23] =	ssyncset.done $0x0  }
0xa7: {  	[sflag:s23] =	ssyncadd.s32 $0xFFFFFFFF  }
0xa8: {  	s8 =	sld [smem:$0x0]  }
0xa9: {  	s9 =	sand.u32 $0xFFFFFFFE, s1  }
0xaa: {  	p0 =	sne.s32 s1, s9  }
0xab: {  	s9 =	sshll.u32 @p0 s9, $0xE  }
0xac: {  	s9 =	sadd.s32 @p0 $0x11B8D, s9;
	s10 =	sshll.u32 @p0 s8, $0x11  }
0xad: {  	s9 =	sor.u32 @p0 s10, s9  }
0xae: {  	[sflag:s9] =	ssyncadd.remote.s32 @p0 $0x1;
	_ =	sdelay $0x1  }
0xaf: {  	s9 =	simm.s32 @p0 $0x1B8D  }
0xb0: {  	_ =	swait.eq @p0 [sflag:s9], $0x1  }
0xb1: {  	[sflag:s9] =	ssyncadd.s32 @p0 $0xFFFFFFFF  }
0xb2: {  	s10 =	sshll.u32 @!p0 s1, $0xE  }
0xb3: {  	s10 =	sor.u32 @!p0 $0x4000, s10;
	s9 =	simm.s32 @!p0 $0x1B8D  }
0xb4: {  	s8 =	sshll.u32 @!p0 s8, $0x11;
	s10 =	sadd.s32 @!p0 $0x11B8D, s10;
	_ =	swait.eq @!p0 [sflag:s9], $0x1  }
0xb5: {  	s8 =	sor.u32 @!p0 s8, s10;
	[sflag:s9] =	ssyncadd.s32 @!p0 $0xFFFFFFFF  }
0xb6: {  	s25 =	simm.s32 $0x1B8E;
	s24 =	sld [smem:$0x3FFE];
	[sflag:s8] =	ssyncadd.remote.s32 @!p0 $0x1  }
0xb7: {  	s26 =	simm.s32 $execute0_lowered;
	[smem:$0x3FD2] =	sst s25  }
0xb8: {  	s9 =	sshll.u32 s26, $0x1;
	_ =	strace $0x8000004C;
	[dreg:$0x1] =	wrdreg $0xFFFFFFFF  }
0xb9: {  	s28 =	simm.s32 $_size_execute0_lowered;
	s7 =	sadd.s32 s7, s9;
	[dreg:$0x0] =	wrdreg $0x0  }
0xba: {  	s9 =	sshll.u32 s28, $0x1;
	[dreg:$0x2] =	wrdreg s7  }
0xbb: {  	[dreg:$0x3] =	wrdreg s9  }
0xbc: {  	[dreg:$0x4] =	wrdreg $0xC0  }
0xbd: {  	_ =	task [dreg:s22], $0x5FFFF  }
0xbe: {  	[dreg:$0x1] =	wrdreg $0xFFFFFFFF  }
0xbf: {  	[dreg:$0x0] =	wrdreg $0x60  }
0xc0: {  	[dreg:$0x2] =	wrdreg s4  }
0xc1: {  	[dreg:$0x3] =	wrdreg s5  }
0xc2: {  	[dreg:$0x4] =	wrdreg s6  }
0xc3: {  	[dreg:$0x5] =	wrdreg s24  }
0xc4: {  	[dreg:$0x6] =	wrdreg s18  }
0xc5: {  	[dreg:$0x7] =	wrdreg $0xA  }
0xc6: {  	_ =	task.clear_ibuf [dreg:s22], $0x8FFFF;
	_ =	strace $0x9000004C  }
0xc7: {  	s29 =	simm.s32 $0xA;
	_ =	strace $0x8000004E  }
0xc8: {  	_ =	swait.ge [sflag:s29], $0x1  }
0xc9: {  	[sflag:s29] =	ssyncadd.s32 $0xFFFFFFFF  }
0xca: {  	_ =	strace $0x9000004E  }
0xcb: {  	_ =	sfence  }
0xcc: {  	s30 =	sld [smem:$0x0];
	_ =	sdelay $0x2  }
0xcd: {  	s31 =	sshll.u32 s1, $0xD;
	s1 =	sshrl.u32 s1, $0x2  }
0xce: {  	s4 =	sand.u32 $0x4000, s31;
	s1 =	sadd.s32 s1, s30  }
0xcf: {  	s0 =	sor.u32 s4, s0;
	s1 =	sshll.u32 s1, $0x11  }
0xd0: {  	s0 =	sor.u32 s1, s0  }
0xd1: {  	s0 =	sadd.s32 $0x8F2B, s0  }
0xd2: {  	[sflag:s0] =	ssyncadd.remote.s32 $0x1  }
0xd3: {  	_ =	sfence.sel $0xFFFF  }
0xd4: {  	[dreg:$0x0] =	wrdreg $0xFFFFFFFF;
	(pc) =	sbr.abs _section_cstart, $3  }
0xd5: {  	[dreg:$0x1] =	wrdreg $0xFFFFFFFF  }
0xd6: {  	_ =	task.clear_ibuf [dreg:s22], $0x2FFFF;
	_ =	strace $0x9FFFFFFF  }
0xd7: {  	(tm) =	ssettm $0x7FFFFFFF  }
tec
execute0_lowered:
.L_overlay_start_1:
0x0: {  	(tag) =	ssettag $0x1  }
0x1: {  	s0 =	rddreg [dreg:$0x0]  }
0x2: {  	s2 =	rddreg [dreg:$0x1]  }
0x3: {  	s7 =	rddreg [dreg:$0x2]  }
0x4: {  	s4 =	rddreg [dreg:$0x3]  }
0x5: {  	s8 =	rddreg [dreg:$0x4];
	s1 =	simm.s32 $0x0  }
0x6: {  	s5 =	srdreg.scid;
	s9 =	stileid.u32;
	s11 =	simm.s32 $0x200  }
0x7: {  	s12 =	simm.s32 $0x400;
	s13 =	simm.s32 $0x80;
	s14 =	simm.s32 $0x600  }
0x8: {  	s15 =	simm.s32 $0x4600;
	s16 =	simm.s32 $0x8600;
	s17 =	simm.s32 $0x1  }
0x9: {  	s18 =	simm.s32 $0xC600;
	s19 =	simm.s32 $0x280;
	s20 =	simm.s32 $0x480  }
0xa: {  	s21 =	simm.s32 $0x100;
	s22 =	simm.s32 $0x300;
	s23 =	simm.s32 $0x500  }
0xb: {  	s24 =	simm.s32 $0x180;
	s25 =	simm.s32 $0x380;
	s26 =	simm.s32 $0x580  }
0xc: {  	s28 =	simm.s32 $0x0;
	[smem:$0x7FF] =	sst s1;
	s5 =	sand.u32 $0x1, s5  }
0xd: {  	s3 =	sadd.s32 $0x61C400, s4;
	s9 =	sshll.u32 s9, $0x7;
	s6 =	ssub.s32 $0x2, s5  }
0xe: {  	s4 =	sadd.s32 $0x7A2E00, s4;
	s5 =	sshll.u32 s5, $0x6;
	s10 =	sshrl.u32 s6, $0x1  }
0xf: {  	_ =	strace $0x8000004D;
	s9 =	sor.u32 s5, s9;
	s10 =	ssub.s32 s6, s10  }
0x10: {  	s5 =	sadd.s32 s0, s9;
	s6 =	sadd.s32 s2, s9;
	s7 =	sadd.s32 s7, s9  }
0x11: {  	s8 =	sadd.s32 s8, s9;
	s9 =	smax.u32 s10, $0x1;
	s10 =	simm.s32 $0x2  }
.LBB2_1:
0x12: {  	[tilespmem:s1], [sflag:$0x2] =	stream.linear.gather [hbm4b:s5+s1], $0x200, $0x38;
	[tilespmem:$0xC800] =	vst v63  }
0x13: {  	_ =	swait.ge [sflag:s10], $0x200  }
0x14: {  	[sflag:s10] =	ssyncset.done $0x0  }
0x15: {  	[sflag:s10] =	ssyncadd.s32 $0xFFFFFE00  }
0x16: {  	[tilespmem:s11], [sflag:$0x2] =	stream.linear.gather [hbm4b:s6+s1], $0x200, $0x38;
	[tilespmem:$0xC800] =	vst v63  }
0x17: {  	_ =	swait.ge [sflag:s10], $0x200  }
0x18: {  	[sflag:s10] =	ssyncset.done $0x0  }
0x19: {  	[sflag:s10] =	ssyncadd.s32 $0xFFFFFE00  }
0x1a: {  	[tilespmem:s12], [sflag:$0x2] =	stream.linear.gather [hbm4b:s7+s1], $0x200, $0x38;
	[tilespmem:$0xC800] =	vst v63  }
0x1b: {  	_ =	swait.ge [sflag:s10], $0x200  }
0x1c: {  	[sflag:s10] =	ssyncset.done $0x0  }
0x1d: {  	[sflag:s10] =	ssyncadd.s32 $0xFFFFFE00  }
0x1e: {  	[tilespmem:s14], [sflag:$0x1] =	stream.indirect.gather [hbm4b:s3+s13], $0x80, s1, s13, $0xb8;
	[tilespmem:$0xC800] =	vst v63  }
0x1f: {  	_ = 	snop  }
0x20: {  	[tilespmem:s15], [sflag:$0x1] =	stream.indirect.gather [hbm4b:s4+s13], $0x80, s11, s13, $0xb8;
	[tilespmem:$0xC800] =	vst v63  }
0x21: {  	_ = 	snop  }
0x22: {  	[tilespmem:s16], [sflag:$0x1] =	stream.indirect.gather [hbm4b:s3+s13], $0x80, s12, s13, $0xb8;
	[tilespmem:$0xC800] =	vst v63  }
0x23: {  	_ =	swait.ge [sflag:s17], $0x4000  }
0x24: {  	[sflag:s17] =	ssyncset.done $0x0  }
0x25: {  	[sflag:s17] =	ssyncadd.s32 $0xFFFFC000  }
0x26: {  	_ =	swait.ge [sflag:s17], $0x4000  }
0x27: {  	[sflag:s17] =	ssyncset.done $0x0  }
0x28: {  	[sflag:s17] =	ssyncadd.s32 $0xFFFFC000  }
0x29: {  	_ =	swait.ge [sflag:s17], $0x4000  }
0x2a: {  	[sflag:s17] =	ssyncset.done $0x0  }
0x2b: {  	s30 =	simm.s32 $0x8620;
	[sflag:s17] =	ssyncadd.s32 $0xFFFFC000  }
0x2c: {  	v0 =	vld [tilespmem:s30+$0x0]  }
0x2d: {  	v1 =	vld [tilespmem:s30+$0xFFFFFFF0]  }
0x2e: {  	s31 =	simm.s32 $0x4620;
	v2 =	vld [tilespmem:s30+$0xFFFFFFE0]  }
0x2f: {  	s0 =	simm.s32 $0x620;
	v3 =	vld [tilespmem:s31+$0xFFFFFFE0]  }
0x30: {  	s2 =	simm.s32 $0x1;
	s29 =	simm.s32 $0x0;
	v4 =	vld [tilespmem:s0+$0xFFFFFFE0]  }
.LBB2_2:
0x31: {  	p0 =	sne.s32 s2, $0x7F;
	v5 =	vld [tilespmem:s0+$0xFFFFFFF0]  }
0x32: {  	v6 =	vld [tilespmem:s31+$0xFFFFFFF0]  }
0x33: {  	v7 =	vld [tilespmem:s0+$0x0]  }
0x34: {  	v8 =	vld [tilespmem:s31+$0x0]  }
0x35: {  	v3 =	vmul.f32 v3, v4;
	v4 =	vld [tilespmem:s0+$0x10]  }
0x36: {  	v9 =	vld [tilespmem:s31+$0x10]  }
0x37: {  	v2 =	vmul.f32 v2, v3;
	v3 =	vmul.f32 v6, v5  }
0x38: {  	v5 =	vld [tilespmem:s30+$0x10]  }
0x39: {  	v2 =	vadd.f32 $0.0e+00, v2;
	v1 =	vmul.f32 v1, v3;
	v3 =	vmul.f32 v8, v7;
	_ =	sdelay $0x1  }
0x3a: {  	v1 =	vadd.f32 v1, v2;
	v0 =	vmul.f32 v0, v3;
	v2 =	vmul.f32 v9, v4;
	_ =	sdelay $0x1  }
0x3b: {  	v0 =	vadd.f32 v0, v1;
	v1 =	vmul.f32 v5, v2;
	_ =	sdelay $0x1  }
0x3c: {  	v0 =	vadd.f32 v1, v0;
	_ =	sdelay $0x1  }
0x3d: {  	(xrf2) =	vadd.scan.msk.f32 $0xffff, v0;
	_ =	sdelay $0x7  }
0x3e: {  	v0 =	vmov s29;
	s29 =	smov.u32 s2;
	_ =	sdelay $0x1  }
0x3f: {  	v1, _, _ =	vpop (xrf2)  }
0x40: {  	v1 =	vbroadcast v1, $0xF;
	_ =	sdelay $0x1  }
0x41: {  	s30 =	sadd.s32 $0x80, s30;
	[tilespmem:v0+s18+$0x0] =	vst.idx.msk $0x1, v1  }
.Ltmp0:
0x42: {  	v0 =	vld [tilespmem:s30+$0x0];
	(pc) =	sbr.rel @p0 .LBB2_2-.Ltmp0, $4  }
0x43: {  	v1 =	vld [tilespmem:s30+$0xFFFFFFF0]  }
0x44: {  	s31 =	sadd.s32 $0x80, s31;
	v2 =	vld [tilespmem:s30+$0xFFFFFFE0]  }
0x45: {  	s0 =	sadd.s32 $0x80, s0;
	v3 =	vld [tilespmem:s31+$0xFFFFFFE0]  }
0x46: {  	s2 =	sadd.s32 $0x1, s2;
	v4 =	vld [tilespmem:s0+$0xFFFFFFE0]  }
0x47: {  	v5 =	vld [tilespmem:s0+$0xFFFFFFF0]  }
0x48: {  	v6 =	vld [tilespmem:s31+$0xFFFFFFF0]  }
0x49: {  	v7 =	vld [tilespmem:s0+$0x0]  }
0x4a: {  	v8 =	vld [tilespmem:s31+$0x0]  }
0x4b: {  	v9 =	vld [tilespmem:s31+$0x10];
	v3 =	vmul.f32 v3, v4  }
0x4c: {  	v4 =	vld [tilespmem:s0+$0x10]  }
0x4d: {  	v2 =	vmul.f32 v2, v3;
	v3 =	vmul.f32 v6, v5  }
0x4e: {  	v5 =	vld [tilespmem:s30+$0x10]  }
0x4f: {  	v2 =	vadd.f32 $0.0e+00, v2;
	v1 =	vmul.f32 v1, v3;
	v3 =	vmul.f32 v8, v7;
	_ =	sdelay $0x1  }
0x50: {  	v1 =	vadd.f32 v1, v2;
	v0 =	vmul.f32 v0, v3;
	v2 =	vmul.f32 v9, v4;
	_ =	sdelay $0x1  }
0x51: {  	v0 =	vadd.f32 v0, v1;
	v1 =	vmul.f32 v5, v2;
	_ =	sdelay $0x1  }
0x52: {  	v0 =	vadd.f32 v1, v0;
	_ =	sdelay $0x1  }
0x53: {  	(xrf2) =	vadd.scan.msk.f32 $0xffff, v0;
	_ =	sdelay $0x7  }
0x54: {  	v0 =	vmov s29;
	_ =	sdelay $0x1  }
0x55: {  	v1, _, _ =	vpop (xrf2)  }
0x56: {  	v1 =	vbroadcast v1, $0xF;
	_ =	sdelay $0x1  }
0x57: {  	[tilespmem:v0+s18+$0x0] =	vst.idx.msk $0x1, v1  }
0x58: {  	[tilespmem:s14], [sflag:$0x1] =	stream.indirect.gather [hbm4b:s3+s13], $0x80, s13, s13, $0xb8;
	[tilespmem:$0xC800] =	vst v63  }
0x59: {  	_ = 	snop  }
0x5a: {  	[tilespmem:s15], [sflag:$0x1] =	stream.indirect.gather [hbm4b:s4+s13], $0x80, s19, s13, $0xb8;
	[tilespmem:$0xC800] =	vst v63  }
0x5b: {  	_ = 	snop  }
0x5c: {  	[tilespmem:s16], [sflag:$0x1] =	stream.indirect.gather [hbm4b:s3+s13], $0x80, s20, s13, $0xb8;
	[tilespmem:$0xC800] =	vst v63  }
0x5d: {  	_ =	swait.ge [sflag:s17], $0x4000  }
0x5e: {  	[sflag:s17] =	ssyncset.done $0x0  }
0x5f: {  	[sflag:s17] =	ssyncadd.s32 $0xFFFFC000  }
0x60: {  	_ =	swait.ge [sflag:s17], $0x4000  }
0x61: {  	[sflag:s17] =	ssyncset.done $0x0  }
0x62: {  	[sflag:s17] =	ssyncadd.s32 $0xFFFFC000  }
0x63: {  	_ =	swait.ge [sflag:s17], $0x4000  }
0x64: {  	[sflag:s17] =	ssyncset.done $0x0  }
0x65: {  	s30 =	simm.s32 $0x8620;
	[sflag:s17] =	ssyncadd.s32 $0xFFFFC000  }
0x66: {  	v0 =	vld [tilespmem:s30+$0x0]  }
0x67: {  	v1 =	vld [tilespmem:s30+$0xFFFFFFF0]  }
0x68: {  	s31 =	simm.s32 $0x4620;
	v2 =	vld [tilespmem:s30+$0xFFFFFFE0]  }
0x69: {  	s0 =	simm.s32 $0x620;
	v3 =	vld [tilespmem:s31+$0xFFFFFFE0]  }
0x6a: {  	s2 =	simm.s32 $0x1;
	s29 =	simm.s32 $0x0;
	v4 =	vld [tilespmem:s0+$0xFFFFFFE0]  }
.LBB2_4:
0x6b: {  	p0 =	sne.s32 s2, $0x7F;
	v5 =	vld [tilespmem:s0+$0xFFFFFFF0]  }
0x6c: {  	v6 =	vld [tilespmem:s31+$0xFFFFFFF0]  }
0x6d: {  	v7 =	vld [tilespmem:s0+$0x0]  }
0x6e: {  	v8 =	vld [tilespmem:s31+$0x0]  }
0x6f: {  	v3 =	vmul.f32 v3, v4;
	v4 =	vld [tilespmem:s0+$0x10]  }
0x70: {  	v9 =	vld [tilespmem:s31+$0x10]  }
0x71: {  	v2 =	vmul.f32 v2, v3;
	v3 =	vmul.f32 v6, v5  }
0x72: {  	v5 =	vld [tilespmem:s30+$0x10]  }
0x73: {  	v2 =	vadd.f32 $0.0e+00, v2;
	v1 =	vmul.f32 v1, v3;
	v3 =	vmul.f32 v8, v7;
	_ =	sdelay $0x1  }
0x74: {  	v1 =	vadd.f32 v1, v2;
	v0 =	vmul.f32 v0, v3;
	v2 =	vmul.f32 v9, v4;
	_ =	sdelay $0x1  }
0x75: {  	v0 =	vadd.f32 v0, v1;
	v1 =	vmul.f32 v5, v2;
	_ =	sdelay $0x1  }
0x76: {  	v0 =	vadd.f32 v1, v0;
	_ =	sdelay $0x1  }
0x77: {  	(xrf2) =	vadd.scan.msk.f32 $0xffff, v0;
	_ =	sdelay $0x4  }
0x78: {  	v0 =	vmov s29;
	s29 =	smov.u32 s2  }
0x79: {  	v0 =	vadd.s32 $0x80, v0  }
0x7a: {  	v0 =	vbroadcast v0, $0x0;
	_ =	sdelay $0x2  }
0x7b: {  	v1, _, _ =	vpop (xrf2)  }
0x7c: {  	v1 =	vbroadcast v1, $0xF;
	_ =	sdelay $0x1  }
0x7d: {  	s30 =	sadd.s32 $0x80, s30;
	[tilespmem:v0+s18+$0x0] =	vst.idx.msk $0x1, v1  }
.Ltmp1:
0x7e: {  	v0 =	vld [tilespmem:s30+$0x0];
	(pc) =	sbr.rel @p0 .LBB2_4-.Ltmp1, $4  }
0x7f: {  	v1 =	vld [tilespmem:s30+$0xFFFFFFF0]  }
0x80: {  	s31 =	sadd.s32 $0x80, s31;
	v2 =	vld [tilespmem:s30+$0xFFFFFFE0]  }
0x81: {  	s0 =	sadd.s32 $0x80, s0;
	v3 =	vld [tilespmem:s31+$0xFFFFFFE0]  }
0x82: {  	s2 =	sadd.s32 $0x1, s2;
	v4 =	vld [tilespmem:s0+$0xFFFFFFE0]  }
0x83: {  	v5 =	vld [tilespmem:s0+$0xFFFFFFF0]  }
0x84: {  	v6 =	vld [tilespmem:s31+$0xFFFFFFF0]  }
0x85: {  	v7 =	vld [tilespmem:s0+$0x0]  }
0x86: {  	v8 =	vld [tilespmem:s31+$0x0]  }
0x87: {  	v9 =	vld [tilespmem:s31+$0x10];
	v3 =	vmul.f32 v3, v4  }
0x88: {  	v4 =	vld [tilespmem:s0+$0x10]  }
0x89: {  	v2 =	vmul.f32 v2, v3;
	v3 =	vmul.f32 v6, v5  }
0x8a: {  	v5 =	vld [tilespmem:s30+$0x10]  }
0x8b: {  	v2 =	vadd.f32 $0.0e+00, v2;
	v1 =	vmul.f32 v1, v3;
	v3 =	vmul.f32 v8, v7;
	_ =	sdelay $0x1  }
0x8c: {  	v1 =	vadd.f32 v1, v2;
	v0 =	vmul.f32 v0, v3;
	v2 =	vmul.f32 v9, v4;
	_ =	sdelay $0x1  }
0x8d: {  	v0 =	vadd.f32 v0, v1;
	v1 =	vmul.f32 v5, v2;
	_ =	sdelay $0x1  }
0x8e: {  	v0 =	vadd.f32 v1, v0;
	_ =	sdelay $0x1  }
0x8f: {  	(xrf2) =	vadd.scan.msk.f32 $0xffff, v0;
	_ =	sdelay $0x4  }
0x90: {  	v0 =	vmov s29  }
0x91: {  	v0 =	vadd.s32 $0x80, v0  }
0x92: {  	v0 =	vbroadcast v0, $0x0;
	_ =	sdelay $0x2  }
0x93: {  	v1, _, _ =	vpop (xrf2)  }
0x94: {  	v1 =	vbroadcast v1, $0xF;
	_ =	sdelay $0x1  }
0x95: {  	[tilespmem:v0+s18+$0x0] =	vst.idx.msk $0x1, v1  }
0x96: {  	[tilespmem:s14], [sflag:$0x1] =	stream.indirect.gather [hbm4b:s3+s13], $0x80, s21, s13, $0xb8;
	[tilespmem:$0xC800] =	vst v63  }
0x97: {  	_ = 	snop  }
0x98: {  	[tilespmem:s15], [sflag:$0x1] =	stream.indirect.gather [hbm4b:s4+s13], $0x80, s22, s13, $0xb8;
	[tilespmem:$0xC800] =	vst v63  }
0x99: {  	_ = 	snop  }
0x9a: {  	[tilespmem:s16], [sflag:$0x1] =	stream.indirect.gather [hbm4b:s3+s13], $0x80, s23, s13, $0xb8;
	[tilespmem:$0xC800] =	vst v63  }
0x9b: {  	_ =	swait.ge [sflag:s17], $0x4000  }
0x9c: {  	[sflag:s17] =	ssyncset.done $0x0  }
0x9d: {  	[sflag:s17] =	ssyncadd.s32 $0xFFFFC000  }
0x9e: {  	_ =	swait.ge [sflag:s17], $0x4000  }
0x9f: {  	[sflag:s17] =	ssyncset.done $0x0  }
0xa0: {  	[sflag:s17] =	ssyncadd.s32 $0xFFFFC000  }
0xa1: {  	_ =	swait.ge [sflag:s17], $0x4000  }
0xa2: {  	[sflag:s17] =	ssyncset.done $0x0  }
0xa3: {  	s30 =	simm.s32 $0x8620;
	[sflag:s17] =	ssyncadd.s32 $0xFFFFC000  }
0xa4: {  	v0 =	vld [tilespmem:s30+$0x0]  }
0xa5: {  	v1 =	vld [tilespmem:s30+$0xFFFFFFF0]  }
0xa6: {  	s31 =	simm.s32 $0x4620;
	v2 =	vld [tilespmem:s30+$0xFFFFFFE0]  }
0xa7: {  	s0 =	simm.s32 $0x620;
	v3 =	vld [tilespmem:s31+$0xFFFFFFE0]  }
0xa8: {  	s2 =	simm.s32 $0x1;
	s29 =	simm.s32 $0x0;
	v4 =	vld [tilespmem:s0+$0xFFFFFFE0]  }
.LBB2_6:
0xa9: {  	p0 =	sne.s32 s2, $0x7F;
	v5 =	vld [tilespmem:s0+$0xFFFFFFF0]  }
0xaa: {  	v6 =	vld [tilespmem:s31+$0xFFFFFFF0]  }
0xab: {  	v7 =	vld [tilespmem:s0+$0x0]  }
0xac: {  	v8 =	vld [tilespmem:s31+$0x0]  }
0xad: {  	v3 =	vmul.f32 v3, v4;
	v4 =	vld [tilespmem:s0+$0x10]  }
0xae: {  	v9 =	vld [tilespmem:s31+$0x10]  }
0xaf: {  	v2 =	vmul.f32 v2, v3;
	v3 =	vmul.f32 v6, v5  }
0xb0: {  	v5 =	vld [tilespmem:s30+$0x10]  }
0xb1: {  	v2 =	vadd.f32 $0.0e+00, v2;
	v1 =	vmul.f32 v1, v3;
	v3 =	vmul.f32 v8, v7;
	_ =	sdelay $0x1  }
0xb2: {  	v1 =	vadd.f32 v1, v2;
	v0 =	vmul.f32 v0, v3;
	v2 =	vmul.f32 v9, v4;
	_ =	sdelay $0x1  }
0xb3: {  	v0 =	vadd.f32 v0, v1;
	v1 =	vmul.f32 v5, v2;
	_ =	sdelay $0x1  }
0xb4: {  	v0 =	vadd.f32 v1, v0;
	_ =	sdelay $0x1  }
0xb5: {  	(xrf2) =	vadd.scan.msk.f32 $0xffff, v0;
	_ =	sdelay $0x4  }
0xb6: {  	v0 =	vmov s29;
	s29 =	smov.u32 s2  }
0xb7: {  	v0 =	vadd.s32 $0x100, v0  }
0xb8: {  	v0 =	vbroadcast v0, $0x0;
	_ =	sdelay $0x2  }
0xb9: {  	v1, _, _ =	vpop (xrf2)  }
0xba: {  	v1 =	vbroadcast v1, $0xF;
	_ =	sdelay $0x1  }
0xbb: {  	s30 =	sadd.s32 $0x80, s30;
	[tilespmem:v0+s18+$0x0] =	vst.idx.msk $0x1, v1  }
.Ltmp2:
0xbc: {  	v0 =	vld [tilespmem:s30+$0x0];
	(pc) =	sbr.rel @p0 .LBB2_6-.Ltmp2, $4  }
0xbd: {  	v1 =	vld [tilespmem:s30+$0xFFFFFFF0]  }
0xbe: {  	s31 =	sadd.s32 $0x80, s31;
	v2 =	vld [tilespmem:s30+$0xFFFFFFE0]  }
0xbf: {  	s0 =	sadd.s32 $0x80, s0;
	v3 =	vld [tilespmem:s31+$0xFFFFFFE0]  }
0xc0: {  	s2 =	sadd.s32 $0x1, s2;
	v4 =	vld [tilespmem:s0+$0xFFFFFFE0]  }
0xc1: {  	v5 =	vld [tilespmem:s0+$0xFFFFFFF0]  }
0xc2: {  	v6 =	vld [tilespmem:s31+$0xFFFFFFF0]  }
0xc3: {  	v7 =	vld [tilespmem:s0+$0x0]  }
0xc4: {  	v8 =	vld [tilespmem:s31+$0x0]  }
0xc5: {  	v9 =	vld [tilespmem:s31+$0x10];
	v3 =	vmul.f32 v3, v4  }
0xc6: {  	v4 =	vld [tilespmem:s0+$0x10]  }
0xc7: {  	v2 =	vmul.f32 v2, v3;
	v3 =	vmul.f32 v6, v5  }
0xc8: {  	v5 =	vld [tilespmem:s30+$0x10]  }
0xc9: {  	v2 =	vadd.f32 $0.0e+00, v2;
	v1 =	vmul.f32 v1, v3;
	v3 =	vmul.f32 v8, v7;
	_ =	sdelay $0x1  }
0xca: {  	v1 =	vadd.f32 v1, v2;
	v0 =	vmul.f32 v0, v3;
	v2 =	vmul.f32 v9, v4;
	_ =	sdelay $0x1  }
0xcb: {  	v0 =	vadd.f32 v0, v1;
	v1 =	vmul.f32 v5, v2;
	_ =	sdelay $0x1  }
0xcc: {  	v0 =	vadd.f32 v1, v0;
	_ =	sdelay $0x1  }
0xcd: {  	(xrf2) =	vadd.scan.msk.f32 $0xffff, v0;
	_ =	sdelay $0x4  }
0xce: {  	v0 =	vmov s29  }
0xcf: {  	v0 =	vadd.s32 $0x100, v0  }
0xd0: {  	v0 =	vbroadcast v0, $0x0;
	_ =	sdelay $0x2  }
0xd1: {  	v1, _, _ =	vpop (xrf2)  }
0xd2: {  	v1 =	vbroadcast v1, $0xF;
	_ =	sdelay $0x1  }
0xd3: {  	[tilespmem:v0+s18+$0x0] =	vst.idx.msk $0x1, v1  }
0xd4: {  	[tilespmem:s14], [sflag:$0x1] =	stream.indirect.gather [hbm4b:s3+s13], $0x80, s24, s13, $0xb8;
	[tilespmem:$0xC800] =	vst v63  }
0xd5: {  	_ = 	snop  }
0xd6: {  	[tilespmem:s15], [sflag:$0x1] =	stream.indirect.gather [hbm4b:s4+s13], $0x80, s25, s13, $0xb8;
	[tilespmem:$0xC800] =	vst v63  }
0xd7: {  	_ = 	snop  }
0xd8: {  	[tilespmem:s16], [sflag:$0x1] =	stream.indirect.gather [hbm4b:s3+s13], $0x80, s26, s13, $0xb8;
	[tilespmem:$0xC800] =	vst v63  }
0xd9: {  	_ =	swait.ge [sflag:s17], $0x4000  }
0xda: {  	[sflag:s17] =	ssyncset.done $0x0  }
0xdb: {  	[sflag:s17] =	ssyncadd.s32 $0xFFFFC000  }
0xdc: {  	_ =	swait.ge [sflag:s17], $0x4000  }
0xdd: {  	[sflag:s17] =	ssyncset.done $0x0  }
0xde: {  	[sflag:s17] =	ssyncadd.s32 $0xFFFFC000  }
0xdf: {  	_ =	swait.ge [sflag:s17], $0x4000  }
0xe0: {  	[sflag:s17] =	ssyncset.done $0x0  }
0xe1: {  	s30 =	simm.s32 $0x8620;
	[sflag:s17] =	ssyncadd.s32 $0xFFFFC000  }
0xe2: {  	v0 =	vld [tilespmem:s30+$0x0]  }
0xe3: {  	v1 =	vld [tilespmem:s30+$0xFFFFFFF0]  }
0xe4: {  	s31 =	simm.s32 $0x4620;
	v2 =	vld [tilespmem:s30+$0xFFFFFFE0]  }
0xe5: {  	s0 =	simm.s32 $0x620;
	v3 =	vld [tilespmem:s31+$0xFFFFFFE0]  }
0xe6: {  	s2 =	simm.s32 $0x1;
	s29 =	simm.s32 $0x0;
	v4 =	vld [tilespmem:s0+$0xFFFFFFE0]  }
.LBB2_8:
0xe7: {  	p0 =	sne.s32 s2, $0x7F;
	v5 =	vld [tilespmem:s0+$0xFFFFFFF0]  }
0xe8: {  	v6 =	vld [tilespmem:s31+$0xFFFFFFF0]  }
0xe9: {  	v7 =	vld [tilespmem:s0+$0x0]  }
0xea: {  	v8 =	vld [tilespmem:s31+$0x0]  }
0xeb: {  	v3 =	vmul.f32 v3, v4;
	v4 =	vld [tilespmem:s0+$0x10]  }
0xec: {  	v9 =	vld [tilespmem:s31+$0x10]  }
0xed: {  	v2 =	vmul.f32 v2, v3;
	v3 =	vmul.f32 v6, v5  }
0xee: {  	v5 =	vld [tilespmem:s30+$0x10]  }
0xef: {  	v2 =	vadd.f32 $0.0e+00, v2;
	v1 =	vmul.f32 v1, v3;
	v3 =	vmul.f32 v8, v7;
	_ =	sdelay $0x1  }
0xf0: {  	v1 =	vadd.f32 v1, v2;
	v0 =	vmul.f32 v0, v3;
	v2 =	vmul.f32 v9, v4;
	_ =	sdelay $0x1  }
0xf1: {  	v0 =	vadd.f32 v0, v1;
	v1 =	vmul.f32 v5, v2;
	_ =	sdelay $0x1  }
0xf2: {  	v0 =	vadd.f32 v1, v0;
	_ =	sdelay $0x1  }
0xf3: {  	(xrf2) =	vadd.scan.msk.f32 $0xffff, v0;
	_ =	sdelay $0x4  }
0xf4: {  	v0 =	vmov s29;
	s29 =	smov.u32 s2  }
0xf5: {  	v0 =	vadd.s32 $0x180, v0  }
0xf6: {  	v0 =	vbroadcast v0, $0x0;
	_ =	sdelay $0x2  }
0xf7: {  	v1, _, _ =	vpop (xrf2)  }
0xf8: {  	v1 =	vbroadcast v1, $0xF;
	_ =	sdelay $0x1  }
0xf9: {  	s30 =	sadd.s32 $0x80, s30;
	[tilespmem:v0+s18+$0x0] =	vst.idx.msk $0x1, v1  }
.Ltmp3:
0xfa: {  	v0 =	vld [tilespmem:s30+$0x0];
	(pc) =	sbr.rel @p0 .LBB2_8-.Ltmp3, $4  }
0xfb: {  	v1 =	vld [tilespmem:s30+$0xFFFFFFF0]  }
0xfc: {  	s31 =	sadd.s32 $0x80, s31;
	v2 =	vld [tilespmem:s30+$0xFFFFFFE0]  }
0xfd: {  	s0 =	sadd.s32 $0x80, s0;
	v3 =	vld [tilespmem:s31+$0xFFFFFFE0]  }
0xfe: {  	s2 =	sadd.s32 $0x1, s2;
	v4 =	vld [tilespmem:s0+$0xFFFFFFE0]  }
0xff: {  	v5 =	vld [tilespmem:s0+$0xFFFFFFF0]  }
0x100: {  	v6 =	vld [tilespmem:s31+$0xFFFFFFF0]  }
0x101: {  	v7 =	vld [tilespmem:s0+$0x0]  }
0x102: {  	v8 =	vld [tilespmem:s31+$0x0]  }
0x103: {  	v56 =	vld [tilespmem:s0+$0x10];
	v3 =	vmul.f32 v3, v4  }
0x104: {  	v9 =	vld [tilespmem:s31+$0x10]  }
0x105: {  	v57 =	vmul.f32 v6, v5;
	v2 =	vmul.f32 v2, v3  }
0x106: {  	v58 =	vld [tilespmem:s30+$0x10]  }
0x107: {  	v59 =	vmul.f32 v8, v7;
	v1 =	vmul.f32 v1, v57;
	v2 =	vadd.f32 $0.0e+00, v2;
	_ =	sdelay $0x1  }
0x108: {  	v60 =	vmul.f32 v9, v56;
	v0 =	vmul.f32 v0, v59;
	v1 =	vadd.f32 v1, v2;
	_ =	sdelay $0x1  }
0x109: {  	v61 =	vmul.f32 v58, v60;
	v0 =	vadd.f32 v0, v1;
	_ =	sdelay $0x1  }
0x10a: {  	v0 =	vadd.f32 v61, v0;
	_ =	sdelay $0x1  }
0x10b: {  	(xrf2) =	vadd.scan.msk.f32 $0xffff, v0;
	_ =	sdelay $0x4  }
0x10c: {  	v62 =	vmov s29  }
0x10d: {  	v0 =	vadd.s32 $0x180, v62  }
0x10e: {  	v0 =	vbroadcast v0, $0x0;
	_ =	sdelay $0x2  }
0x10f: {  	v63, _, _ =	vpop (xrf2)  }
0x110: {  	s28 =	sadd.s32 $0x1, s28;
	v1 =	vbroadcast v63, $0xF  }
0x111: {  	p0 =	sne.s32 s28, s9  }
.Ltmp4:
0x112: {  	[tilespmem:v0+s18+$0x0] =	vst.idx.msk $0x1, v1;
	(pc) =	sbr.rel @p0 .LBB2_1-.Ltmp4, $4  }
0x113: {  	[hbm4b:s8+s1] =	stream.linear.scatter [tilespmem:s18], [sflag:$0x2], $0x200, $0x38;
	[tilespmem:$0xC800] =	vst v63  }
0x114: {  	_ =	swait.ge [sflag:s10], $0x200  }
0x115: {  	[sflag:s10] =	ssyncset.done $0x0  }
0x116: {  	[sflag:s10] =	ssyncadd.s32 $0xFFFFFE00  }
0x117: {  	_ =	sfence.sel $0x180000  }
0x118: {  	[bflag:$0x0] =	sbarrier.arrive $0xFFFF  }
0x119: {  	_ =	strace $0x9000004D  }
0x11a: {  	s0 =	stileid.u32;
	[bflag:$0x2] =	sbarrier.arrive $0xFFFF  }
0x11b: {  	p0 =	sne.s32 s0, $0x0;
	s0 =	rddreg [dreg:$0x5]  }
0x11c: {  	s0 =	sadd.s32 @!p0 $0x100000, s0  }
0x11d: {  	[sflag:s0] =	ssyncadd.tile.s32 @!p0 $0x1;
	_ =	shalt  }
.Lfunc_end2:
_tile_overlayer_lowered:
.L_overlay_start_2:
0x11e: {  	(tag) =	ssettag $0x2  }
0x11f: {  	s0 =	rddreg [dreg:$0x0];
	s2 =	stileid.u32  }
0x120: {  	s1 =	rddreg [dreg:$0x1];
	p0 =	sne.s32 s2, $0x0  }
0x121: {  	s3 =	rddreg [dreg:$0x2];
	[bflag:$0x3] =	sbarrier.arrive $0xFFFF;
	s2 =	simm.s32 @!p0 $0x1C02  }
0x122: {  	[timem:s3], [sflag:s2] =	dma.local @!p0 [hbm:s0], s1  }
0x123: {  	s0 =	simm.s32 @!p0 $0x2  }
0x124: {  	_ =	swait.ge @!p0 [sflag:s0], s1  }
0x125: {  	s1 =	ssub.s32 @!p0 $0x0, s1;
	[sflag:s0] =	ssyncset.done @!p0 $0x0  }
0x126: {  	[sflag:s0] =	ssyncadd.s32 @!p0 s1  }
0x127: {  	[bflag:$0x3] =	sbarrier.arrive $0xFFFF  }
0x128: {  	_ =	shalt  }

// kernel: _tri_vec.17.cloned.1.call-start
scs
__scs_entry_jumppad:
0x0: {  	(pc) =	sbr.rel $0x88, $3  }
0x1: {  	(tag) =	ssettag $0x0;
	lr =	simm.s32 $0x1  }
0x2: {  	[smem:$0x3F98] =	sst lr;
	_ =	strace $0xD0000000  }
0x3: {  	_ = 	snop  }
0x4: {  	_ = 	snop  }
0x5: {  	_ = 	snop  }
0x6: {  	_ = 	snop  }
0x7: {  	_ = 	snop  }
__scs_overlays_trampoline_lowered:
0x8: {  	[smem:$0x3FA7] =	sst s0  }
0x9: {  	[smem:$0x3FA8] =	sst s1  }
0xa: {  	[smem:$0x3FA9] =	sst s2  }
0xb: {  	[smem:$0x3FAA] =	sst s3  }
0xc: {  	[smem:$0x3FAB] =	sst s4  }
0xd: {  	[smem:$0x3FAC] =	sst s5  }
0xe: {  	[smem:$0x3FAD] =	sst s6  }
0xf: {  	[smem:$0x3FAE] =	sst s7  }
0x10: {  	[smem:$0x3FAF] =	sst s8  }
0x11: {  	[smem:$0x3FB0] =	sst s9;
	s0 =	simm.s32 @!p0 $0x0  }
0x12: {  	s1 =	sld [smem:$0x3F96];
	s0 =	simm.s32 @p0 $0x1  }
0x13: {  	[smem:$0x3FB1] =	sst s0;
	s0 =	simm.s32 @!p1 $0x0  }
0x14: {  	s2 =	sld [smem:$0x3F95];
	s0 =	simm.s32 @p1 $0x1  }
0x15: {  	[smem:$0x3FB2] =	sst s0;
	s0 =	simm.s32 @!p2 $0x0  }
0x16: {  	s3 =	sld [smem:$0x3FDB];
	s0 =	simm.s32 @p2 $0x1  }
0x17: {  	s4 =	simm.s32 $0x1BF5;
	[smem:$0x3FB4] =	sst s0  }
0x18: {  	s0 =	sld [smem:$0x3F97];
	_ =	swait.ge [sflag:s4], $0x0  }
0x19: {  	s7 =	sld [smem:$0x3F98]  }
0x1a: {  	s8 =	sadd.s32 $0xFFFFE003, lr  }
0x1b: {  	s9 =	sadd.s32 $0xFFFFFEF7, lr;
	s5 =	simm.s32 $0xFFFFFFFF;
	p2 =	slt.u32 s8, $0xFFFFF086  }
0x1c: {  	p1 =	slt.u32 s9, $0xF7A;
	s5 =	simm.s32 @!p2 $0x0  }
0x1d: {  	s5 =	simm.s32 @p1 $0x1;
	p0 =	seq.s32 s7, s2  }
0x1e: {  	s7 =	smul.u32 @!p0 $0xF7A, s2;
	p2 =	seq.s32 @!p0 s5, $0x0  }
0x1f: {  	s9 =	smul.u32 $0xF7A, s1;
	s8 =	simm.s32 @!p0 $0x1BF5;
	p2 =	por !p2, p0  }
0x20: {  	[sflag:s8] =	ssyncset.s32 @!p0 $0xFFFFF086;
	s6 =	sadd.s32 @!p0 s3, s7;
	s7 =	simm.s32 @!p0 $0x108  }
0x21: {  	s3 =	sadd.s32 s3, s9;
	s6 =	sadd.s32 @!p0 $0x88, s6;
	s7 =	simm.s32 @p2 $0x1082  }
0x22: {  	[simem:s7], [sflag:s8] =	dma.local @!p0 [hbm:s6], $0xF7A  }
0x23: {  	s9 =	sor.u32 $0xD0000000, s2;
	s6 =	simm.s32 $0x108;
	_ =	swait.ge @!p0 [sflag:s8], $0x0  }
0x24: {  	s3 =	sadd.s32 $0x88, s3;
	s6 =	simm.s32 @!p1 $0x1082;
	[sflag:s4] =	ssyncset.s32 $0xFFFFF086  }
0x25: {  	[simem:s6], [sflag:s4] =	dma.local [hbm:s3], $0xF7A  }
0x26: {  	[smem:$0x3F98] =	sst s1;
	(tag) =	ssettag s2;
	_ =	strace s9  }
0x27: {  	s1 =	sld [smem:$0x3FA8]  }
0x28: {  	s2 =	sld [smem:$0x3FA9]  }
0x29: {  	s4 =	sld [smem:$0x3FAB]  }
0x2a: {  	p0 =	seq.s32 s5, $0x0;
	s5 =	sld [smem:$0x3FAC]  }
0x2b: {  	s6 =	sld [smem:$0x3FAD]  }
0x2c: {  	s7 =	sld [smem:$0x3FAE]  }
0x2d: {  	s3 =	simm.s32 $0x108;
	s8 =	sld [smem:$0x3FAF]  }
0x2e: {  	s3 =	simm.s32 @!p0 $0x1082;
	s9 =	sld [smem:$0x3FB0]  }
0x2f: {  	lr =	sadd.s32 s0, s3;
	s0 =	sld [smem:$0x3FA7]  }
0x30: {  	s3 =	sld [smem:$0x3FAA]  }
0x31: {  	[smem:$0x3FB3] =	sst s10  }
0x32: {  	s10 =	sld [smem:$0x3FB1];
	_ =	sdelay $0x3  }
0x33: {  	p0 =	seq.s32 s10, $0x1;
	s10 =	sld [smem:$0x3FB3];
	_ =	sdelay $0x3  }
0x34: {  	[smem:$0x3FB3] =	sst s10  }
0x35: {  	s10 =	sld [smem:$0x3FB2];
	_ =	sdelay $0x3  }
0x36: {  	p1 =	seq.s32 s10, $0x1;
	s10 =	sld [smem:$0x3FB3];
	_ =	sdelay $0x3  }
0x37: {  	[smem:$0x3FB3] =	sst s10  }
0x38: {  	s10 =	sld [smem:$0x3FB4]  }
0x39: {  	_ = 	snop;
	(pc) =	sbr.ind lr, $3  }
0x3a: {  	_ = 	snop  }
0x3b: {  	_ = 	snop  }
0x3c: {  	p2 =	seq.s32 s10, $0x1;
	s10 =	sld [smem:$0x3FB3]  }
0x3d: {  	_ =	shalt  }
0x3e: {  	_ =	shalt  }
0x3f: {  	_ =	shalt  }
0x40: {  	_ =	shalt  }
0x41: {  	_ =	shalt  }
0x42: {  	_ =	shalt  }
0x43: {  	_ =	shalt  }
0x44: {  	_ =	shalt  }
0x45: {  	_ =	shalt  }
0x46: {  	_ =	shalt  }
0x47: {  	_ =	shalt  }
0x48: {  	_ =	shalt  }
0x49: {  	_ =	shalt  }
0x4a: {  	_ =	shalt  }
0x4b: {  	_ =	shalt  }
0x4c: {  	_ =	shalt  }
0x4d: {  	_ =	shalt  }
0x4e: {  	_ =	shalt  }
0x4f: {  	_ =	shalt  }
0x50: {  	_ =	shalt  }
0x51: {  	_ =	shalt  }
0x52: {  	_ =	shalt  }
0x53: {  	_ =	shalt  }
0x54: {  	_ =	shalt  }
0x55: {  	_ =	shalt  }
0x56: {  	_ =	shalt  }
0x57: {  	_ =	shalt  }
0x58: {  	_ =	shalt  }
0x59: {  	_ =	shalt  }
0x5a: {  	_ =	shalt  }
0x5b: {  	_ =	shalt  }
0x5c: {  	_ =	shalt  }
0x5d: {  	_ =	shalt  }
0x5e: {  	_ =	shalt  }
0x5f: {  	_ =	shalt  }
0x60: {  	_ =	shalt  }
0x61: {  	_ =	shalt  }
0x62: {  	_ =	shalt  }
0x63: {  	_ =	shalt  }
0x64: {  	_ =	shalt  }
0x65: {  	_ =	shalt  }
0x66: {  	_ =	shalt  }
0x67: {  	_ =	shalt  }
0x68: {  	_ =	shalt  }
0x69: {  	_ =	shalt  }
0x6a: {  	_ =	shalt  }
0x6b: {  	_ =	shalt  }
0x6c: {  	_ =	shalt  }
0x6d: {  	_ =	shalt  }
0x6e: {  	_ =	shalt  }
0x6f: {  	_ =	shalt  }
0x70: {  	_ =	shalt  }
0x71: {  	_ =	shalt  }
0x72: {  	_ =	shalt  }
0x73: {  	_ =	shalt  }
0x74: {  	_ =	shalt  }
0x75: {  	_ =	shalt  }
0x76: {  	_ =	shalt  }
0x77: {  	_ =	shalt  }
0x78: {  	_ =	shalt  }
0x79: {  	_ =	shalt  }
0x7a: {  	_ =	shalt  }
0x7b: {  	_ =	shalt  }
0x7c: {  	_ =	shalt  }
0x7d: {  	_ =	shalt  }
0x7e: {  	_ =	shalt  }
0x7f: {  	_ =	shalt  }
0x80: {  	_ =	shalt  }
0x81: {  	_ =	shalt  }
0x82: {  	_ =	shalt  }
0x83: {  	_ =	shalt  }
0x84: {  	_ =	shalt  }
0x85: {  	_ =	shalt  }
0x86: {  	_ =	shalt  }
0x87: {  	_ =	shalt  }
.Lfunc_end0:
.L_simem_size_0:
called_computation.2_lowered:
.L_overlay_start_0:
0x88: {  	s2 =	sld [smem:$0x3FD9]  }
0x89: {  	s3 =	sld [smem:$0x3FFE];
	_ =	sdelay $0x1  }
0x8a: {  	s1 =	srdreg.scid  }
0x8b: {  	s0 =	sand.u32 $0x1, s1  }
0x8c: {  	s17 =	sshll.u32 s0, $0xA;
	s2 =	sadd.s32 s3, s2  }
0x8d: {  	s2 =	sadd.s32 s2, s17  }
0x8e: {  	[smem:$0x3FBF] =	sst s2  }
0x8f: {  	_ = 	snop  }
0x90: {  	s18 =	sld [smem:$0x3FC9]  }
0x91: {  	s4 =	sld [smem:$0x3FC8]  }
0x92: {  	s5 =	sld [smem:$0x3FC7];
	(tm) =	ssettm $0x1  }
0x93: {  	s19 =	sld [smem:$0x3FFB];
	_ =	sdelay $0x3  }
0x94: {  	_ =	strace s19  }
0x95: {  	s2 =	sld [smem:$0x3FFC];
	_ =	sdelay $0x3  }
0x96: {  	_ =	strace s2  }
0x97: {  	s2 =	sld [smem:$0x3FFD];
	_ =	sdelay $0x3  }
0x98: {  	_ =	strace s2  }
0x99: {  	_ =	strace $0x8FFFFFFF  }
0x9a: {  	s20 =	sld [smem:$0x3FDB];
	_ =	sdelay $0x1  }
0x9b: {  	s6 =	simm.s32 $_scs_section_size  }
0x9c: {  	s7 =	simm.s32 $_size__tile_overlayer_lowered;
	s8 =	simm.s32 $_tile_overlayer_lowered  }
0x9d: {  	s9 =	simm.s32 $0x1BFF;
	s21 =	sshll.u32 s8, $0x1;
	s6 =	sadd.s32 s6, s20  }
0x9e: {  	s22 =	simm.s32 $0x0;
	s7 =	sshll.u32 s7, $0x1;
	s8 =	sadd.s32 s21, s6  }
0x9f: {  	[timem:s22], [sflag:s9] =	dma.local [hbm:s8], s7  }
0xa0: {  	_ =	swait.ge [sflag:s9], s7  }
0xa1: {  	s7 =	ssub.s32 $0x0, s7;
	[sflag:s9] =	ssyncset.done $0x0  }
0xa2: {  	[sflag:s9] =	ssyncadd.s32 s7;
	_ =	sdelay $0x1  }
0xa3: {  	s23 =	simm.s32 $0x1B8B  }
0xa4: {  	_ =	swait.ge [sflag:s23], $0x1  }
0xa5: {  	[sflag:s23] =	ssyncset.done $0x0  }
0xa6: {  	[sflag:s23] =	ssyncadd.s32 $0xFFFFFFFF  }
0xa7: {  	s7 =	sld [smem:$0x0]  }
0xa8: {  	s8 =	sand.u32 $0xFFFFFFFE, s1  }
0xa9: {  	p0 =	sne.s32 s1, s8  }
0xaa: {  	s8 =	sshll.u32 @p0 s8, $0xE  }
0xab: {  	s8 =	sadd.s32 @p0 $0x11B8D, s8;
	s9 =	sshll.u32 @p0 s7, $0x11  }
0xac: {  	s8 =	sor.u32 @p0 s9, s8  }
0xad: {  	[sflag:s8] =	ssyncadd.remote.s32 @p0 $0x1;
	_ =	sdelay $0x1  }
0xae: {  	s8 =	simm.s32 @p0 $0x1B8D  }
0xaf: {  	_ =	swait.eq @p0 [sflag:s8], $0x1  }
0xb0: {  	[sflag:s8] =	ssyncadd.s32 @p0 $0xFFFFFFFF  }
0xb1: {  	s9 =	sshll.u32 @!p0 s1, $0xE  }
0xb2: {  	s9 =	sor.u32 @!p0 $0x4000, s9;
	s8 =	simm.s32 @!p0 $0x1B8D  }
0xb3: {  	s7 =	sshll.u32 @!p0 s7, $0x11;
	s9 =	sadd.s32 @!p0 $0x11B8D, s9;
	_ =	swait.eq @!p0 [sflag:s8], $0x1  }
0xb4: {  	s7 =	sor.u32 @!p0 s7, s9;
	[sflag:s8] =	ssyncadd.s32 @!p0 $0xFFFFFFFF  }
0xb5: {  	s25 =	simm.s32 $0x1B8E;
	s24 =	sld [smem:$0x3FFE];
	[sflag:s7] =	ssyncadd.remote.s32 @!p0 $0x1  }
0xb6: {  	s26 =	simm.s32 $execute0_lowered;
	[smem:$0x3FD2] =	sst s25  }
0xb7: {  	s8 =	sshll.u32 s26, $0x1;
	_ =	strace $0x80000049;
	[dreg:$0x1] =	wrdreg $0xFFFFFFFF  }
0xb8: {  	s28 =	simm.s32 $_size_execute0_lowered;
	s6 =	sadd.s32 s6, s8;
	[dreg:$0x0] =	wrdreg $0x0  }
0xb9: {  	s8 =	sshll.u32 s28, $0x1;
	[dreg:$0x2] =	wrdreg s6  }
0xba: {  	[dreg:$0x3] =	wrdreg s8  }
0xbb: {  	[dreg:$0x4] =	wrdreg $0xC0  }
0xbc: {  	_ =	task [dreg:s22], $0x5FFFF  }
0xbd: {  	[dreg:$0x1] =	wrdreg $0xFFFFFFFF  }
0xbe: {  	[dreg:$0x0] =	wrdreg $0x60  }
0xbf: {  	[dreg:$0x2] =	wrdreg s18  }
0xc0: {  	[dreg:$0x3] =	wrdreg s4  }
0xc1: {  	[dreg:$0x4] =	wrdreg s5  }
0xc2: {  	[dreg:$0x5] =	wrdreg s24  }
0xc3: {  	[dreg:$0x6] =	wrdreg $0xB  }
0xc4: {  	_ =	task.clear_ibuf [dreg:s22], $0x7FFFF;
	_ =	strace $0x90000049  }
0xc5: {  	s29 =	simm.s32 $0xB;
	_ =	strace $0x8000004B  }
0xc6: {  	_ =	swait.ge [sflag:s29], $0x1  }
0xc7: {  	[sflag:s29] =	ssyncadd.s32 $0xFFFFFFFF  }
0xc8: {  	_ =	strace $0x9000004B  }
0xc9: {  	_ =	sfence  }
0xca: {  	s30 =	sld [smem:$0x0];
	_ =	sdelay $0x2  }
0xcb: {  	s31 =	sshll.u32 s1, $0xD;
	s1 =	sshrl.u32 s1, $0x2  }
0xcc: {  	s4 =	sand.u32 $0x4000, s31;
	s1 =	sadd.s32 s1, s30  }
0xcd: {  	s0 =	sor.u32 s4, s0;
	s1 =	sshll.u32 s1, $0x11  }
0xce: {  	s0 =	sor.u32 s1, s0  }
0xcf: {  	s0 =	sadd.s32 $0x8F2B, s0  }
0xd0: {  	[sflag:s0] =	ssyncadd.remote.s32 $0x1  }
0xd1: {  	_ =	sfence.sel $0xFFFF  }
0xd2: {  	[dreg:$0x0] =	wrdreg $0xFFFFFFFF;
	(pc) =	sbr.abs _section_cstart, $3  }
0xd3: {  	[dreg:$0x1] =	wrdreg $0xFFFFFFFF  }
0xd4: {  	_ =	task.clear_ibuf [dreg:s22], $0x2FFFF;
	_ =	strace $0x9FFFFFFF  }
0xd5: {  	(tm) =	ssettm $0x7FFFFFFF  }
tec
execute0_lowered:
.L_overlay_start_1:
0x0: {  	(tag) =	ssettag $0x1  }
0x1: {  	s0 =	rddreg [dreg:$0x0]  }
0x2: {  	s1 =	rddreg [dreg:$0x1]  }
0x3: {  	s8 =	rddreg [dreg:$0x2]  }
0x4: {  	s6 =	rddreg [dreg:$0x3];
	s2 =	simm.s32 $0x0;
	s3 =	srdreg.scid  }
0x5: {  	s4 =	stileid.u32;
	s12 =	simm.s32 $0x200;
	s13 =	simm.s32 $0x400  }
0x6: {  	s14 =	simm.s32 $0x80;
	s15 =	simm.s32 $0x600;
	s16 =	simm.s32 $0x4600  }
0x7: {  	s17 =	simm.s32 $0x8600;
	s18 =	simm.s32 $0x1;
	s19 =	simm.s32 $0xC600  }
0x8: {  	s21 =	simm.s32 $0x480;
	s22 =	simm.s32 $0x100;
	s23 =	simm.s32 $0x300  }
0x9: {  	s24 =	simm.s32 $0x500;
	s25 =	simm.s32 $0x180;
	s26 =	simm.s32 $0x380  }
0xa: {  	s28 =	simm.s32 $0x580;
	s29 =	simm.s32 $0x0;
	[smem:$0x7FF] =	sst s2  }
0xb: {  	s5 =	sand.u32 $0x1, s3;
	s3 =	sadd.s32 $0x187600, s6;
	s7 =	sshll.u32 s4, $0x7  }
0xc: {  	s4 =	sadd.s32 $0x495200, s6;
	s9 =	sshll.u32 s5, $0x6;
	s30 =	ssub.s32 $0x2, s5  }
0xd: {  	_ =	strace $0x8000004A;
	s9 =	sor.u32 s9, s7;
	s31 =	sshrl.u32 s30, $0x1  }
0xe: {  	s5 =	sadd.s32 $0xC00, s6;
	s10 =	sadd.s32 s9, s6;
	s11 =	ssub.s32 s30, s31  }
0xf: {  	s6 =	sadd.s32 s0, s9;
	s7 =	sadd.s32 s1, s9;
	s8 =	sadd.s32 s8, s9  }
0x10: {  	s9 =	sadd.s32 $0x61BC00, s10;
	s10 =	smax.u32 s11, $0x1;
	s11 =	simm.s32 $0x2  }
.LBB2_1:
0x11: {  	[tilespmem:s2], [sflag:$0x2] =	stream.linear.gather [hbm4b:s6+s2], $0x200, $0x38;
	[tilespmem:$0xC800] =	vst v63  }
0x12: {  	_ =	swait.ge [sflag:s11], $0x200  }
0x13: {  	[sflag:s11] =	ssyncset.done $0x0  }
0x14: {  	[sflag:s11] =	ssyncadd.s32 $0xFFFFFE00  }
0x15: {  	[tilespmem:s12], [sflag:$0x2] =	stream.linear.gather [hbm4b:s7+s2], $0x200, $0x38;
	[tilespmem:$0xC800] =	vst v63  }
0x16: {  	_ =	swait.ge [sflag:s11], $0x200  }
0x17: {  	[sflag:s11] =	ssyncset.done $0x0  }
0x18: {  	[sflag:s11] =	ssyncadd.s32 $0xFFFFFE00  }
0x19: {  	[tilespmem:s13], [sflag:$0x2] =	stream.linear.gather [hbm4b:s8+s2], $0x200, $0x38;
	[tilespmem:$0xC800] =	vst v63  }
0x1a: {  	_ =	swait.ge [sflag:s11], $0x200  }
0x1b: {  	[sflag:s11] =	ssyncset.done $0x0  }
0x1c: {  	[sflag:s11] =	ssyncadd.s32 $0xFFFFFE00  }
0x1d: {  	[tilespmem:s15], [sflag:$0x1] =	stream.indirect.gather [hbm4b:s3+s14], $0x80, s2, s14, $0xb8;
	[tilespmem:$0xC800] =	vst v63  }
0x1e: {  	_ = 	snop  }
0x1f: {  	[tilespmem:s16], [sflag:$0x1] =	stream.indirect.gather [hbm4b:s4+s14], $0x80, s12, s14, $0xb8;
	[tilespmem:$0xC800] =	vst v63  }
0x20: {  	_ = 	snop  }
0x21: {  	[tilespmem:s17], [sflag:$0x1] =	stream.indirect.gather [hbm4b:s5+s14], $0x80, s13, s14, $0xb8;
	[tilespmem:$0xC800] =	vst v63  }
0x22: {  	_ =	swait.ge [sflag:s18], $0x4000  }
0x23: {  	[sflag:s18] =	ssyncset.done $0x0  }
0x24: {  	[sflag:s18] =	ssyncadd.s32 $0xFFFFC000  }
0x25: {  	_ =	swait.ge [sflag:s18], $0x4000  }
0x26: {  	[sflag:s18] =	ssyncset.done $0x0  }
0x27: {  	[sflag:s18] =	ssyncadd.s32 $0xFFFFC000  }
0x28: {  	_ =	swait.ge [sflag:s18], $0x4000  }
0x29: {  	[sflag:s18] =	ssyncset.done $0x0  }
0x2a: {  	s31 =	simm.s32 $0x8620;
	[sflag:s18] =	ssyncadd.s32 $0xFFFFC000  }
0x2b: {  	v0 =	vld [tilespmem:s31+$0x0]  }
0x2c: {  	v1 =	vld [tilespmem:s31+$0xFFFFFFF0]  }
0x2d: {  	s0 =	simm.s32 $0x4620;
	v2 =	vld [tilespmem:s31+$0xFFFFFFE0]  }
0x2e: {  	s1 =	simm.s32 $0x620;
	v3 =	vld [tilespmem:s0+$0xFFFFFFE0]  }
0x2f: {  	s20 =	simm.s32 $0x1;
	s30 =	simm.s32 $0x0;
	v4 =	vld [tilespmem:s1+$0xFFFFFFE0]  }
.LBB2_2:
0x30: {  	p0 =	sne.s32 s20, $0x7F;
	v5 =	vld [tilespmem:s1+$0xFFFFFFF0]  }
0x31: {  	v6 =	vld [tilespmem:s0+$0xFFFFFFF0]  }
0x32: {  	v7 =	vld [tilespmem:s1+$0x0]  }
0x33: {  	v8 =	vld [tilespmem:s0+$0x0]  }
0x34: {  	v3 =	vmul.f32 v3, v4;
	v4 =	vld [tilespmem:s1+$0x10]  }
0x35: {  	v9 =	vld [tilespmem:s0+$0x10]  }
0x36: {  	v2 =	vmul.f32 v2, v3;
	v3 =	vmul.f32 v6, v5  }
0x37: {  	v5 =	vld [tilespmem:s31+$0x10]  }
0x38: {  	v2 =	vadd.f32 $0.0e+00, v2;
	v1 =	vmul.f32 v1, v3;
	v3 =	vmul.f32 v8, v7;
	_ =	sdelay $0x1  }
0x39: {  	v1 =	vadd.f32 v1, v2;
	v0 =	vmul.f32 v0, v3;
	v2 =	vmul.f32 v9, v4;
	_ =	sdelay $0x1  }
0x3a: {  	v0 =	vadd.f32 v0, v1;
	v1 =	vmul.f32 v5, v2;
	_ =	sdelay $0x1  }
0x3b: {  	v0 =	vadd.f32 v1, v0;
	_ =	sdelay $0x1  }
0x3c: {  	(xrf2) =	vadd.scan.msk.f32 $0xffff, v0;
	_ =	sdelay $0x7  }
0x3d: {  	v0 =	vmov s30;
	s30 =	smov.u32 s20;
	_ =	sdelay $0x1  }
0x3e: {  	v1, _, _ =	vpop (xrf2)  }
0x3f: {  	v1 =	vbroadcast v1, $0xF;
	_ =	sdelay $0x1  }
0x40: {  	s31 =	sadd.s32 $0x80, s31;
	[tilespmem:v0+s19+$0x0] =	vst.idx.msk $0x1, v1  }
.Ltmp0:
0x41: {  	v0 =	vld [tilespmem:s31+$0x0];
	(pc) =	sbr.rel @p0 .LBB2_2-.Ltmp0, $4  }
0x42: {  	v1 =	vld [tilespmem:s31+$0xFFFFFFF0]  }
0x43: {  	s0 =	sadd.s32 $0x80, s0;
	v2 =	vld [tilespmem:s31+$0xFFFFFFE0]  }
0x44: {  	s1 =	sadd.s32 $0x80, s1;
	v3 =	vld [tilespmem:s0+$0xFFFFFFE0]  }
0x45: {  	s20 =	sadd.s32 $0x1, s20;
	v4 =	vld [tilespmem:s1+$0xFFFFFFE0]  }
0x46: {  	v5 =	vld [tilespmem:s1+$0xFFFFFFF0]  }
0x47: {  	v6 =	vld [tilespmem:s0+$0xFFFFFFF0]  }
0x48: {  	v7 =	vld [tilespmem:s1+$0x0]  }
0x49: {  	v8 =	vld [tilespmem:s0+$0x0]  }
0x4a: {  	v9 =	vld [tilespmem:s0+$0x10];
	v3 =	vmul.f32 v3, v4  }
0x4b: {  	v4 =	vld [tilespmem:s1+$0x10]  }
0x4c: {  	v2 =	vmul.f32 v2, v3;
	v3 =	vmul.f32 v6, v5  }
0x4d: {  	v5 =	vld [tilespmem:s31+$0x10]  }
0x4e: {  	v2 =	vadd.f32 $0.0e+00, v2;
	v1 =	vmul.f32 v1, v3;
	v3 =	vmul.f32 v8, v7;
	_ =	sdelay $0x1  }
0x4f: {  	v1 =	vadd.f32 v1, v2;
	v0 =	vmul.f32 v0, v3;
	v2 =	vmul.f32 v9, v4;
	_ =	sdelay $0x1  }
0x50: {  	v0 =	vadd.f32 v0, v1;
	v1 =	vmul.f32 v5, v2;
	_ =	sdelay $0x1  }
0x51: {  	v0 =	vadd.f32 v1, v0;
	_ =	sdelay $0x1  }
0x52: {  	(xrf2) =	vadd.scan.msk.f32 $0xffff, v0;
	_ =	sdelay $0x7  }
0x53: {  	v0 =	vmov s30;
	_ =	sdelay $0x1  }
0x54: {  	v1, _, _ =	vpop (xrf2)  }
0x55: {  	v1 =	vbroadcast v1, $0xF;
	_ =	sdelay $0x1  }
0x56: {  	[tilespmem:v0+s19+$0x0] =	vst.idx.msk $0x1, v1  }
0x57: {  	[tilespmem:s15], [sflag:$0x1] =	stream.indirect.gather [hbm4b:s3+s14], $0x80, s14, s14, $0xb8;
	[tilespmem:$0xC800] =	vst v63  }
0x58: {  	s20 =	simm.s32 $0x280  }
0x59: {  	[tilespmem:s16], [sflag:$0x1] =	stream.indirect.gather [hbm4b:s4+s14], $0x80, s20, s14, $0xb8;
	[tilespmem:$0xC800] =	vst v63  }
0x5a: {  	_ = 	snop  }
0x5b: {  	[tilespmem:s17], [sflag:$0x1] =	stream.indirect.gather [hbm4b:s5+s14], $0x80, s21, s14, $0xb8;
	[tilespmem:$0xC800] =	vst v63  }
0x5c: {  	_ =	swait.ge [sflag:s18], $0x4000  }
0x5d: {  	[sflag:s18] =	ssyncset.done $0x0  }
0x5e: {  	[sflag:s18] =	ssyncadd.s32 $0xFFFFC000  }
0x5f: {  	_ =	swait.ge [sflag:s18], $0x4000  }
0x60: {  	[sflag:s18] =	ssyncset.done $0x0  }
0x61: {  	[sflag:s18] =	ssyncadd.s32 $0xFFFFC000  }
0x62: {  	_ =	swait.ge [sflag:s18], $0x4000  }
0x63: {  	[sflag:s18] =	ssyncset.done $0x0  }
0x64: {  	s31 =	simm.s32 $0x8620;
	[sflag:s18] =	ssyncadd.s32 $0xFFFFC000  }
0x65: {  	v0 =	vld [tilespmem:s31+$0x0]  }
0x66: {  	v1 =	vld [tilespmem:s31+$0xFFFFFFF0]  }
0x67: {  	s0 =	simm.s32 $0x4620;
	v2 =	vld [tilespmem:s31+$0xFFFFFFE0]  }
0x68: {  	s1 =	simm.s32 $0x620;
	v3 =	vld [tilespmem:s0+$0xFFFFFFE0]  }
0x69: {  	s30 =	simm.s32 $0x0;
	s20 =	simm.s32 $0x1;
	v4 =	vld [tilespmem:s1+$0xFFFFFFE0]  }
.LBB2_4:
0x6a: {  	p0 =	sne.s32 s20, $0x7F;
	v5 =	vld [tilespmem:s1+$0xFFFFFFF0]  }
0x6b: {  	v6 =	vld [tilespmem:s0+$0xFFFFFFF0]  }
0x6c: {  	v7 =	vld [tilespmem:s1+$0x0]  }
0x6d: {  	v8 =	vld [tilespmem:s0+$0x0]  }
0x6e: {  	v3 =	vmul.f32 v3, v4;
	v4 =	vld [tilespmem:s1+$0x10]  }
0x6f: {  	v9 =	vld [tilespmem:s0+$0x10]  }
0x70: {  	v2 =	vmul.f32 v2, v3;
	v3 =	vmul.f32 v6, v5  }
0x71: {  	v5 =	vld [tilespmem:s31+$0x10]  }
0x72: {  	v2 =	vadd.f32 $0.0e+00, v2;
	v1 =	vmul.f32 v1, v3;
	v3 =	vmul.f32 v8, v7;
	_ =	sdelay $0x1  }
0x73: {  	v1 =	vadd.f32 v1, v2;
	v0 =	vmul.f32 v0, v3;
	v2 =	vmul.f32 v9, v4;
	_ =	sdelay $0x1  }
0x74: {  	v0 =	vadd.f32 v0, v1;
	v1 =	vmul.f32 v5, v2;
	_ =	sdelay $0x1  }
0x75: {  	v0 =	vadd.f32 v1, v0;
	_ =	sdelay $0x1  }
0x76: {  	(xrf2) =	vadd.scan.msk.f32 $0xffff, v0;
	_ =	sdelay $0x4  }
0x77: {  	v0 =	vmov s30;
	s30 =	smov.u32 s20  }
0x78: {  	v0 =	vadd.s32 $0x80, v0  }
0x79: {  	v0 =	vbroadcast v0, $0x0;
	_ =	sdelay $0x2  }
0x7a: {  	v1, _, _ =	vpop (xrf2)  }
0x7b: {  	v1 =	vbroadcast v1, $0xF;
	_ =	sdelay $0x1  }
0x7c: {  	s31 =	sadd.s32 $0x80, s31;
	[tilespmem:v0+s19+$0x0] =	vst.idx.msk $0x1, v1  }
.Ltmp1:
0x7d: {  	v0 =	vld [tilespmem:s31+$0x0];
	(pc) =	sbr.rel @p0 .LBB2_4-.Ltmp1, $4  }
0x7e: {  	v1 =	vld [tilespmem:s31+$0xFFFFFFF0]  }
0x7f: {  	s0 =	sadd.s32 $0x80, s0;
	v2 =	vld [tilespmem:s31+$0xFFFFFFE0]  }
0x80: {  	s1 =	sadd.s32 $0x80, s1;
	v3 =	vld [tilespmem:s0+$0xFFFFFFE0]  }
0x81: {  	s20 =	sadd.s32 $0x1, s20;
	v4 =	vld [tilespmem:s1+$0xFFFFFFE0]  }
0x82: {  	v5 =	vld [tilespmem:s1+$0xFFFFFFF0]  }
0x83: {  	v6 =	vld [tilespmem:s0+$0xFFFFFFF0]  }
0x84: {  	v7 =	vld [tilespmem:s1+$0x0]  }
0x85: {  	v8 =	vld [tilespmem:s0+$0x0]  }
0x86: {  	v9 =	vld [tilespmem:s0+$0x10];
	v3 =	vmul.f32 v3, v4  }
0x87: {  	v4 =	vld [tilespmem:s1+$0x10]  }
0x88: {  	v2 =	vmul.f32 v2, v3;
	v3 =	vmul.f32 v6, v5  }
0x89: {  	v5 =	vld [tilespmem:s31+$0x10]  }
0x8a: {  	v2 =	vadd.f32 $0.0e+00, v2;
	v1 =	vmul.f32 v1, v3;
	v3 =	vmul.f32 v8, v7;
	_ =	sdelay $0x1  }
0x8b: {  	v1 =	vadd.f32 v1, v2;
	v0 =	vmul.f32 v0, v3;
	v2 =	vmul.f32 v9, v4;
	_ =	sdelay $0x1  }
0x8c: {  	v0 =	vadd.f32 v0, v1;
	v1 =	vmul.f32 v5, v2;
	_ =	sdelay $0x1  }
0x8d: {  	v0 =	vadd.f32 v1, v0;
	_ =	sdelay $0x1  }
0x8e: {  	(xrf2) =	vadd.scan.msk.f32 $0xffff, v0;
	_ =	sdelay $0x4  }
0x8f: {  	v0 =	vmov s30  }
0x90: {  	v0 =	vadd.s32 $0x80, v0  }
0x91: {  	v0 =	vbroadcast v0, $0x0;
	_ =	sdelay $0x2  }
0x92: {  	v1, _, _ =	vpop (xrf2)  }
0x93: {  	v1 =	vbroadcast v1, $0xF;
	_ =	sdelay $0x1  }
0x94: {  	[tilespmem:v0+s19+$0x0] =	vst.idx.msk $0x1, v1  }
0x95: {  	[tilespmem:s15], [sflag:$0x1] =	stream.indirect.gather [hbm4b:s3+s14], $0x80, s22, s14, $0xb8;
	[tilespmem:$0xC800] =	vst v63  }
0x96: {  	_ = 	snop  }
0x97: {  	[tilespmem:s16], [sflag:$0x1] =	stream.indirect.gather [hbm4b:s4+s14], $0x80, s23, s14, $0xb8;
	[tilespmem:$0xC800] =	vst v63  }
0x98: {  	_ = 	snop  }
0x99: {  	[tilespmem:s17], [sflag:$0x1] =	stream.indirect.gather [hbm4b:s5+s14], $0x80, s24, s14, $0xb8;
	[tilespmem:$0xC800] =	vst v63  }
0x9a: {  	_ =	swait.ge [sflag:s18], $0x4000  }
0x9b: {  	[sflag:s18] =	ssyncset.done $0x0  }
0x9c: {  	[sflag:s18] =	ssyncadd.s32 $0xFFFFC000  }
0x9d: {  	_ =	swait.ge [sflag:s18], $0x4000  }
0x9e: {  	[sflag:s18] =	ssyncset.done $0x0  }
0x9f: {  	[sflag:s18] =	ssyncadd.s32 $0xFFFFC000  }
0xa0: {  	_ =	swait.ge [sflag:s18], $0x4000  }
0xa1: {  	[sflag:s18] =	ssyncset.done $0x0  }
0xa2: {  	s31 =	simm.s32 $0x8620;
	[sflag:s18] =	ssyncadd.s32 $0xFFFFC000  }
0xa3: {  	v0 =	vld [tilespmem:s31+$0x0]  }
0xa4: {  	v1 =	vld [tilespmem:s31+$0xFFFFFFF0]  }
0xa5: {  	s0 =	simm.s32 $0x4620;
	v2 =	vld [tilespmem:s31+$0xFFFFFFE0]  }
0xa6: {  	s1 =	simm.s32 $0x620;
	v3 =	vld [tilespmem:s0+$0xFFFFFFE0]  }
0xa7: {  	s20 =	simm.s32 $0x1;
	s30 =	simm.s32 $0x0;
	v4 =	vld [tilespmem:s1+$0xFFFFFFE0]  }
.LBB2_6:
0xa8: {  	p0 =	sne.s32 s20, $0x7F;
	v5 =	vld [tilespmem:s1+$0xFFFFFFF0]  }
0xa9: {  	v6 =	vld [tilespmem:s0+$0xFFFFFFF0]  }
0xaa: {  	v7 =	vld [tilespmem:s1+$0x0]  }
0xab: {  	v8 =	vld [tilespmem:s0+$0x0]  }
0xac: {  	v3 =	vmul.f32 v3, v4;
	v4 =	vld [tilespmem:s1+$0x10]  }
0xad: {  	v9 =	vld [tilespmem:s0+$0x10]  }
0xae: {  	v2 =	vmul.f32 v2, v3;
	v3 =	vmul.f32 v6, v5  }
0xaf: {  	v5 =	vld [tilespmem:s31+$0x10]  }
0xb0: {  	v2 =	vadd.f32 $0.0e+00, v2;
	v1 =	vmul.f32 v1, v3;
	v3 =	vmul.f32 v8, v7;
	_ =	sdelay $0x1  }
0xb1: {  	v1 =	vadd.f32 v1, v2;
	v0 =	vmul.f32 v0, v3;
	v2 =	vmul.f32 v9, v4;
	_ =	sdelay $0x1  }
0xb2: {  	v0 =	vadd.f32 v0, v1;
	v1 =	vmul.f32 v5, v2;
	_ =	sdelay $0x1  }
0xb3: {  	v0 =	vadd.f32 v1, v0;
	_ =	sdelay $0x1  }
0xb4: {  	(xrf2) =	vadd.scan.msk.f32 $0xffff, v0;
	_ =	sdelay $0x4  }
0xb5: {  	v0 =	vmov s30;
	s30 =	smov.u32 s20  }
0xb6: {  	v0 =	vadd.s32 $0x100, v0  }
0xb7: {  	v0 =	vbroadcast v0, $0x0;
	_ =	sdelay $0x2  }
0xb8: {  	v1, _, _ =	vpop (xrf2)  }
0xb9: {  	v1 =	vbroadcast v1, $0xF;
	_ =	sdelay $0x1  }
0xba: {  	s31 =	sadd.s32 $0x80, s31;
	[tilespmem:v0+s19+$0x0] =	vst.idx.msk $0x1, v1  }
.Ltmp2:
0xbb: {  	v0 =	vld [tilespmem:s31+$0x0];
	(pc) =	sbr.rel @p0 .LBB2_6-.Ltmp2, $4  }
0xbc: {  	v1 =	vld [tilespmem:s31+$0xFFFFFFF0]  }
0xbd: {  	s0 =	sadd.s32 $0x80, s0;
	v2 =	vld [tilespmem:s31+$0xFFFFFFE0]  }
0xbe: {  	s1 =	sadd.s32 $0x80, s1;
	v3 =	vld [tilespmem:s0+$0xFFFFFFE0]  }
0xbf: {  	s20 =	sadd.s32 $0x1, s20;
	v4 =	vld [tilespmem:s1+$0xFFFFFFE0]  }
0xc0: {  	v5 =	vld [tilespmem:s1+$0xFFFFFFF0]  }
0xc1: {  	v6 =	vld [tilespmem:s0+$0xFFFFFFF0]  }
0xc2: {  	v7 =	vld [tilespmem:s1+$0x0]  }
0xc3: {  	v8 =	vld [tilespmem:s0+$0x0]  }
0xc4: {  	v9 =	vld [tilespmem:s0+$0x10];
	v3 =	vmul.f32 v3, v4  }
0xc5: {  	v4 =	vld [tilespmem:s1+$0x10]  }
0xc6: {  	v2 =	vmul.f32 v2, v3;
	v3 =	vmul.f32 v6, v5  }
0xc7: {  	v5 =	vld [tilespmem:s31+$0x10]  }
0xc8: {  	v2 =	vadd.f32 $0.0e+00, v2;
	v1 =	vmul.f32 v1, v3;
	v3 =	vmul.f32 v8, v7;
	_ =	sdelay $0x1  }
0xc9: {  	v1 =	vadd.f32 v1, v2;
	v0 =	vmul.f32 v0, v3;
	v2 =	vmul.f32 v9, v4;
	_ =	sdelay $0x1  }
0xca: {  	v0 =	vadd.f32 v0, v1;
	v1 =	vmul.f32 v5, v2;
	_ =	sdelay $0x1  }
0xcb: {  	v0 =	vadd.f32 v1, v0;
	_ =	sdelay $0x1  }
0xcc: {  	(xrf2) =	vadd.scan.msk.f32 $0xffff, v0;
	_ =	sdelay $0x4  }
0xcd: {  	v0 =	vmov s30  }
0xce: {  	v0 =	vadd.s32 $0x100, v0  }
0xcf: {  	v0 =	vbroadcast v0, $0x0;
	_ =	sdelay $0x2  }
0xd0: {  	v1, _, _ =	vpop (xrf2)  }
0xd1: {  	v1 =	vbroadcast v1, $0xF;
	_ =	sdelay $0x1  }
0xd2: {  	[tilespmem:v0+s19+$0x0] =	vst.idx.msk $0x1, v1  }
0xd3: {  	[tilespmem:s15], [sflag:$0x1] =	stream.indirect.gather [hbm4b:s3+s14], $0x80, s25, s14, $0xb8;
	[tilespmem:$0xC800] =	vst v63  }
0xd4: {  	_ = 	snop  }
0xd5: {  	[tilespmem:s16], [sflag:$0x1] =	stream.indirect.gather [hbm4b:s4+s14], $0x80, s26, s14, $0xb8;
	[tilespmem:$0xC800] =	vst v63  }
0xd6: {  	_ = 	snop  }
0xd7: {  	[tilespmem:s17], [sflag:$0x1] =	stream.indirect.gather [hbm4b:s5+s14], $0x80, s28, s14, $0xb8;
	[tilespmem:$0xC800] =	vst v63  }
0xd8: {  	_ =	swait.ge [sflag:s18], $0x4000  }
0xd9: {  	[sflag:s18] =	ssyncset.done $0x0  }
0xda: {  	[sflag:s18] =	ssyncadd.s32 $0xFFFFC000  }
0xdb: {  	_ =	swait.ge [sflag:s18], $0x4000  }
0xdc: {  	[sflag:s18] =	ssyncset.done $0x0  }
0xdd: {  	[sflag:s18] =	ssyncadd.s32 $0xFFFFC000  }
0xde: {  	_ =	swait.ge [sflag:s18], $0x4000  }
0xdf: {  	[sflag:s18] =	ssyncset.done $0x0  }
0xe0: {  	s31 =	simm.s32 $0x8620;
	[sflag:s18] =	ssyncadd.s32 $0xFFFFC000  }
0xe1: {  	v0 =	vld [tilespmem:s31+$0x0]  }
0xe2: {  	v1 =	vld [tilespmem:s31+$0xFFFFFFF0]  }
0xe3: {  	s0 =	simm.s32 $0x4620;
	v2 =	vld [tilespmem:s31+$0xFFFFFFE0]  }
0xe4: {  	s1 =	simm.s32 $0x620;
	v3 =	vld [tilespmem:s0+$0xFFFFFFE0]  }
0xe5: {  	s20 =	simm.s32 $0x1;
	s30 =	simm.s32 $0x0;
	v4 =	vld [tilespmem:s1+$0xFFFFFFE0]  }
.LBB2_8:
0xe6: {  	p0 =	sne.s32 s20, $0x7F;
	v5 =	vld [tilespmem:s1+$0xFFFFFFF0]  }
0xe7: {  	v6 =	vld [tilespmem:s0+$0xFFFFFFF0]  }
0xe8: {  	v7 =	vld [tilespmem:s1+$0x0]  }
0xe9: {  	v8 =	vld [tilespmem:s0+$0x0]  }
0xea: {  	v3 =	vmul.f32 v3, v4;
	v4 =	vld [tilespmem:s1+$0x10]  }
0xeb: {  	v9 =	vld [tilespmem:s0+$0x10]  }
0xec: {  	v2 =	vmul.f32 v2, v3;
	v3 =	vmul.f32 v6, v5  }
0xed: {  	v5 =	vld [tilespmem:s31+$0x10]  }
0xee: {  	v2 =	vadd.f32 $0.0e+00, v2;
	v1 =	vmul.f32 v1, v3;
	v3 =	vmul.f32 v8, v7;
	_ =	sdelay $0x1  }
0xef: {  	v1 =	vadd.f32 v1, v2;
	v0 =	vmul.f32 v0, v3;
	v2 =	vmul.f32 v9, v4;
	_ =	sdelay $0x1  }
0xf0: {  	v0 =	vadd.f32 v0, v1;
	v1 =	vmul.f32 v5, v2;
	_ =	sdelay $0x1  }
0xf1: {  	v0 =	vadd.f32 v1, v0;
	_ =	sdelay $0x1  }
0xf2: {  	(xrf2) =	vadd.scan.msk.f32 $0xffff, v0;
	_ =	sdelay $0x4  }
0xf3: {  	v0 =	vmov s30;
	s30 =	smov.u32 s20  }
0xf4: {  	v0 =	vadd.s32 $0x180, v0  }
0xf5: {  	v0 =	vbroadcast v0, $0x0;
	_ =	sdelay $0x2  }
0xf6: {  	v1, _, _ =	vpop (xrf2)  }
0xf7: {  	v1 =	vbroadcast v1, $0xF;
	_ =	sdelay $0x1  }
0xf8: {  	s31 =	sadd.s32 $0x80, s31;
	[tilespmem:v0+s19+$0x0] =	vst.idx.msk $0x1, v1  }
.Ltmp3:
0xf9: {  	v0 =	vld [tilespmem:s31+$0x0];
	(pc) =	sbr.rel @p0 .LBB2_8-.Ltmp3, $4  }
0xfa: {  	v1 =	vld [tilespmem:s31+$0xFFFFFFF0]  }
0xfb: {  	s0 =	sadd.s32 $0x80, s0;
	v2 =	vld [tilespmem:s31+$0xFFFFFFE0]  }
0xfc: {  	s1 =	sadd.s32 $0x80, s1;
	v3 =	vld [tilespmem:s0+$0xFFFFFFE0]  }
0xfd: {  	s20 =	sadd.s32 $0x1, s20;
	v4 =	vld [tilespmem:s1+$0xFFFFFFE0]  }
0xfe: {  	v5 =	vld [tilespmem:s1+$0xFFFFFFF0]  }
0xff: {  	v6 =	vld [tilespmem:s0+$0xFFFFFFF0]  }
0x100: {  	v7 =	vld [tilespmem:s1+$0x0]  }
0x101: {  	v8 =	vld [tilespmem:s0+$0x0]  }
0x102: {  	v56 =	vld [tilespmem:s1+$0x10];
	v3 =	vmul.f32 v3, v4  }
0x103: {  	v9 =	vld [tilespmem:s0+$0x10]  }
0x104: {  	v57 =	vmul.f32 v6, v5;
	v2 =	vmul.f32 v2, v3  }
0x105: {  	v58 =	vld [tilespmem:s31+$0x10]  }
0x106: {  	v59 =	vmul.f32 v8, v7;
	v1 =	vmul.f32 v1, v57;
	v2 =	vadd.f32 $0.0e+00, v2;
	_ =	sdelay $0x1  }
0x107: {  	v60 =	vmul.f32 v9, v56;
	v0 =	vmul.f32 v0, v59;
	v1 =	vadd.f32 v1, v2;
	_ =	sdelay $0x1  }
0x108: {  	v61 =	vmul.f32 v58, v60;
	v0 =	vadd.f32 v0, v1;
	_ =	sdelay $0x1  }
0x109: {  	v0 =	vadd.f32 v61, v0;
	_ =	sdelay $0x1  }
0x10a: {  	(xrf2) =	vadd.scan.msk.f32 $0xffff, v0;
	_ =	sdelay $0x4  }
0x10b: {  	v62 =	vmov s30  }
0x10c: {  	v0 =	vadd.s32 $0x180, v62  }
0x10d: {  	v0 =	vbroadcast v0, $0x0;
	_ =	sdelay $0x2  }
0x10e: {  	v63, _, _ =	vpop (xrf2)  }
0x10f: {  	s29 =	sadd.s32 $0x1, s29;
	v1 =	vbroadcast v63, $0xF  }
0x110: {  	p0 =	sne.s32 s29, s10  }
.Ltmp4:
0x111: {  	[tilespmem:v0+s19+$0x0] =	vst.idx.msk $0x1, v1;
	(pc) =	sbr.rel @p0 .LBB2_1-.Ltmp4, $4  }
0x112: {  	[hbm4b:s9+s2] =	stream.linear.scatter [tilespmem:s19], [sflag:$0x2], $0x200, $0x38;
	[tilespmem:$0xC800] =	vst v63  }
0x113: {  	_ =	swait.ge [sflag:s11], $0x200  }
0x114: {  	[sflag:s11] =	ssyncset.done $0x0  }
0x115: {  	[sflag:s11] =	ssyncadd.s32 $0xFFFFFE00  }
0x116: {  	_ =	sfence.sel $0x180000  }
0x117: {  	[bflag:$0x0] =	sbarrier.arrive $0xFFFF  }
0x118: {  	_ =	strace $0x9000004A  }
0x119: {  	s0 =	stileid.u32;
	[bflag:$0x2] =	sbarrier.arrive $0xFFFF  }
0x11a: {  	p0 =	sne.s32 s0, $0x0;
	s0 =	rddreg [dreg:$0x4]  }
0x11b: {  	s0 =	sadd.s32 @!p0 $0x100000, s0  }
0x11c: {  	[sflag:s0] =	ssyncadd.tile.s32 @!p0 $0x1;
	_ =	shalt  }
.Lfunc_end2:
_tile_overlayer_lowered:
.L_overlay_start_2:
0x11d: {  	(tag) =	ssettag $0x2  }
0x11e: {  	s0 =	rddreg [dreg:$0x0];
	s2 =	stileid.u32  }
0x11f: {  	s1 =	rddreg [dreg:$0x1];
	p0 =	sne.s32 s2, $0x0  }
0x120: {  	s3 =	rddreg [dreg:$0x2];
	[bflag:$0x3] =	sbarrier.arrive $0xFFFF;
	s2 =	simm.s32 @!p0 $0x1C02  }
0x121: {  	[timem:s3], [sflag:s2] =	dma.local @!p0 [hbm:s0], s1  }
0x122: {  	s0 =	simm.s32 @!p0 $0x2  }
0x123: {  	_ =	swait.ge @!p0 [sflag:s0], s1  }
0x124: {  	s1 =	ssub.s32 @!p0 $0x0, s1;
	[sflag:s0] =	ssyncset.done @!p0 $0x0  }
0x125: {  	[sflag:s0] =	ssyncadd.s32 @!p0 s1  }
0x126: {  	[bflag:$0x3] =	sbarrier.arrive $0xFFFF  }
0x127: {  	_ =	shalt  }

</sc_bundles>
